<compile_context>
chip_gen: v7x
topology: tpu7x:2x2x1
jax: 0.10.2.dev20260603
libtpu: 0.0.44.dev20260713+nightly
codegen_flags: <defaults>
</compile_context>

<pallas_src>
import functools

import jax
import jax.numpy as jnp
from jax import lax
from jax.experimental import pallas as pl
from jax.experimental.pallas import tpu as pltpu
from jax.experimental.pallas import tpu_sc as plsc

NC = 2
NS = 16
NW = NC * NS

N = 10000
N_PAD = 10240
RPT = N_PAD // NS
E = 320000
E_PAD = 327680
EPW = E_PAD // NW
EWIN = EPW // 128
L = 100000
L_PAD = 102400
LPW = L_PAD // NW
LWIN = LPW // 128

BR = 512

_mesh = lambda: plsc.VectorSubcoreMesh(core_axis_name="c", subcore_axis_name="s")



DW = 16


def _deg_body(dst_hbm, out_hbm, idx_v, ones_v, zbuf, deg_sh):
    c = lax.axis_index("c")
    s = lax.axis_index("s")
    w = s * NC + c

    def fill_ones(i, carry):
        ones_v[i] = jnp.ones((16,), jnp.float32)
        return carry

    lax.fori_loop(0, 128, fill_ones, 0)

    def fill_z(i, carry):
        zbuf[i] = jnp.zeros((16,), jnp.float32)
        return carry

    lax.fori_loop(0, RPT, fill_z, 0)
    pltpu.sync_copy(zbuf, deg_sh.at[pl.ds(s * RPT, RPT)])
    plsc.subcore_barrier()
    pltpu.sync_copy(dst_hbm.at[w], idx_v)

    def win(j, carry):
        pltpu.sync_copy(ones_v, deg_sh.at[idx_v.at[j]], add=True)
        return carry

    lax.fori_loop(0, EWIN, win, 0)
    plsc.subcore_barrier()
    pltpu.sync_copy(deg_sh.at[pl.ds(s * RPT, RPT)], zbuf)
    pltpu.sync_copy(zbuf, out_hbm.at[c, s])


def _deg_counts(dst_p):
    k = pl.kernel(
        _deg_body,
        out_type=jax.ShapeDtypeStruct((NC, NS, RPT, DW), jnp.float32),
        mesh=_mesh(),
        compiler_params=pltpu.CompilerParams(use_tc_tiling_on_sc=False),
        scratch_types=[
            pltpu.VMEM((EWIN, 128), jnp.int32),
            pltpu.VMEM((128, DW), jnp.float32),
            pltpu.VMEM((RPT, DW), jnp.float32),
            pltpu.VMEM_SHARED((N_PAD, DW), jnp.float32),
        ],
    )
    return k(dst_p)


RCH = RPT // 128


def _spmm_body(D, IBUF, g_hbm, src_hbm, dst_hbm, out_hbm,
               si, di, rows0, rows1, acc, sem0, sem1):
    c = lax.axis_index("c")
    s = lax.axis_index("s")
    w = s * NC + c

    def fill_z(i, carry):
        for kk in range(D // 16):
            rows0[i, pl.ds(kk * 16, 16)] = jnp.zeros((16,), jnp.float32)
        return carry

    lax.fori_loop(0, 128, fill_z, 0)
    for kk in range(RCH):
        pltpu.sync_copy(rows0, acc.at[pl.ds(s * RPT + kk * 128, 128)])
    plsc.subcore_barrier()

    def chunk(ci, carry):
        pltpu.sync_copy(src_hbm.at[w, pl.ds(ci * IBUF, IBUF)], si)
        pltpu.sync_copy(dst_hbm.at[w, pl.ds(ci * IBUF, IBUF)], di)
        pltpu.async_copy(g_hbm.at[si.at[0]], rows0, sem0)

        def win(k, c2):
            j0 = 2 * k
            j1 = 2 * k + 1
            pltpu.make_async_copy(g_hbm.at[si.at[j0]], rows0, sem0).wait()
            pltpu.async_copy(g_hbm.at[si.at[j1]], rows1, sem1)
            pltpu.sync_copy(rows0, acc.at[di.at[j0]], add=True)
            pltpu.make_async_copy(g_hbm.at[si.at[j1]], rows1, sem1).wait()
            j2 = jnp.minimum(j1 + 1, IBUF - 1)
            pltpu.async_copy(g_hbm.at[si.at[j2]], rows0, sem0)
            pltpu.sync_copy(rows1, acc.at[di.at[j1]], add=True)
            return c2

        lax.fori_loop(0, IBUF // 2, win, 0)
        pltpu.make_async_copy(g_hbm.at[si.at[IBUF - 1]], rows0, sem0).wait()
        return carry

    lax.fori_loop(0, EWIN // IBUF, chunk, 0)
    plsc.subcore_barrier()
    for kk in range(RCH):
        pltpu.sync_copy(acc.at[pl.ds(s * RPT + kk * 128, 128)], rows0)
        pltpu.sync_copy(rows0, out_hbm.at[c, s, kk])


def _spmm(g_pad, src_p, dst_p, D):
    params = (None if D == 128
              else pltpu.CompilerParams(use_tc_tiling_on_sc=False))
    ibuf = 16 if D == 128 else EWIN
    k = pl.kernel(
        functools.partial(_spmm_body, D, ibuf),
        out_type=jax.ShapeDtypeStruct((NC, NS, RCH, 128, D), jnp.float32),
        mesh=_mesh(),
        compiler_params=params,
        scratch_types=[
            pltpu.VMEM((ibuf, 128), jnp.int32),
            pltpu.VMEM((ibuf, 128), jnp.int32),
            pltpu.VMEM((128, D), jnp.float32),
            pltpu.VMEM((128, D), jnp.float32),
            pltpu.VMEM_SHARED((N_PAD, D), jnp.float32),
            pltpu.SemaphoreType.DMA,
            pltpu.SemaphoreType.DMA,
        ],
    )
    return k(g_pad, src_p, dst_p)


def _head_gather_body(h_hbm, aidx_hbm, bidx_hbm, outa_hbm, outb_hbm,
                      ai, bi, ra0, rb0, ra1, rb1,
                      gsa0, gsb0, gsa1, gsb1):
    c = lax.axis_index("c")
    s = lax.axis_index("s")
    w = s * NC + c
    pltpu.sync_copy(aidx_hbm.at[w], ai)
    pltpu.sync_copy(bidx_hbm.at[w], bi)

    pltpu.async_copy(h_hbm.at[ai.at[0]], ra0, gsa0)
    pltpu.async_copy(h_hbm.at[bi.at[0]], rb0, gsb0)

    def win(k, carry):
        j0 = 2 * k
        j1 = 2 * k + 1
        base = w * LPW + j0 * 128
        pltpu.make_async_copy(h_hbm.at[ai.at[j0]], ra0, gsa0).wait()
        pltpu.make_async_copy(h_hbm.at[bi.at[j0]], rb0, gsb0).wait()
        pltpu.async_copy(h_hbm.at[ai.at[j1]], ra1, gsa1)
        pltpu.async_copy(h_hbm.at[bi.at[j1]], rb1, gsb1)
        pltpu.sync_copy(ra0, outa_hbm.at[pl.ds(base, 128)])
        pltpu.sync_copy(rb0, outb_hbm.at[pl.ds(base, 128)])
        pltpu.make_async_copy(h_hbm.at[ai.at[j1]], ra1, gsa1).wait()
        pltpu.make_async_copy(h_hbm.at[bi.at[j1]], rb1, gsb1).wait()
        j2 = jnp.minimum(j1 + 1, LWIN - 1)
        pltpu.async_copy(h_hbm.at[ai.at[j2]], ra0, gsa0)
        pltpu.async_copy(h_hbm.at[bi.at[j2]], rb0, gsb0)
        pltpu.sync_copy(ra1, outa_hbm.at[pl.ds(base + 128, 128)])
        pltpu.sync_copy(rb1, outb_hbm.at[pl.ds(base + 128, 128)])
        return carry

    lax.fori_loop(0, LWIN // 2, win, 0)
    last = LWIN - 1
    base = w * LPW + last * 128
    pltpu.make_async_copy(h_hbm.at[ai.at[last]], ra0, gsa0).wait()
    pltpu.make_async_copy(h_hbm.at[bi.at[last]], rb0, gsb0).wait()
    pltpu.sync_copy(ra0, outa_hbm.at[pl.ds(base, 128)])
    pltpu.sync_copy(rb0, outb_hbm.at[pl.ds(base, 128)])


def _head_gather(h2p, a_idx, b_idx):
    D = h2p.shape[1]
    k = pl.kernel(
        _head_gather_body,
        out_type=(jax.ShapeDtypeStruct((L_PAD, D), jnp.float32),
                  jax.ShapeDtypeStruct((L_PAD, D), jnp.float32)),
        mesh=_mesh(),
        scratch_types=[
            pltpu.VMEM((LWIN, 128), jnp.int32),
            pltpu.VMEM((LWIN, 128), jnp.int32),
            pltpu.VMEM((128, D), jnp.float32),
            pltpu.VMEM((128, D), jnp.float32),
            pltpu.VMEM((128, D), jnp.float32),
            pltpu.VMEM((128, D), jnp.float32),
            pltpu.SemaphoreType.DMA,
            pltpu.SemaphoreType.DMA,
            pltpu.SemaphoreType.DMA,
            pltpu.SemaphoreType.DMA,
        ],
    )
    return k(h2p, a_idx, b_idx)



def _tc1a_body(x_ref, w_ref, h_ref):
    h_ref[...] = jnp.dot(x_ref[...], w_ref[...],
                         preferred_element_type=jnp.float32)


def _tc1a(x_pad, W1):
    nblk = N_PAD // BR
    return pl.pallas_call(
        _tc1a_body,
        grid=(nblk,),
        in_specs=[
            pl.BlockSpec((BR, 128), lambda i: (i, 0)),
            pl.BlockSpec((128, 128), lambda i: (0, 0)),
        ],
        out_specs=pl.BlockSpec((BR, 128), lambda i: (i, 0)),
        out_shape=jax.ShapeDtypeStruct((N_PAD, 128), jnp.float32),
    )(x_pad, W1)


def _tc1b_body(h_ref, da_ref, db_ref, g_ref, dinv_ref):
    deg = da_ref[:, 0:1] + db_ref[:, 0:1] + 1.0
    dinv = lax.rsqrt(deg)
    g_ref[...] = h_ref[...] * dinv
    dinv_ref[...] = jnp.broadcast_to(dinv, dinv_ref.shape)


def _tc1b(h1, dega, degb):
    nblk = N_PAD // BR
    return pl.pallas_call(
        _tc1b_body,
        grid=(nblk,),
        in_specs=[
            pl.BlockSpec((BR, 128), lambda i: (i, 0)),
            pl.BlockSpec((BR, DW), lambda i: (i, 0)),
            pl.BlockSpec((BR, DW), lambda i: (i, 0)),
        ],
        out_specs=[
            pl.BlockSpec((BR, 128), lambda i: (i, 0)),
            pl.BlockSpec((BR, 128), lambda i: (i, 0)),
        ],
        out_shape=[
            jax.ShapeDtypeStruct((N_PAD, 128), jnp.float32),
            jax.ShapeDtypeStruct((N_PAD, 128), jnp.float32),
        ],
    )(h1, dega, degb)


def _tc2_body(aa_ref, ab_ref, g_ref, dinv_ref, b_ref, w_ref, out_ref):
    dinv = dinv_ref[...]
    t = dinv * (aa_ref[...] + ab_ref[...] + g_ref[...]) + b_ref[...]
    t = jnp.maximum(t, 0.0)
    out_ref[...] = jnp.dot(t, w_ref[...],
                           preferred_element_type=jnp.float32) * dinv[:, 0:64]


def _tc2(acc_a, acc_b, g1, dinv128, b1, W2):
    nblk = N_PAD // BR
    return pl.pallas_call(
        _tc2_body,
        grid=(nblk,),
        in_specs=[
            pl.BlockSpec((BR, 128), lambda i: (i, 0)),
            pl.BlockSpec((BR, 128), lambda i: (i, 0)),
            pl.BlockSpec((BR, 128), lambda i: (i, 0)),
            pl.BlockSpec((BR, 128), lambda i: (i, 0)),
            pl.BlockSpec((1, 128), lambda i: (0, 0)),
            pl.BlockSpec((128, 64), lambda i: (0, 0)),
        ],
        out_specs=pl.BlockSpec((BR, 64), lambda i: (i, 0)),
        out_shape=jax.ShapeDtypeStruct((N_PAD, 64), jnp.float32),
    )(acc_a, acc_b, g1, dinv128, b1, W2)


def _tc3_body(aa_ref, ab_ref, g_ref, dinv_ref, b_ref, out_ref):
    dinv = dinv_ref[:, 0:64]
    t = dinv * (aa_ref[...] + ab_ref[...] + g_ref[...]) + b_ref[...]
    out_ref[:, 0:64] = jnp.maximum(t, 0.0)
    out_ref[:, 64:128] = jnp.zeros_like(t)


def _tc3(acc_a, acc_b, g2, dinv128, b2):
    nblk = N_PAD // BR
    return pl.pallas_call(
        _tc3_body,
        grid=(nblk,),
        in_specs=[
            pl.BlockSpec((BR, 64), lambda i: (i, 0)),
            pl.BlockSpec((BR, 64), lambda i: (i, 0)),
            pl.BlockSpec((BR, 64), lambda i: (i, 0)),
            pl.BlockSpec((BR, 128), lambda i: (i, 0)),
            pl.BlockSpec((1, 64), lambda i: (0, 0)),
        ],
        out_specs=pl.BlockSpec((BR, 128), lambda i: (i, 0)),
        out_shape=jax.ShapeDtypeStruct((N_PAD, 128), jnp.float32),
    )(acc_a, acc_b, g2, dinv128, b2)


def _tc4_body(a_ref, b_ref, w1_ref, b1_ref, w2_ref, b2_ref, out_ref):
    z = a_ref[:, 0:64] * b_ref[:, 0:64]
    z = jnp.dot(z, w1_ref[...], preferred_element_type=jnp.float32)
    z = jnp.maximum(z + b1_ref[...], 0.0)
    out_ref[...] = jnp.dot(z, w2_ref[...],
                           preferred_element_type=jnp.float32) + b2_ref[...]


BR4 = 1000


def _tc4(A, B, fc1_W, fc1_b, fc2_W, fc2_b):
    nblk = L // BR4
    return pl.pallas_call(
        _tc4_body,
        grid=(nblk,),
        in_specs=[
            pl.BlockSpec((BR4, 128), lambda i: (i, 0)),
            pl.BlockSpec((BR4, 128), lambda i: (i, 0)),
            pl.BlockSpec((64, 64), lambda i: (0, 0)),
            pl.BlockSpec((1, 64), lambda i: (0, 0)),
            pl.BlockSpec((64, 2), lambda i: (0, 0)),
            pl.BlockSpec((1, 2), lambda i: (0, 0)),
        ],
        out_specs=pl.BlockSpec((BR4, 2), lambda i: (i, 0)),
        out_shape=jax.ShapeDtypeStruct((L, 2), jnp.float32),
    )(A, B, fc1_W, fc1_b, fc2_W, fc2_b)



def _pad_indices(idx, total, pad_to):
    npad = pad_to - total
    fill = N + (jnp.arange(npad, dtype=jnp.int32) % (N_PAD - N))
    return jnp.concatenate([idx.astype(jnp.int32), fill]).reshape(NW, -1, 128)


def kernel(x, edge_index, edge_label_index, W1, b1, W2, b2,
           fc1_W, fc1_b, fc2_W, fc2_b):
    src_p = _pad_indices(edge_index[0], E, E_PAD)
    dst_p = _pad_indices(edge_index[1], E, E_PAD)
    a_idx = _pad_indices(edge_label_index[0], L, L_PAD)
    b_idx = _pad_indices(edge_label_index[1], L, L_PAD)
    x_pad = jnp.pad(x, ((0, N_PAD - N), (0, 0)))

    deg = _deg_counts(dst_p).reshape(NC, N_PAD, DW)

    h1 = _tc1a(x_pad, W1)
    g1, dinv128 = _tc1b(h1, deg[0], deg[1])

    acc1 = _spmm(g1, src_p, dst_p, 128).reshape(NC, N_PAD, 128)
    g2 = _tc2(acc1[0], acc1[1], g1, dinv128, b1.reshape(1, 128), W2)

    acc2 = _spmm(g2, src_p, dst_p, 64).reshape(NC, N_PAD, 64)
    h2 = _tc3(acc2[0], acc2[1], g2, dinv128, b2.reshape(1, 64))

    A, B = _head_gather(h2, a_idx, b_idx)
    return _tc4(A, B, fc1_W, fc1_b.reshape(1, 64), fc2_W, fc2_b.reshape(1, 2))

# --- scband reference (transcript-rebuilt; emitter-appended) ---
"""Pipeline reference for scband-gcn-18468359373370 (READ-ONLY COPY).

The authoritative reference and input builder live on the scoring server;
editing this copy changes nothing except your own understanding.
"""

import jax, jax.numpy as jnp
import numpy as np

N_NODES = 10000
N_EDGES = 320000
N_LABEL = 100000
D_IN = 128
D_H1 = 128
D_H2 = 64


def setup_inputs(seed: int = 0) -> dict:
    key = jax.random.key(seed)
    ks = jax.random.split(key, 12)
    x = jax.random.normal(ks[0], (N_NODES, D_IN), dtype=jnp.float32)
    edge_index = jax.random.randint(ks[1], (2, N_EDGES), 0, N_NODES)
    edge_label_index = jax.random.randint(ks[2], (2, N_LABEL), 0, N_NODES)
    # GCNConv params (PubMed, hops=2): features_in->128, 128->64
    W1 = jax.random.normal(ks[3], (D_IN, D_H1), dtype=jnp.float32) / jnp.sqrt(D_IN)
    b1 = jnp.zeros((D_H1,), dtype=jnp.float32)
    W2 = jax.random.normal(ks[4], (D_H1, D_H2), dtype=jnp.float32) / jnp.sqrt(D_H1)
    b2 = jnp.zeros((D_H2,), dtype=jnp.float32)
    fc1_W = jax.random.normal(ks[5], (64, 64), dtype=jnp.float32) / jnp.sqrt(64.0)
    fc1_b = jnp.zeros((64,), dtype=jnp.float32)
    fc2_W = jax.random.normal(ks[6], (64, 2), dtype=jnp.float32) / jnp.sqrt(64.0)
    fc2_b = jnp.zeros((2,), dtype=jnp.float32)
    return {"x": x, "edge_index": edge_index, "edge_label_index": edge_label_index,
            "W1": W1, "b1": b1, "W2": W2, "b2": b2,
            "fc1_W": fc1_W, "fc1_b": fc1_b, "fc2_W": fc2_W, "fc2_b": fc2_b}


def gcn_conv(x, edge_index, W, b):
    # PyG-style GCNConv: add self-loops, symmetric deg^{-1/2} normalization,
    # message = norm * (x W) gathered at src, scatter-add at dst, plus bias.
    N = x.shape[0]
    loops = jnp.arange(N, dtype=edge_index.dtype)
    src = jnp.concatenate([edge_index[0], loops])
    dst = jnp.concatenate([edge_index[1], loops])
    deg = jax.ops.segment_sum(jnp.ones_like(dst, dtype=x.dtype), dst, num_segments=N)
    dinv = jnp.where(deg > 0, 1.0 / jnp.sqrt(deg), 0.0)
    norm = dinv[src] * dinv[dst]
    h = x @ W
    msg = h[src] * norm[:, None]
    out = jax.ops.segment_sum(msg, dst, num_segments=N)
    return out + b


def reference(x, edge_index, edge_label_index, W1, b1, W2, b2, fc1_W, fc1_b, fc2_W, fc2_b):
    h = jax.nn.relu(gcn_conv(x, edge_index, W1, b1))
    h = jax.nn.relu(gcn_conv(h, edge_index, W2, b2))
    z = h[edge_label_index[0]] * h[edge_label_index[1]]
    z = jax.nn.relu(z @ fc1_W + fc1_b)
    return z @ fc2_W + fc2_b

if __name__ == "__main__":
    import jax
    _d = setup_inputs()
    print(jax.jit(kernel)(*tuple(_d.values())))

</pallas_src>

<mosaic_0001>
#map = affine_map<(d0, d1) -> (0, 0, 0)>
#map1 = affine_map<(d0, d1) -> (0, 0, 0, 0)>
module attributes {stable_mosaic.version = 14 : i64} {
  func.func @_deg_body(%arg0: i32, %arg1: i32, %arg2: memref<32x80x128xi32, #tpu.memory_space<hbm>>, %arg3: memref<2x16x640x16xf32, #tpu.memory_space<hbm>>, %arg4: memref<80x128xi32, #tpu.memory_space<vmem>>, %arg5: memref<128x16xf32, #tpu.memory_space<vmem>>, %arg6: memref<640x16xf32, #tpu.memory_space<vmem>>, %arg7: memref<10240x16xf32, #tpu.memory_space<vmem_shared>>) attributes {dimension_semantics = [#tpu.dimension_semantics<core_parallel>, #tpu.dimension_semantics<subcore_parallel>], iteration_bounds = array<i64: 2, 16>, scalar_prefetch = 0 : i64, scratch_operands = 4 : i64, tpu.core_type = #tpu.core_type<sc_vector_subcore>, window_params = [{transform_indices = #map}, {transform_indices = #map1}]} {
    %mul3A = arith.constant 2 : i32
    %mul3A_0 = arith.muli %arg1, %mul3A : i32
    %add3A = arith.addi %mul3A_0, %arg0 : i32
    %scan3A = arith.constant 0 : i32
    %scan3A_1 = arith.constant 0 : i32
    %scan3A_2 = arith.constant 128 : i32
    %scan3A_3 = arith.addi %scan3A_1, %scan3A_2 : i32
    %scan3A_4 = arith.constant 1 : i32
    scf.for %scan3A_23 = %scan3A_1 to %scan3A_3 step %scan3A_4  : i32 {
      %broadcast_in_dim3A = arith.constant 1.000000e+00 : f32
      %broadcast_in_dim3A_24 = vector.broadcast %broadcast_in_dim3A : f32 to vector<16xf32>
      %swap3A = arith.index_cast %scan3A_23 : i32 to index
      %swap3A_25 = arith.constant 0 : index
      %swap3A_26 = tpu.vector_load %arg5[%swap3A, %swap3A_25] {strides = array<i32>} : memref<128x16xf32, #tpu.memory_space<vmem>>, vector<1x16xf32>,
      %swap3A_27 = vector.shape_cast %swap3A_26 : vector<1x16xf32> to vector<16xf32>
      %swap3A_28 = vector.shape_cast %broadcast_in_dim3A_24 : vector<16xf32> to vector<1x16xf32>
      tpu.vector_store %arg5[%swap3A, %swap3A_25], %swap3A_28 {strides = array<i32>} : memref<128x16xf32, #tpu.memory_space<vmem>>, vector<1x16xf32>,
    }
    %scan3A_5 = arith.constant 128 : i32
    %scan3A_6 = arith.constant 0 : i32
    %scan3A_7 = arith.constant 0 : i32
    %scan3A_8 = arith.constant 640 : i32
    %scan3A_9 = arith.addi %scan3A_7, %scan3A_8 : i32
    %scan3A_10 = arith.constant 1 : i32
    scf.for %scan3A_23 = %scan3A_7 to %scan3A_9 step %scan3A_10  : i32 {
      %broadcast_in_dim3A = arith.constant 0.000000e+00 : f32
      %broadcast_in_dim3A_24 = vector.broadcast %broadcast_in_dim3A : f32 to vector<16xf32>
      %swap3A = arith.index_cast %scan3A_23 : i32 to index
      %swap3A_25 = arith.constant 0 : index
      %swap3A_26 = tpu.vector_load %arg6[%swap3A, %swap3A_25] {strides = array<i32>} : memref<640x16xf32, #tpu.memory_space<vmem>>, vector<1x16xf32>,
      %swap3A_27 = vector.shape_cast %swap3A_26 : vector<1x16xf32> to vector<16xf32>
      %swap3A_28 = vector.shape_cast %broadcast_in_dim3A_24 : vector<16xf32> to vector<1x16xf32>
      tpu.vector_store %arg6[%swap3A, %swap3A_25], %swap3A_28 {strides = array<i32>} : memref<640x16xf32, #tpu.memory_space<vmem>>, vector<1x16xf32>,
    }
    %scan3A_11 = arith.constant 640 : i32
    %mul3A_12 = arith.constant 640 : i32
    %mul3A_13 = arith.muli %arg1, %mul3A_12 : i32
    "tpu.region"() ({
      %run_scoped3A = tpu.sem_alloc : memref<!tpu.dma_semaphore, #tpu.memory_space<semaphore_mem>>
      %dma_start3A = arith.constant 0 : i32
      %dma_start3A_23 = tpu.memref_slice %arg7[%mul3A_13, %dma_start3A] : memref<10240x16xf32, #tpu.memory_space<vmem_shared>> -> memref<640x16xf32, #tpu.memory_space<vmem_shared>>
      %dma_start3A_24 = arith.constant 0 : i32
      %dma_start3A_25 = tpu.memref_slice %arg7[%mul3A_13, %dma_start3A_24] : memref<10240x16xf32, #tpu.memory_space<vmem_shared>> -> memref<640x16xf32, #tpu.memory_space<vmem_shared>>
      tpu.enqueue_dma source(%arg6 : memref<640x16xf32, #tpu.memory_space<vmem>>) target(%dma_start3A_25 : memref<640x16xf32, #tpu.memory_space<vmem_shared>>) target_semaphore(%run_scoped3A : memref<!tpu.dma_semaphore, #tpu.memory_space<semaphore_mem>>)
      %dma_wait3A = arith.constant 0 : i32
      %dma_wait3A_26 = tpu.memref_slice %arg7[%mul3A_13, %dma_wait3A] : memref<10240x16xf32, #tpu.memory_space<vmem_shared>> -> memref<640x16xf32, #tpu.memory_space<vmem_shared>>
      %dma_wait3A_27 = arith.constant 0 : i32
      %dma_wait3A_28 = tpu.memref_slice %arg7[%mul3A_13, %dma_wait3A_27] : memref<10240x16xf32, #tpu.memory_space<vmem_shared>> -> memref<640x16xf32, #tpu.memory_space<vmem_shared>>
      tpu.wait_dma2 semaphore(%run_scoped3A : memref<!tpu.dma_semaphore, #tpu.memory_space<semaphore_mem>>) src(%arg6 : memref<640x16xf32, #tpu.memory_space<vmem>>) dst(%dma_wait3A_28 : memref<640x16xf32, #tpu.memory_space<vmem_shared>>)
      tpu.yield
    }) : () -> ()
    %barrier3A = arith.constant 0 : index
    tpu.barrier barrier_id(%barrier3A)
    "tpu.region"() ({
      %run_scoped3A = tpu.sem_alloc : memref<!tpu.dma_semaphore, #tpu.memory_space<semaphore_mem>>
      %dma_start3A = arith.constant 0 : i32
      %dma_start3A_23 = arith.constant 0 : i32
      %dma_start3A_24 = tpu.memref_slice %arg2[%add3A, %dma_start3A, %dma_start3A_23] : memref<32x80x128xi32, #tpu.memory_space<hbm>> -> memref<1x80x128xi32, #tpu.memory_space<hbm>>
      %dma_start3A_25 = tpu.memref_squeeze %dma_start3A_24 : memref<1x80x128xi32, #tpu.memory_space<hbm>> -> memref<80x128xi32, #tpu.memory_space<hbm>>
      %dma_start3A_26 = arith.constant 0 : i32
      %dma_start3A_27 = arith.constant 0 : i32
      %dma_start3A_28 = tpu.memref_slice %arg2[%add3A, %dma_start3A_26, %dma_start3A_27] : memref<32x80x128xi32, #tpu.memory_space<hbm>> -> memref<1x80x128xi32, #tpu.memory_space<hbm>>
      %dma_start3A_29 = tpu.memref_squeeze %dma_start3A_28 : memref<1x80x128xi32, #tpu.memory_space<hbm>> -> memref<80x128xi32, #tpu.memory_space<hbm>>
      tpu.enqueue_dma source(%dma_start3A_29 : memref<80x128xi32, #tpu.memory_space<hbm>>) target(%arg4 : memref<80x128xi32, #tpu.memory_space<vmem>>) target_semaphore(%run_scoped3A : memref<!tpu.dma_semaphore, #tpu.memory_space<semaphore_mem>>)
      %dma_wait3A = arith.constant 0 : i32
      %dma_wait3A_30 = arith.constant 0 : i32
      %dma_wait3A_31 = tpu.memref_slice %arg2[%add3A, %dma_wait3A, %dma_wait3A_30] : memref<32x80x128xi32, #tpu.memory_space<hbm>> -> memref<1x80x128xi32, #tpu.memory_space<hbm>>
      %dma_wait3A_32 = tpu.memref_squeeze %dma_wait3A_31 : memref<1x80x128xi32, #tpu.memory_space<hbm>> -> memref<80x128xi32, #tpu.memory_space<hbm>>
      %dma_wait3A_33 = arith.constant 0 : i32
      %dma_wait3A_34 = arith.constant 0 : i32
      %dma_wait3A_35 = tpu.memref_slice %arg2[%add3A, %dma_wait3A_33, %dma_wait3A_34] : memref<32x80x128xi32, #tpu.memory_space<hbm>> -> memref<1x80x128xi32, #tpu.memory_space<hbm>>
      %dma_wait3A_36 = tpu.memref_squeeze %dma_wait3A_35 : memref<1x80x128xi32, #tpu.memory_space<hbm>> -> memref<80x128xi32, #tpu.memory_space<hbm>>
      tpu.wait_dma2 semaphore(%run_scoped3A : memref<!tpu.dma_semaphore, #tpu.memory_space<semaphore_mem>>) src(%dma_wait3A_36 : memref<80x128xi32, #tpu.memory_space<hbm>>) dst(%arg4 : memref<80x128xi32, #tpu.memory_space<vmem>>)
      tpu.yield
    }) : () -> ()
    %scan3A_14 = arith.constant 0 : i32
    %scan3A_15 = arith.constant 0 : i32
    %scan3A_16 = arith.constant 80 : i32
    %scan3A_17 = arith.addi %scan3A_15, %scan3A_16 : i32
    %scan3A_18 = arith.constant 1 : i32
    scf.for %scan3A_23 = %scan3A_15 to %scan3A_17 step %scan3A_18  : i32 {
      "tpu.region"() ({
        %run_scoped3A = tpu.sem_alloc : memref<!tpu.dma_semaphore, #tpu.memory_space<semaphore_mem>>
        %dma_start3A = arith.constant 0 : i32
        %dma_start3A_24 = tpu.memref_slice %arg4[%scan3A_23, %dma_start3A] : memref<80x128xi32, #tpu.memory_space<vmem>> -> memref<1x128xi32, #tpu.memory_space<vmem>>
        %dma_start3A_25 = tpu.memref_squeeze %dma_start3A_24 : memref<1x128xi32, #tpu.memory_space<vmem>> -> memref<128xi32, #tpu.memory_space<vmem>>
        %dma_start3A_26 = arith.constant 0 : i32
        %dma_start3A_27 = arith.constant 0 : i32
        %dma_start3A_28 = tpu.memref_slice %arg7[%dma_start3A_26, %dma_start3A_27] : memref<10240x16xf32, #tpu.memory_space<vmem_shared>> -> memref<10240x16xf32, #tpu.memory_space<vmem_shared>>
        tpu.enqueue_indirect_dma source(%arg5 : memref<128x16xf32, #tpu.memory_space<vmem>>) target(%dma_start3A_28 : memref<10240x16xf32, #tpu.memory_space<vmem_shared>>) offsets(%dma_start3A_25 : memref<128xi32, #tpu.memory_space<vmem>>) semaphore(%run_scoped3A : memref<!tpu.dma_semaphore, #tpu.memory_space<semaphore_mem>>) {add = true}
        %dma_wait3A = arith.constant 0 : i32
        %dma_wait3A_29 = tpu.memref_slice %arg4[%scan3A_23, %dma_wait3A] : memref<80x128xi32, #tpu.memory_space<vmem>> -> memref<1x128xi32, #tpu.memory_space<vmem>>
        %dma_wait3A_30 = tpu.memref_squeeze %dma_wait3A_29 : memref<1x128xi32, #tpu.memory_space<vmem>> -> memref<128xi32, #tpu.memory_space<vmem>>
        %dma_wait3A_31 = arith.constant 0 : i32
        %dma_wait3A_32 = arith.constant 0 : i32
        %dma_wait3A_33 = tpu.memref_slice %arg7[%dma_wait3A_31, %dma_wait3A_32] : memref<10240x16xf32, #tpu.memory_space<vmem_shared>> -> memref<10240x16xf32, #tpu.memory_space<vmem_shared>>
        tpu.wait_indirect_dma semaphore(%run_scoped3A : memref<!tpu.dma_semaphore, #tpu.memory_space<semaphore_mem>>) src(%arg5 : memref<128x16xf32, #tpu.memory_space<vmem>>) dst(%dma_wait3A_33 : memref<10240x16xf32, #tpu.memory_space<vmem_shared>>)
        tpu.yield
      }) : () -> ()
    }
    %scan3A_19 = arith.constant 80 : i32
    %barrier3A_20 = arith.constant 0 : index
    tpu.barrier barrier_id(%barrier3A_20)
    %mul3A_21 = arith.constant 640 : i32
    %mul3A_22 = arith.muli %arg1, %mul3A_21 : i32
    "tpu.region"() ({
      %run_scoped3A = tpu.sem_alloc : memref<!tpu.dma_semaphore, #tpu.memory_space<semaphore_mem>>
      %dma_start3A = arith.constant 0 : i32
      %dma_start3A_23 = tpu.memref_slice %arg7[%mul3A_22, %dma_start3A] : memref<10240x16xf32, #tpu.memory_space<vmem_shared>> -> memref<640x16xf32, #tpu.memory_space<vmem_shared>>
      %dma_start3A_24 = arith.constant 0 : i32
      %dma_start3A_25 = tpu.memref_slice %arg7[%mul3A_22, %dma_start3A_24] : memref<10240x16xf32, #tpu.memory_space<vmem_shared>> -> memref<640x16xf32, #tpu.memory_space<vmem_shared>>
      tpu.enqueue_dma source(%dma_start3A_25 : memref<640x16xf32, #tpu.memory_space<vmem_shared>>) target(%arg6 : memref<640x16xf32, #tpu.memory_space<vmem>>) target_semaphore(%run_scoped3A : memref<!tpu.dma_semaphore, #tpu.memory_space<semaphore_mem>>)
      %dma_wait3A = arith.constant 0 : i32
      %dma_wait3A_26 = tpu.memref_slice %arg7[%mul3A_22, %dma_wait3A] : memref<10240x16xf32, #tpu.memory_space<vmem_shared>> -> memref<640x16xf32, #tpu.memory_space<vmem_shared>>
      %dma_wait3A_27 = arith.constant 0 : i32
      %dma_wait3A_28 = tpu.memref_slice %arg7[%mul3A_22, %dma_wait3A_27] : memref<10240x16xf32, #tpu.memory_space<vmem_shared>> -> memref<640x16xf32, #tpu.memory_space<vmem_shared>>
      tpu.wait_dma2 semaphore(%run_scoped3A : memref<!tpu.dma_semaphore, #tpu.memory_space<semaphore_mem>>) src(%dma_wait3A_28 : memref<640x16xf32, #tpu.memory_space<vmem_shared>>) dst(%arg6 : memref<640x16xf32, #tpu.memory_space<vmem>>)
      tpu.yield
    }) : () -> ()
    "tpu.region"() ({
      %run_scoped3A = tpu.sem_alloc : memref<!tpu.dma_semaphore, #tpu.memory_space<semaphore_mem>>
      %dma_start3A = arith.constant 0 : i32
      %dma_start3A_23 = arith.constant 0 : i32
      %dma_start3A_24 = tpu.memref_slice %arg3[%arg0, %arg1, %dma_start3A, %dma_start3A_23] : memref<2x16x640x16xf32, #tpu.memory_space<hbm>> -> memref<1x1x640x16xf32, #tpu.memory_space<hbm>>
      %dma_start3A_25 = tpu.memref_squeeze %dma_start3A_24 : memref<1x1x640x16xf32, #tpu.memory_space<hbm>> -> memref<640x16xf32, #tpu.memory_space<hbm>>
      %dma_start3A_26 = arith.constant 0 : i32
      %dma_start3A_27 = arith.constant 0 : i32
      %dma_start3A_28 = tpu.memref_slice %arg3[%arg0, %arg1, %dma_start3A_26, %dma_start3A_27] : memref<2x16x640x16xf32, #tpu.memory_space<hbm>> -> memref<1x1x640x16xf32, #tpu.memory_space<hbm>>
      %dma_start3A_29 = tpu.memref_squeeze %dma_start3A_28 : memref<1x1x640x16xf32, #tpu.memory_space<hbm>> -> memref<640x16xf32, #tpu.memory_space<hbm>>
      tpu.enqueue_dma source(%arg6 : memref<640x16xf32, #tpu.memory_space<vmem>>) target(%dma_start3A_29 : memref<640x16xf32, #tpu.memory_space<hbm>>) target_semaphore(%run_scoped3A : memref<!tpu.dma_semaphore, #tpu.memory_space<semaphore_mem>>)
      %dma_wait3A = arith.constant 0 : i32
      %dma_wait3A_30 = arith.constant 0 : i32
      %dma_wait3A_31 = tpu.memref_slice %arg3[%arg0, %arg1, %dma_wait3A, %dma_wait3A_30] : memref<2x16x640x16xf32, #tpu.memory_space<hbm>> -> memref<1x1x640x16xf32, #tpu.memory_space<hbm>>
      %dma_wait3A_32 = tpu.memref_squeeze %dma_wait3A_31 : memref<1x1x640x16xf32, #tpu.memory_space<hbm>> -> memref<640x16xf32, #tpu.memory_space<hbm>>
      %dma_wait3A_33 = arith.constant 0 : i32
      %dma_wait3A_34 = arith.constant 0 : i32
      %dma_wait3A_35 = tpu.memref_slice %arg3[%arg0, %arg1, %dma_wait3A_33, %dma_wait3A_34] : memref<2x16x640x16xf32, #tpu.memory_space<hbm>> -> memref<1x1x640x16xf32, #tpu.memory_space<hbm>>
      %dma_wait3A_36 = tpu.memref_squeeze %dma_wait3A_35 : memref<1x1x640x16xf32, #tpu.memory_space<hbm>> -> memref<640x16xf32, #tpu.memory_space<hbm>>
      tpu.wait_dma2 semaphore(%run_scoped3A : memref<!tpu.dma_semaphore, #tpu.memory_space<semaphore_mem>>) src(%arg6 : memref<640x16xf32, #tpu.memory_space<vmem>>) dst(%dma_wait3A_36 : memref<640x16xf32, #tpu.memory_space<hbm>>)
      tpu.yield
    }) : () -> ()
    return
  }
}

#map = affine_map<(d0, d1) -> (0, 0)>
#map1 = affine_map<(d0, d1) -> (0, 0, 0)>
module attributes {stable_mosaic.version = 14 : i64} {
  func.func @_head_gather_body(%arg0: i32, %arg1: i32, %arg2: memref<10240x128xf32, #tpu.memory_space<hbm>>, %arg3: memref<32x25x128xi32, #tpu.memory_space<hbm>>, %arg4: memref<32x25x128xi32, #tpu.memory_space<hbm>>, %arg5: memref<102400x128xf32, #tpu.memory_space<hbm>>, %arg6: memref<102400x128xf32, #tpu.memory_space<hbm>>, %arg7: memref<25x128xi32, #tpu.memory_space<vmem>>, %arg8: memref<25x128xi32, #tpu.memory_space<vmem>>, %arg9: memref<128x128xf32, #tpu.memory_space<vmem>>, %arg10: memref<128x128xf32, #tpu.memory_space<vmem>>, %arg11: memref<128x128xf32, #tpu.memory_space<vmem>>, %arg12: memref<128x128xf32, #tpu.memory_space<vmem>>, %arg13: memref<!tpu.dma_semaphore, #tpu.memory_space<semaphore_mem>>, %arg14: memref<!tpu.dma_semaphore, #tpu.memory_space<semaphore_mem>>, %arg15: memref<!tpu.dma_semaphore, #tpu.memory_space<semaphore_mem>>, %arg16: memref<!tpu.dma_semaphore, #tpu.memory_space<semaphore_mem>>) attributes {dimension_semantics = [#tpu.dimension_semantics<core_parallel>, #tpu.dimension_semantics<subcore_parallel>], iteration_bounds = array<i64: 2, 16>, scalar_prefetch = 0 : i64, scratch_operands = 10 : i64, tpu.core_type = #tpu.core_type<sc_vector_subcore>, window_params = [{transform_indices = #map}, {transform_indices = #map1}, {transform_indices = #map1}, {transform_indices = #map}, {transform_indices = #map}]} {
    %mul3A = arith.constant 2 : i32
    %mul3A_0 = arith.muli %arg1, %mul3A : i32
    %add3A = arith.addi %mul3A_0, %arg0 : i32
    "tpu.region"() ({
      %run_scoped3A = tpu.sem_alloc : memref<!tpu.dma_semaphore, #tpu.memory_space<semaphore_mem>>
      %dma_start3A_36 = arith.constant 0 : i32
      %dma_start3A_37 = arith.constant 0 : i32
      %dma_start3A_38 = tpu.memref_slice %arg3[%add3A, %dma_start3A_36, %dma_start3A_37] : memref<32x25x128xi32, #tpu.memory_space<hbm>> -> memref<1x25x128xi32, #tpu.memory_space<hbm>>
      %dma_start3A_39 = tpu.memref_squeeze %dma_start3A_38 : memref<1x25x128xi32, #tpu.memory_space<hbm>> -> memref<25x128xi32, #tpu.memory_space<hbm>>
      %dma_start3A_40 = arith.constant 0 : i32
      %dma_start3A_41 = arith.constant 0 : i32
      %dma_start3A_42 = tpu.memref_slice %arg3[%add3A, %dma_start3A_40, %dma_start3A_41] : memref<32x25x128xi32, #tpu.memory_space<hbm>> -> memref<1x25x128xi32, #tpu.memory_space<hbm>>
      %dma_start3A_43 = tpu.memref_squeeze %dma_start3A_42 : memref<1x25x128xi32, #tpu.memory_space<hbm>> -> memref<25x128xi32, #tpu.memory_space<hbm>>
      tpu.enqueue_dma source(%dma_start3A_43 : memref<25x128xi32, #tpu.memory_space<hbm>>) target(%arg7 : memref<25x128xi32, #tpu.memory_space<vmem>>) target_semaphore(%run_scoped3A : memref<!tpu.dma_semaphore, #tpu.memory_space<semaphore_mem>>)
      %dma_wait3A_44 = arith.constant 0 : i32
      %dma_wait3A_45 = arith.constant 0 : i32
      %dma_wait3A_46 = tpu.memref_slice %arg3[%add3A, %dma_wait3A_44, %dma_wait3A_45] : memref<32x25x128xi32, #tpu.memory_space<hbm>> -> memref<1x25x128xi32, #tpu.memory_space<hbm>>
      %dma_wait3A_47 = tpu.memref_squeeze %dma_wait3A_46 : memref<1x25x128xi32, #tpu.memory_space<hbm>> -> memref<25x128xi32, #tpu.memory_space<hbm>>
      %dma_wait3A_48 = arith.constant 0 : i32
      %dma_wait3A_49 = arith.constant 0 : i32
      %dma_wait3A_50 = tpu.memref_slice %arg3[%add3A, %dma_wait3A_48, %dma_wait3A_49] : memref<32x25x128xi32, #tpu.memory_space<hbm>> -> memref<1x25x128xi32, #tpu.memory_space<hbm>>
      %dma_wait3A_51 = tpu.memref_squeeze %dma_wait3A_50 : memref<1x25x128xi32, #tpu.memory_space<hbm>> -> memref<25x128xi32, #tpu.memory_space<hbm>>
      tpu.wait_dma2 semaphore(%run_scoped3A : memref<!tpu.dma_semaphore, #tpu.memory_space<semaphore_mem>>) src(%dma_wait3A_51 : memref<25x128xi32, #tpu.memory_space<hbm>>) dst(%arg7 : memref<25x128xi32, #tpu.memory_space<vmem>>)
      tpu.yield
    }) : () -> ()
    "tpu.region"() ({
      %run_scoped3A = tpu.sem_alloc : memref<!tpu.dma_semaphore, #tpu.memory_space<semaphore_mem>>
      %dma_start3A_36 = arith.constant 0 : i32
      %dma_start3A_37 = arith.constant 0 : i32
      %dma_start3A_38 = tpu.memref_slice %arg4[%add3A, %dma_start3A_36, %dma_start3A_37] : memref<32x25x128xi32, #tpu.memory_space<hbm>> -> memref<1x25x128xi32, #tpu.memory_space<hbm>>
      %dma_start3A_39 = tpu.memref_squeeze %dma_start3A_38 : memref<1x25x128xi32, #tpu.memory_space<hbm>> -> memref<25x128xi32, #tpu.memory_space<hbm>>
      %dma_start3A_40 = arith.constant 0 : i32
      %dma_start3A_41 = arith.constant 0 : i32
      %dma_start3A_42 = tpu.memref_slice %arg4[%add3A, %dma_start3A_40, %dma_start3A_41] : memref<32x25x128xi32, #tpu.memory_space<hbm>> -> memref<1x25x128xi32, #tpu.memory_space<hbm>>
      %dma_start3A_43 = tpu.memref_squeeze %dma_start3A_42 : memref<1x25x128xi32, #tpu.memory_space<hbm>> -> memref<25x128xi32, #tpu.memory_space<hbm>>
      tpu.enqueue_dma source(%dma_start3A_43 : memref<25x128xi32, #tpu.memory_space<hbm>>) target(%arg8 : memref<25x128xi32, #tpu.memory_space<vmem>>) target_semaphore(%run_scoped3A : memref<!tpu.dma_semaphore, #tpu.memory_space<semaphore_mem>>)
      %dma_wait3A_44 = arith.constant 0 : i32
      %dma_wait3A_45 = arith.constant 0 : i32
      %dma_wait3A_46 = tpu.memref_slice %arg4[%add3A, %dma_wait3A_44, %dma_wait3A_45] : memref<32x25x128xi32, #tpu.memory_space<hbm>> -> memref<1x25x128xi32, #tpu.memory_space<hbm>>
      %dma_wait3A_47 = tpu.memref_squeeze %dma_wait3A_46 : memref<1x25x128xi32, #tpu.memory_space<hbm>> -> memref<25x128xi32, #tpu.memory_space<hbm>>
      %dma_wait3A_48 = arith.constant 0 : i32
      %dma_wait3A_49 = arith.constant 0 : i32
      %dma_wait3A_50 = tpu.memref_slice %arg4[%add3A, %dma_wait3A_48, %dma_wait3A_49] : memref<32x25x128xi32, #tpu.memory_space<hbm>> -> memref<1x25x128xi32, #tpu.memory_space<hbm>>
      %dma_wait3A_51 = tpu.memref_squeeze %dma_wait3A_50 : memref<1x25x128xi32, #tpu.memory_space<hbm>> -> memref<25x128xi32, #tpu.memory_space<hbm>>
      tpu.wait_dma2 semaphore(%run_scoped3A : memref<!tpu.dma_semaphore, #tpu.memory_space<semaphore_mem>>) src(%dma_wait3A_51 : memref<25x128xi32, #tpu.memory_space<hbm>>) dst(%arg8 : memref<25x128xi32, #tpu.memory_space<vmem>>)
      tpu.yield
    }) : () -> ()
    %dma_start3A = arith.constant 0 : i32
    %dma_start3A_1 = arith.constant 0 : i32
    %dma_start3A_2 = tpu.memref_slice %arg7[%dma_start3A, %dma_start3A_1] : memref<25x128xi32, #tpu.memory_space<vmem>> -> memref<1x128xi32, #tpu.memory_space<vmem>>
    %dma_start3A_3 = tpu.memref_squeeze %dma_start3A_2 : memref<1x128xi32, #tpu.memory_space<vmem>> -> memref<128xi32, #tpu.memory_space<vmem>>
    %dma_start3A_4 = arith.constant 0 : i32
    %dma_start3A_5 = arith.constant 0 : i32
    %dma_start3A_6 = tpu.memref_slice %arg2[%dma_start3A_4, %dma_start3A_5] : memref<10240x128xf32, #tpu.memory_space<hbm>> -> memref<10240x128xf32, #tpu.memory_space<hbm>>
    tpu.enqueue_indirect_dma source(%dma_start3A_6 : memref<10240x128xf32, #tpu.memory_space<hbm>>) target(%arg9 : memref<128x128xf32, #tpu.memory_space<vmem>>) offsets(%dma_start3A_3 : memref<128xi32, #tpu.memory_space<vmem>>) semaphore(%arg13 : memref<!tpu.dma_semaphore, #tpu.memory_space<semaphore_mem>>)
    %dma_start3A_7 = arith.constant 0 : i32
    %dma_start3A_8 = arith.constant 0 : i32
    %dma_start3A_9 = tpu.memref_slice %arg8[%dma_start3A_7, %dma_start3A_8] : memref<25x128xi32, #tpu.memory_space<vmem>> -> memref<1x128xi32, #tpu.memory_space<vmem>>
    %dma_start3A_10 = tpu.memref_squeeze %dma_start3A_9 : memref<1x128xi32, #tpu.memory_space<vmem>> -> memref<128xi32, #tpu.memory_space<vmem>>
    %dma_start3A_11 = arith.constant 0 : i32
    %dma_start3A_12 = arith.constant 0 : i32
    %dma_start3A_13 = tpu.memref_slice %arg2[%dma_start3A_11, %dma_start3A_12] : memref<10240x128xf32, #tpu.memory_space<hbm>> -> memref<10240x128xf32, #tpu.memory_space<hbm>>
    tpu.enqueue_indirect_dma source(%dma_start3A_13 : memref<10240x128xf32, #tpu.memory_space<hbm>>) target(%arg10 : memref<128x128xf32, #tpu.memory_space<vmem>>) offsets(%dma_start3A_10 : memref<128xi32, #tpu.memory_space<vmem>>) semaphore(%arg14 : memref<!tpu.dma_semaphore, #tpu.memory_space<semaphore_mem>>)
    %scan3A = arith.constant 0 : i32
    %scan3A_14 = arith.constant 0 : i32
    %scan3A_15 = arith.constant 12 : i32
    %scan3A_16 = arith.addi %scan3A_14, %scan3A_15 : i32
    %scan3A_17 = arith.constant 1 : i32
    scf.for %scan3A_36 = %scan3A_14 to %scan3A_16 step %scan3A_17  : i32 {
      %mul3A_37 = arith.constant 2 : i32
      %mul3A_38 = arith.muli %mul3A_37, %scan3A_36 : i32
      %mul3A_39 = arith.constant 2 : i32
      %mul3A_40 = arith.muli %mul3A_39, %scan3A_36 : i32
      %add3A_41 = arith.constant 1 : i32
      %add3A_42 = arith.addi %mul3A_40, %add3A_41 : i32
      %mul3A_43 = arith.constant 3200 : i32
      %mul3A_44 = arith.muli %add3A, %mul3A_43 : i32
      %mul3A_45 = arith.constant 128 : i32
      %mul3A_46 = arith.muli %mul3A_38, %mul3A_45 : i32
      %add3A_47 = arith.addi %mul3A_44, %mul3A_46 : i32
      %dma_wait3A_48 = arith.constant 0 : i32
      %dma_wait3A_49 = tpu.memref_slice %arg7[%mul3A_38, %dma_wait3A_48] : memref<25x128xi32, #tpu.memory_space<vmem>> -> memref<1x128xi32, #tpu.memory_space<vmem>>
      %dma_wait3A_50 = tpu.memref_squeeze %dma_wait3A_49 : memref<1x128xi32, #tpu.memory_space<vmem>> -> memref<128xi32, #tpu.memory_space<vmem>>
      %dma_wait3A_51 = arith.constant 0 : i32
      %dma_wait3A_52 = arith.constant 0 : i32
      %dma_wait3A_53 = tpu.memref_slice %arg2[%dma_wait3A_51, %dma_wait3A_52] : memref<10240x128xf32, #tpu.memory_space<hbm>> -> memref<10240x128xf32, #tpu.memory_space<hbm>>
      tpu.wait_indirect_dma semaphore(%arg13 : memref<!tpu.dma_semaphore, #tpu.memory_space<semaphore_mem>>) src(%dma_wait3A_53 : memref<10240x128xf32, #tpu.memory_space<hbm>>) dst(%arg9 : memref<128x128xf32, #tpu.memory_space<vmem>>)
      %dma_wait3A_54 = arith.constant 0 : i32
      %dma_wait3A_55 = tpu.memref_slice %arg8[%mul3A_38, %dma_wait3A_54] : memref<25x128xi32, #tpu.memory_space<vmem>> -> memref<1x128xi32, #tpu.memory_space<vmem>>
      %dma_wait3A_56 = tpu.memref_squeeze %dma_wait3A_55 : memref<1x128xi32, #tpu.memory_space<vmem>> -> memref<128xi32, #tpu.memory_space<vmem>>
      %dma_wait3A_57 = arith.constant 0 : i32
      %dma_wait3A_58 = arith.constant 0 : i32
      %dma_wait3A_59 = tpu.memref_slice %arg2[%dma_wait3A_57, %dma_wait3A_58] : memref<10240x128xf32, #tpu.memory_space<hbm>> -> memref<10240x128xf32, #tpu.memory_space<hbm>>
      tpu.wait_indirect_dma semaphore(%arg14 : memref<!tpu.dma_semaphore, #tpu.memory_space<semaphore_mem>>) src(%dma_wait3A_59 : memref<10240x128xf32, #tpu.memory_space<hbm>>) dst(%arg10 : memref<128x128xf32, #tpu.memory_space<vmem>>)
      %dma_start3A_60 = arith.constant 0 : i32
      %dma_start3A_61 = tpu.memref_slice %arg7[%add3A_42, %dma_start3A_60] : memref<25x128xi32, #tpu.memory_space<vmem>> -> memref<1x128xi32, #tpu.memory_space<vmem>>
      %dma_start3A_62 = tpu.memref_squeeze %dma_start3A_61 : memref<1x128xi32, #tpu.memory_space<vmem>> -> memref<128xi32, #tpu.memory_space<vmem>>
      %dma_start3A_63 = arith.constant 0 : i32
      %dma_start3A_64 = arith.constant 0 : i32
      %dma_start3A_65 = tpu.memref_slice %arg2[%dma_start3A_63, %dma_start3A_64] : memref<10240x128xf32, #tpu.memory_space<hbm>> -> memref<10240x128xf32, #tpu.memory_space<hbm>>
      tpu.enqueue_indirect_dma source(%dma_start3A_65 : memref<10240x128xf32, #tpu.memory_space<hbm>>) target(%arg11 : memref<128x128xf32, #tpu.memory_space<vmem>>) offsets(%dma_start3A_62 : memref<128xi32, #tpu.memory_space<vmem>>) semaphore(%arg15 : memref<!tpu.dma_semaphore, #tpu.memory_space<semaphore_mem>>)
      %dma_start3A_66 = arith.constant 0 : i32
      %dma_start3A_67 = tpu.memref_slice %arg8[%add3A_42, %dma_start3A_66] : memref<25x128xi32, #tpu.memory_space<vmem>> -> memref<1x128xi32, #tpu.memory_space<vmem>>
      %dma_start3A_68 = tpu.memref_squeeze %dma_start3A_67 : memref<1x128xi32, #tpu.memory_space<vmem>> -> memref<128xi32, #tpu.memory_space<vmem>>
      %dma_start3A_69 = arith.constant 0 : i32
      %dma_start3A_70 = arith.constant 0 : i32
      %dma_start3A_71 = tpu.memref_slice %arg2[%dma_start3A_69, %dma_start3A_70] : memref<10240x128xf32, #tpu.memory_space<hbm>> -> memref<10240x128xf32, #tpu.memory_space<hbm>>
      tpu.enqueue_indirect_dma source(%dma_start3A_71 : memref<10240x128xf32, #tpu.memory_space<hbm>>) target(%arg12 : memref<128x128xf32, #tpu.memory_space<vmem>>) offsets(%dma_start3A_68 : memref<128xi32, #tpu.memory_space<vmem>>) semaphore(%arg16 : memref<!tpu.dma_semaphore, #tpu.memory_space<semaphore_mem>>)
      "tpu.region"() ({
        %run_scoped3A = tpu.sem_alloc : memref<!tpu.dma_semaphore, #tpu.memory_space<semaphore_mem>>
        %dma_start3A_103 = arith.constant 0 : i32
        %dma_start3A_104 = tpu.memref_slice %arg5[%add3A_47, %dma_start3A_103] : memref<102400x128xf32, #tpu.memory_space<hbm>> -> memref<128x128xf32, #tpu.memory_space<hbm>>
        %dma_start3A_105 = arith.constant 0 : i32
        %dma_start3A_106 = tpu.memref_slice %arg5[%add3A_47, %dma_start3A_105] : memref<102400x128xf32, #tpu.memory_space<hbm>> -> memref<128x128xf32, #tpu.memory_space<hbm>>
        tpu.enqueue_dma source(%arg9 : memref<128x128xf32, #tpu.memory_space<vmem>>) target(%dma_start3A_106 : memref<128x128xf32, #tpu.memory_space<hbm>>) target_semaphore(%run_scoped3A : memref<!tpu.dma_semaphore, #tpu.memory_space<semaphore_mem>>)
        %dma_wait3A_107 = arith.constant 0 : i32
        %dma_wait3A_108 = tpu.memref_slice %arg5[%add3A_47, %dma_wait3A_107] : memref<102400x128xf32, #tpu.memory_space<hbm>> -> memref<128x128xf32, #tpu.memory_space<hbm>>
        %dma_wait3A_109 = arith.constant 0 : i32
        %dma_wait3A_110 = tpu.memref_slice %arg5[%add3A_47, %dma_wait3A_109] : memref<102400x128xf32, #tpu.memory_space<hbm>> -> memref<128x128xf32, #tpu.memory_space<hbm>>
        tpu.wait_dma2 semaphore(%run_scoped3A : memref<!tpu.dma_semaphore, #tpu.memory_space<semaphore_mem>>) src(%arg9 : memref<128x128xf32, #tpu.memory_space<vmem>>) dst(%dma_wait3A_110 : memref<128x128xf32, #tpu.memory_space<hbm>>)
        tpu.yield
      }) : () -> ()
      "tpu.region"() ({
        %run_scoped3A = tpu.sem_alloc : memref<!tpu.dma_semaphore, #tpu.memory_space<semaphore_mem>>
        %dma_start3A_103 = arith.constant 0 : i32
        %dma_start3A_104 = tpu.memref_slice %arg6[%add3A_47, %dma_start3A_103] : memref<102400x128xf32, #tpu.memory_space<hbm>> -> memref<128x128xf32, #tpu.memory_space<hbm>>
        %dma_start3A_105 = arith.constant 0 : i32
        %dma_start3A_106 = tpu.memref_slice %arg6[%add3A_47, %dma_start3A_105] : memref<102400x128xf32, #tpu.memory_space<hbm>> -> memref<128x128xf32, #tpu.memory_space<hbm>>
        tpu.enqueue_dma source(%arg10 : memref<128x128xf32, #tpu.memory_space<vmem>>) target(%dma_start3A_106 : memref<128x128xf32, #tpu.memory_space<hbm>>) target_semaphore(%run_scoped3A : memref<!tpu.dma_semaphore, #tpu.memory_space<semaphore_mem>>)
        %dma_wait3A_107 = arith.constant 0 : i32
        %dma_wait3A_108 = tpu.memref_slice %arg6[%add3A_47, %dma_wait3A_107] : memref<102400x128xf32, #tpu.memory_space<hbm>> -> memref<128x128xf32, #tpu.memory_space<hbm>>
        %dma_wait3A_109 = arith.constant 0 : i32
        %dma_wait3A_110 = tpu.memref_slice %arg6[%add3A_47, %dma_wait3A_109] : memref<102400x128xf32, #tpu.memory_space<hbm>> -> memref<128x128xf32, #tpu.memory_space<hbm>>
        tpu.wait_dma2 semaphore(%run_scoped3A : memref<!tpu.dma_semaphore, #tpu.memory_space<semaphore_mem>>) src(%arg10 : memref<128x128xf32, #tpu.memory_space<vmem>>) dst(%dma_wait3A_110 : memref<128x128xf32, #tpu.memory_space<hbm>>)
        tpu.yield
      }) : () -> ()
      %dma_wait3A_72 = arith.constant 0 : i32
      %dma_wait3A_73 = tpu.memref_slice %arg7[%add3A_42, %dma_wait3A_72] : memref<25x128xi32, #tpu.memory_space<vmem>> -> memref<1x128xi32, #tpu.memory_space<vmem>>
      %dma_wait3A_74 = tpu.memref_squeeze %dma_wait3A_73 : memref<1x128xi32, #tpu.memory_space<vmem>> -> memref<128xi32, #tpu.memory_space<vmem>>
      %dma_wait3A_75 = arith.constant 0 : i32
      %dma_wait3A_76 = arith.constant 0 : i32
      %dma_wait3A_77 = tpu.memref_slice %arg2[%dma_wait3A_75, %dma_wait3A_76] : memref<10240x128xf32, #tpu.memory_space<hbm>> -> memref<10240x128xf32, #tpu.memory_space<hbm>>
      tpu.wait_indirect_dma semaphore(%arg15 : memref<!tpu.dma_semaphore, #tpu.memory_space<semaphore_mem>>) src(%dma_wait3A_77 : memref<10240x128xf32, #tpu.memory_space<hbm>>) dst(%arg11 : memref<128x128xf32, #tpu.memory_space<vmem>>)
      %dma_wait3A_78 = arith.constant 0 : i32
      %dma_wait3A_79 = tpu.memref_slice %arg8[%add3A_42, %dma_wait3A_78] : memref<25x128xi32, #tpu.memory_space<vmem>> -> memref<1x128xi32, #tpu.memory_space<vmem>>
      %dma_wait3A_80 = tpu.memref_squeeze %dma_wait3A_79 : memref<1x128xi32, #tpu.memory_space<vmem>> -> memref<128xi32, #tpu.memory_space<vmem>>
      %dma_wait3A_81 = arith.constant 0 : i32
      %dma_wait3A_82 = arith.constant 0 : i32
      %dma_wait3A_83 = tpu.memref_slice %arg2[%dma_wait3A_81, %dma_wait3A_82] : memref<10240x128xf32, #tpu.memory_space<hbm>> -> memref<10240x128xf32, #tpu.memory_space<hbm>>
      tpu.wait_indirect_dma semaphore(%arg16 : memref<!tpu.dma_semaphore, #tpu.memory_space<semaphore_mem>>) src(%dma_wait3A_83 : memref<10240x128xf32, #tpu.memory_space<hbm>>) dst(%arg12 : memref<128x128xf32, #tpu.memory_space<vmem>>)
      %add3A_84 = arith.constant 1 : i32
      %add3A_85 = arith.addi %add3A_42, %add3A_84 : i32
      %min3A = arith.constant 24 : i32
      %min3A_86 = arith.minsi %add3A_85, %min3A : i32
      %dma_start3A_87 = arith.constant 0 : i32
      %dma_start3A_88 = tpu.memref_slice %arg7[%min3A_86, %dma_start3A_87] : memref<25x128xi32, #tpu.memory_space<vmem>> -> memref<1x128xi32, #tpu.memory_space<vmem>>
      %dma_start3A_89 = tpu.memref_squeeze %dma_start3A_88 : memref<1x128xi32, #tpu.memory_space<vmem>> -> memref<128xi32, #tpu.memory_space<vmem>>
      %dma_start3A_90 = arith.constant 0 : i32
      %dma_start3A_91 = arith.constant 0 : i32
      %dma_start3A_92 = tpu.memref_slice %arg2[%dma_start3A_90, %dma_start3A_91] : memref<10240x128xf32, #tpu.memory_space<hbm>> -> memref<10240x128xf32, #tpu.memory_space<hbm>>
      tpu.enqueue_indirect_dma source(%dma_start3A_92 : memref<10240x128xf32, #tpu.memory_space<hbm>>) target(%arg9 : memref<128x128xf32, #tpu.memory_space<vmem>>) offsets(%dma_start3A_89 : memref<128xi32, #tpu.memory_space<vmem>>) semaphore(%arg13 : memref<!tpu.dma_semaphore, #tpu.memory_space<semaphore_mem>>)
      %dma_start3A_93 = arith.constant 0 : i32
      %dma_start3A_94 = tpu.memref_slice %arg8[%min3A_86, %dma_start3A_93] : memref<25x128xi32, #tpu.memory_space<vmem>> -> memref<1x128xi32, #tpu.memory_space<vmem>>
      %dma_start3A_95 = tpu.memref_squeeze %dma_start3A_94 : memref<1x128xi32, #tpu.memory_space<vmem>> -> memref<128xi32, #tpu.memory_space<vmem>>
      %dma_start3A_96 = arith.constant 0 : i32
      %dma_start3A_97 = arith.constant 0 : i32
      %dma_start3A_98 = tpu.memref_slice %arg2[%dma_start3A_96, %dma_start3A_97] : memref<10240x128xf32, #tpu.memory_space<hbm>> -> memref<10240x128xf32, #tpu.memory_space<hbm>>
      tpu.enqueue_indirect_dma source(%dma_start3A_98 : memref<10240x128xf32, #tpu.memory_space<hbm>>) target(%arg10 : memref<128x128xf32, #tpu.memory_space<vmem>>) offsets(%dma_start3A_95 : memref<128xi32, #tpu.memory_space<vmem>>) semaphore(%arg14 : memref<!tpu.dma_semaphore, #tpu.memory_space<semaphore_mem>>)
      %add3A_99 = arith.constant 128 : i32
      %add3A_100 = arith.addi %add3A_47, %add3A_99 : i32
      "tpu.region"() ({
        %run_scoped3A = tpu.sem_alloc : memref<!tpu.dma_semaphore, #tpu.memory_space<semaphore_mem>>
        %dma_start3A_103 = arith.constant 0 : i32
        %dma_start3A_104 = tpu.memref_slice %arg5[%add3A_100, %dma_start3A_103] : memref<102400x128xf32, #tpu.memory_space<hbm>> -> memref<128x128xf32, #tpu.memory_space<hbm>>
        %dma_start3A_105 = arith.constant 0 : i32
        %dma_start3A_106 = tpu.memref_slice %arg5[%add3A_100, %dma_start3A_105] : memref<102400x128xf32, #tpu.memory_space<hbm>> -> memref<128x128xf32, #tpu.memory_space<hbm>>
        tpu.enqueue_dma source(%arg11 : memref<128x128xf32, #tpu.memory_space<vmem>>) target(%dma_start3A_106 : memref<128x128xf32, #tpu.memory_space<hbm>>) target_semaphore(%run_scoped3A : memref<!tpu.dma_semaphore, #tpu.memory_space<semaphore_mem>>)
        %dma_wait3A_107 = arith.constant 0 : i32
        %dma_wait3A_108 = tpu.memref_slice %arg5[%add3A_100, %dma_wait3A_107] : memref<102400x128xf32, #tpu.memory_space<hbm>> -> memref<128x128xf32, #tpu.memory_space<hbm>>
        %dma_wait3A_109 = arith.constant 0 : i32
        %dma_wait3A_110 = tpu.memref_slice %arg5[%add3A_100, %dma_wait3A_109] : memref<102400x128xf32, #tpu.memory_space<hbm>> -> memref<128x128xf32, #tpu.memory_space<hbm>>
        tpu.wait_dma2 semaphore(%run_scoped3A : memref<!tpu.dma_semaphore, #tpu.memory_space<semaphore_mem>>) src(%arg11 : memref<128x128xf32, #tpu.memory_space<vmem>>) dst(%dma_wait3A_110 : memref<128x128xf32, #tpu.memory_space<hbm>>)
        tpu.yield
      }) : () -> ()
      %add3A_101 = arith.constant 128 : i32
      %add3A_102 = arith.addi %add3A_47, %add3A_101 : i32
      "tpu.region"() ({
        %run_scoped3A = tpu.sem_alloc : memref<!tpu.dma_semaphore, #tpu.memory_space<semaphore_mem>>
        %dma_start3A_103 = arith.constant 0 : i32
        %dma_start3A_104 = tpu.memref_slice %arg6[%add3A_102, %dma_start3A_103] : memref<102400x128xf32, #tpu.memory_space<hbm>> -> memref<128x128xf32, #tpu.memory_space<hbm>>
        %dma_start3A_105 = arith.constant 0 : i32
        %dma_start3A_106 = tpu.memref_slice %arg6[%add3A_102, %dma_start3A_105] : memref<102400x128xf32, #tpu.memory_space<hbm>> -> memref<128x128xf32, #tpu.memory_space<hbm>>
        tpu.enqueue_dma source(%arg12 : memref<128x128xf32, #tpu.memory_space<vmem>>) target(%dma_start3A_106 : memref<128x128xf32, #tpu.memory_space<hbm>>) target_semaphore(%run_scoped3A : memref<!tpu.dma_semaphore, #tpu.memory_space<semaphore_mem>>)
        %dma_wait3A_107 = arith.constant 0 : i32
        %dma_wait3A_108 = tpu.memref_slice %arg6[%add3A_102, %dma_wait3A_107] : memref<102400x128xf32, #tpu.memory_space<hbm>> -> memref<128x128xf32, #tpu.memory_space<hbm>>
        %dma_wait3A_109 = arith.constant 0 : i32
        %dma_wait3A_110 = tpu.memref_slice %arg6[%add3A_102, %dma_wait3A_109] : memref<102400x128xf32, #tpu.memory_space<hbm>> -> memref<128x128xf32, #tpu.memory_space<hbm>>
        tpu.wait_dma2 semaphore(%run_scoped3A : memref<!tpu.dma_semaphore, #tpu.memory_space<semaphore_mem>>) src(%arg12 : memref<128x128xf32, #tpu.memory_space<vmem>>) dst(%dma_wait3A_110 : memref<128x128xf32, #tpu.memory_space<hbm>>)
        tpu.yield
      }) : () -> ()
    }
    %scan3A_18 = arith.constant 12 : i32
    %mul3A_19 = arith.constant 3200 : i32
    %mul3A_20 = arith.muli %add3A, %mul3A_19 : i32
    %add3A_21 = arith.constant 3072 : i32
    %add3A_22 = arith.addi %mul3A_20, %add3A_21 : i32
    %dma_wait3A = arith.constant 24 : i32
    %dma_wait3A_23 = arith.constant 0 : i32
    %dma_wait3A_24 = tpu.memref_slice %arg7[%dma_wait3A, %dma_wait3A_23] : memref<25x128xi32, #tpu.memory_space<vmem>> -> memref<1x128xi32, #tpu.memory_space<vmem>>
    %dma_wait3A_25 = tpu.memref_squeeze %dma_wait3A_24 : memref<1x128xi32, #tpu.memory_space<vmem>> -> memref<128xi32, #tpu.memory_space<vmem>>
    %dma_wait3A_26 = arith.constant 0 : i32
    %dma_wait3A_27 = arith.constant 0 : i32
    %dma_wait3A_28 = tpu.memref_slice %arg2[%dma_wait3A_26, %dma_wait3A_27] : memref<10240x128xf32, #tpu.memory_space<hbm>> -> memref<10240x128xf32, #tpu.memory_space<hbm>>
    tpu.wait_indirect_dma semaphore(%arg13 : memref<!tpu.dma_semaphore, #tpu.memory_space<semaphore_mem>>) src(%dma_wait3A_28 : memref<10240x128xf32, #tpu.memory_space<hbm>>) dst(%arg9 : memref<128x128xf32, #tpu.memory_space<vmem>>)
    %dma_wait3A_29 = arith.constant 24 : i32
    %dma_wait3A_30 = arith.constant 0 : i32
    %dma_wait3A_31 = tpu.memref_slice %arg8[%dma_wait3A_29, %dma_wait3A_30] : memref<25x128xi32, #tpu.memory_space<vmem>> -> memref<1x128xi32, #tpu.memory_space<vmem>>
    %dma_wait3A_32 = tpu.memref_squeeze %dma_wait3A_31 : memref<1x128xi32, #tpu.memory_space<vmem>> -> memref<128xi32, #tpu.memory_space<vmem>>
    %dma_wait3A_33 = arith.constant 0 : i32
    %dma_wait3A_34 = arith.constant 0 : i32
    %dma_wait3A_35 = tpu.memref_slice %arg2[%dma_wait3A_33, %dma_wait3A_34] : memref<10240x128xf32, #tpu.memory_space<hbm>> -> memref<10240x128xf32, #tpu.memory_space<hbm>>
    tpu.wait_indirect_dma semaphore(%arg14 : memref<!tpu.dma_semaphore, #tpu.memory_space<semaphore_mem>>) src(%dma_wait3A_35 : memref<10240x128xf32, #tpu.memory_space<hbm>>) dst(%arg10 : memref<128x128xf32, #tpu.memory_space<vmem>>)
    "tpu.region"() ({
      %run_scoped3A = tpu.sem_alloc : memref<!tpu.dma_semaphore, #tpu.memory_space<semaphore_mem>>
      %dma_start3A_36 = arith.constant 0 : i32
      %dma_start3A_37 = tpu.memref_slice %arg5[%add3A_22, %dma_start3A_36] : memref<102400x128xf32, #tpu.memory_space<hbm>> -> memref<128x128xf32, #tpu.memory_space<hbm>>
      %dma_start3A_38 = arith.constant 0 : i32
      %dma_start3A_39 = tpu.memref_slice %arg5[%add3A_22, %dma_start3A_38] : memref<102400x128xf32, #tpu.memory_space<hbm>> -> memref<128x128xf32, #tpu.memory_space<hbm>>
      tpu.enqueue_dma source(%arg9 : memref<128x128xf32, #tpu.memory_space<vmem>>) target(%dma_start3A_39 : memref<128x128xf32, #tpu.memory_space<hbm>>) target_semaphore(%run_scoped3A : memref<!tpu.dma_semaphore, #tpu.memory_space<semaphore_mem>>)
      %dma_wait3A_40 = arith.constant 0 : i32
      %dma_wait3A_41 = tpu.memref_slice %arg5[%add3A_22, %dma_wait3A_40] : memref<102400x128xf32, #tpu.memory_space<hbm>> -> memref<128x128xf32, #tpu.memory_space<hbm>>
      %dma_wait3A_42 = arith.constant 0 : i32
      %dma_wait3A_43 = tpu.memref_slice %arg5[%add3A_22, %dma_wait3A_42] : memref<102400x128xf32, #tpu.memory_space<hbm>> -> memref<128x128xf32, #tpu.memory_space<hbm>>
      tpu.wait_dma2 semaphore(%run_scoped3A : memref<!tpu.dma_semaphore, #tpu.memory_space<semaphore_mem>>) src(%arg9 : memref<128x128xf32, #tpu.memory_space<vmem>>) dst(%dma_wait3A_43 : memref<128x128xf32, #tpu.memory_space<hbm>>)
      tpu.yield
    }) : () -> ()
    "tpu.region"() ({
      %run_scoped3A = tpu.sem_alloc : memref<!tpu.dma_semaphore, #tpu.memory_space<semaphore_mem>>
      %dma_start3A_36 = arith.constant 0 : i32
      %dma_start3A_37 = tpu.memref_slice %arg6[%add3A_22, %dma_start3A_36] : memref<102400x128xf32, #tpu.memory_space<hbm>> -> memref<128x128xf32, #tpu.memory_space<hbm>>
      %dma_start3A_38 = arith.constant 0 : i32
      %dma_start3A_39 = tpu.memref_slice %arg6[%add3A_22, %dma_start3A_38] : memref<102400x128xf32, #tpu.memory_space<hbm>> -> memref<128x128xf32, #tpu.memory_space<hbm>>
      tpu.enqueue_dma source(%arg10 : memref<128x128xf32, #tpu.memory_space<vmem>>) target(%dma_start3A_39 : memref<128x128xf32, #tpu.memory_space<hbm>>) target_semaphore(%run_scoped3A : memref<!tpu.dma_semaphore, #tpu.memory_space<semaphore_mem>>)
      %dma_wait3A_40 = arith.constant 0 : i32
      %dma_wait3A_41 = tpu.memref_slice %arg6[%add3A_22, %dma_wait3A_40] : memref<102400x128xf32, #tpu.memory_space<hbm>> -> memref<128x128xf32, #tpu.memory_space<hbm>>
      %dma_wait3A_42 = arith.constant 0 : i32
      %dma_wait3A_43 = tpu.memref_slice %arg6[%add3A_22, %dma_wait3A_42] : memref<102400x128xf32, #tpu.memory_space<hbm>> -> memref<128x128xf32, #tpu.memory_space<hbm>>
      tpu.wait_dma2 semaphore(%run_scoped3A : memref<!tpu.dma_semaphore, #tpu.memory_space<semaphore_mem>>) src(%arg10 : memref<128x128xf32, #tpu.memory_space<vmem>>) dst(%dma_wait3A_43 : memref<128x128xf32, #tpu.memory_space<hbm>>)
      tpu.yield
    }) : () -> ()
    return
  }
}

#map = affine_map<(d0, d1) -> (0, 0)>
#map1 = affine_map<(d0, d1) -> (0, 0, 0)>
#map2 = affine_map<(d0, d1) -> (0, 0, 0, 0, 0)>
module attributes {stable_mosaic.version = 14 : i64} {
  func.func @_spmm_body(%arg0: i32, %arg1: i32, %arg2: memref<10240x64xf32, #tpu.memory_space<hbm>>, %arg3: memref<32x80x128xi32, #tpu.memory_space<hbm>>, %arg4: memref<32x80x128xi32, #tpu.memory_space<hbm>>, %arg5: memref<2x16x5x128x64xf32, #tpu.memory_space<hbm>>, %arg6: memref<80x128xi32, #tpu.memory_space<vmem>>, %arg7: memref<80x128xi32, #tpu.memory_space<vmem>>, %arg8: memref<128x64xf32, #tpu.memory_space<vmem>>, %arg9: memref<128x64xf32, #tpu.memory_space<vmem>>, %arg10: memref<10240x64xf32, #tpu.memory_space<vmem_shared>>, %arg11: memref<!tpu.dma_semaphore, #tpu.memory_space<semaphore_mem>>, %arg12: memref<!tpu.dma_semaphore, #tpu.memory_space<semaphore_mem>>) attributes {dimension_semantics = [#tpu.dimension_semantics<core_parallel>, #tpu.dimension_semantics<subcore_parallel>], iteration_bounds = array<i64: 2, 16>, scalar_prefetch = 0 : i64, scratch_operands = 7 : i64, tpu.core_type = #tpu.core_type<sc_vector_subcore>, window_params = [{transform_indices = #map}, {transform_indices = #map1}, {transform_indices = #map1}, {transform_indices = #map2}]} {
    %mul3A = arith.constant 2 : i32
    %mul3A_0 = arith.muli %arg1, %mul3A : i32
    %add3A = arith.addi %mul3A_0, %arg0 : i32
    %scan3A = arith.constant 0 : i32
    %scan3A_1 = arith.constant 0 : i32
    %scan3A_2 = arith.constant 128 : i32
    %scan3A_3 = arith.addi %scan3A_1, %scan3A_2 : i32
    %scan3A_4 = arith.constant 1 : i32
    scf.for %scan3A_76 = %scan3A_1 to %scan3A_3 step %scan3A_4  : i32 {
      %broadcast_in_dim3A = arith.constant 0.000000e+00 : f32
      %broadcast_in_dim3A_77 = vector.broadcast %broadcast_in_dim3A : f32 to vector<16xf32>
      %swap3A = arith.index_cast %scan3A_76 : i32 to index
      %swap3A_78 = arith.constant 0 : index
      %swap3A_79 = tpu.vector_load %arg8[%swap3A, %swap3A_78] {strides = array<i32>} : memref<128x64xf32, #tpu.memory_space<vmem>>, vector<1x16xf32>,
      %swap3A_80 = vector.shape_cast %swap3A_79 : vector<1x16xf32> to vector<16xf32>
      %swap3A_81 = vector.shape_cast %broadcast_in_dim3A_77 : vector<16xf32> to vector<1x16xf32>
      tpu.vector_store %arg8[%swap3A, %swap3A_78], %swap3A_81 {strides = array<i32>} : memref<128x64xf32, #tpu.memory_space<vmem>>, vector<1x16xf32>,
      %broadcast_in_dim3A_82 = arith.constant 0.000000e+00 : f32
      %broadcast_in_dim3A_83 = vector.broadcast %broadcast_in_dim3A_82 : f32 to vector<16xf32>
      %swap3A_84 = arith.index_cast %scan3A_76 : i32 to index
      %swap3A_85 = arith.constant 16 : index
      %swap3A_86 = tpu.vector_load %arg8[%swap3A_84, %swap3A_85] {strides = array<i32>} : memref<128x64xf32, #tpu.memory_space<vmem>>, vector<1x16xf32>,
      %swap3A_87 = vector.shape_cast %swap3A_86 : vector<1x16xf32> to vector<16xf32>
      %swap3A_88 = vector.shape_cast %broadcast_in_dim3A_83 : vector<16xf32> to vector<1x16xf32>
      tpu.vector_store %arg8[%swap3A_84, %swap3A_85], %swap3A_88 {strides = array<i32>} : memref<128x64xf32, #tpu.memory_space<vmem>>, vector<1x16xf32>,
      %broadcast_in_dim3A_89 = arith.constant 0.000000e+00 : f32
      %broadcast_in_dim3A_90 = vector.broadcast %broadcast_in_dim3A_89 : f32 to vector<16xf32>
      %swap3A_91 = arith.index_cast %scan3A_76 : i32 to index
      %swap3A_92 = arith.constant 32 : index
      %swap3A_93 = tpu.vector_load %arg8[%swap3A_91, %swap3A_92] {strides = array<i32>} : memref<128x64xf32, #tpu.memory_space<vmem>>, vector<1x16xf32>,
      %swap3A_94 = vector.shape_cast %swap3A_93 : vector<1x16xf32> to vector<16xf32>
      %swap3A_95 = vector.shape_cast %broadcast_in_dim3A_90 : vector<16xf32> to vector<1x16xf32>
      tpu.vector_store %arg8[%swap3A_91, %swap3A_92], %swap3A_95 {strides = array<i32>} : memref<128x64xf32, #tpu.memory_space<vmem>>, vector<1x16xf32>,
      %broadcast_in_dim3A_96 = arith.constant 0.000000e+00 : f32
      %broadcast_in_dim3A_97 = vector.broadcast %broadcast_in_dim3A_96 : f32 to vector<16xf32>
      %swap3A_98 = arith.index_cast %scan3A_76 : i32 to index
      %swap3A_99 = arith.constant 48 : index
      %swap3A_100 = tpu.vector_load %arg8[%swap3A_98, %swap3A_99] {strides = array<i32>} : memref<128x64xf32, #tpu.memory_space<vmem>>, vector<1x16xf32>,
      %swap3A_101 = vector.shape_cast %swap3A_100 : vector<1x16xf32> to vector<16xf32>
      %swap3A_102 = vector.shape_cast %broadcast_in_dim3A_97 : vector<16xf32> to vector<1x16xf32>
      tpu.vector_store %arg8[%swap3A_98, %swap3A_99], %swap3A_102 {strides = array<i32>} : memref<128x64xf32, #tpu.memory_space<vmem>>, vector<1x16xf32>,
    }
    %scan3A_5 = arith.constant 128 : i32
    %mul3A_6 = arith.constant 640 : i32
    %mul3A_7 = arith.muli %arg1, %mul3A_6 : i32
    %add3A_8 = arith.constant 0 : i32
    %add3A_9 = arith.addi %mul3A_7, %add3A_8 : i32
    "tpu.region"() ({
      %run_scoped3A_76 = tpu.sem_alloc : memref<!tpu.dma_semaphore, #tpu.memory_space<semaphore_mem>>
      %dma_start3A_77 = arith.constant 0 : i32
      %dma_start3A_78 = tpu.memref_slice %arg10[%add3A_9, %dma_start3A_77] : memref<10240x64xf32, #tpu.memory_space<vmem_shared>> -> memref<128x64xf32, #tpu.memory_space<vmem_shared>>
      %dma_start3A_79 = arith.constant 0 : i32
      %dma_start3A_80 = tpu.memref_slice %arg10[%add3A_9, %dma_start3A_79] : memref<10240x64xf32, #tpu.memory_space<vmem_shared>> -> memref<128x64xf32, #tpu.memory_space<vmem_shared>>
      tpu.enqueue_dma source(%arg8 : memref<128x64xf32, #tpu.memory_space<vmem>>) target(%dma_start3A_80 : memref<128x64xf32, #tpu.memory_space<vmem_shared>>) target_semaphore(%run_scoped3A_76 : memref<!tpu.dma_semaphore, #tpu.memory_space<semaphore_mem>>)
      %dma_wait3A_81 = arith.constant 0 : i32
      %dma_wait3A_82 = tpu.memref_slice %arg10[%add3A_9, %dma_wait3A_81] : memref<10240x64xf32, #tpu.memory_space<vmem_shared>> -> memref<128x64xf32, #tpu.memory_space<vmem_shared>>
      %dma_wait3A_83 = arith.constant 0 : i32
      %dma_wait3A_84 = tpu.memref_slice %arg10[%add3A_9, %dma_wait3A_83] : memref<10240x64xf32, #tpu.memory_space<vmem_shared>> -> memref<128x64xf32, #tpu.memory_space<vmem_shared>>
      tpu.wait_dma2 semaphore(%run_scoped3A_76 : memref<!tpu.dma_semaphore, #tpu.memory_space<semaphore_mem>>) src(%arg8 : memref<128x64xf32, #tpu.memory_space<vmem>>) dst(%dma_wait3A_84 : memref<128x64xf32, #tpu.memory_space<vmem_shared>>)
      tpu.yield
    }) : () -> ()
    %mul3A_10 = arith.constant 640 : i32
    %mul3A_11 = arith.muli %arg1, %mul3A_10 : i32
    %add3A_12 = arith.constant 128 : i32
    %add3A_13 = arith.addi %mul3A_11, %add3A_12 : i32
    "tpu.region"() ({
      %run_scoped3A_76 = tpu.sem_alloc : memref<!tpu.dma_semaphore, #tpu.memory_space<semaphore_mem>>
      %dma_start3A_77 = arith.constant 0 : i32
      %dma_start3A_78 = tpu.memref_slice %arg10[%add3A_13, %dma_start3A_77] : memref<10240x64xf32, #tpu.memory_space<vmem_shared>> -> memref<128x64xf32, #tpu.memory_space<vmem_shared>>
      %dma_start3A_79 = arith.constant 0 : i32
      %dma_start3A_80 = tpu.memref_slice %arg10[%add3A_13, %dma_start3A_79] : memref<10240x64xf32, #tpu.memory_space<vmem_shared>> -> memref<128x64xf32, #tpu.memory_space<vmem_shared>>
      tpu.enqueue_dma source(%arg8 : memref<128x64xf32, #tpu.memory_space<vmem>>) target(%dma_start3A_80 : memref<128x64xf32, #tpu.memory_space<vmem_shared>>) target_semaphore(%run_scoped3A_76 : memref<!tpu.dma_semaphore, #tpu.memory_space<semaphore_mem>>)
      %dma_wait3A_81 = arith.constant 0 : i32
      %dma_wait3A_82 = tpu.memref_slice %arg10[%add3A_13, %dma_wait3A_81] : memref<10240x64xf32, #tpu.memory_space<vmem_shared>> -> memref<128x64xf32, #tpu.memory_space<vmem_shared>>
      %dma_wait3A_83 = arith.constant 0 : i32
      %dma_wait3A_84 = tpu.memref_slice %arg10[%add3A_13, %dma_wait3A_83] : memref<10240x64xf32, #tpu.memory_space<vmem_shared>> -> memref<128x64xf32, #tpu.memory_space<vmem_shared>>
      tpu.wait_dma2 semaphore(%run_scoped3A_76 : memref<!tpu.dma_semaphore, #tpu.memory_space<semaphore_mem>>) src(%arg8 : memref<128x64xf32, #tpu.memory_space<vmem>>) dst(%dma_wait3A_84 : memref<128x64xf32, #tpu.memory_space<vmem_shared>>)
      tpu.yield
    }) : () -> ()
    %mul3A_14 = arith.constant 640 : i32
    %mul3A_15 = arith.muli %arg1, %mul3A_14 : i32
    %add3A_16 = arith.constant 256 : i32
    %add3A_17 = arith.addi %mul3A_15, %add3A_16 : i32
    "tpu.region"() ({
      %run_scoped3A_76 = tpu.sem_alloc : memref<!tpu.dma_semaphore, #tpu.memory_space<semaphore_mem>>
      %dma_start3A_77 = arith.constant 0 : i32
      %dma_start3A_78 = tpu.memref_slice %arg10[%add3A_17, %dma_start3A_77] : memref<10240x64xf32, #tpu.memory_space<vmem_shared>> -> memref<128x64xf32, #tpu.memory_space<vmem_shared>>
      %dma_start3A_79 = arith.constant 0 : i32
      %dma_start3A_80 = tpu.memref_slice %arg10[%add3A_17, %dma_start3A_79] : memref<10240x64xf32, #tpu.memory_space<vmem_shared>> -> memref<128x64xf32, #tpu.memory_space<vmem_shared>>
      tpu.enqueue_dma source(%arg8 : memref<128x64xf32, #tpu.memory_space<vmem>>) target(%dma_start3A_80 : memref<128x64xf32, #tpu.memory_space<vmem_shared>>) target_semaphore(%run_scoped3A_76 : memref<!tpu.dma_semaphore, #tpu.memory_space<semaphore_mem>>)
      %dma_wait3A_81 = arith.constant 0 : i32
      %dma_wait3A_82 = tpu.memref_slice %arg10[%add3A_17, %dma_wait3A_81] : memref<10240x64xf32, #tpu.memory_space<vmem_shared>> -> memref<128x64xf32, #tpu.memory_space<vmem_shared>>
      %dma_wait3A_83 = arith.constant 0 : i32
      %dma_wait3A_84 = tpu.memref_slice %arg10[%add3A_17, %dma_wait3A_83] : memref<10240x64xf32, #tpu.memory_space<vmem_shared>> -> memref<128x64xf32, #tpu.memory_space<vmem_shared>>
      tpu.wait_dma2 semaphore(%run_scoped3A_76 : memref<!tpu.dma_semaphore, #tpu.memory_space<semaphore_mem>>) src(%arg8 : memref<128x64xf32, #tpu.memory_space<vmem>>) dst(%dma_wait3A_84 : memref<128x64xf32, #tpu.memory_space<vmem_shared>>)
      tpu.yield
    }) : () -> ()
    %mul3A_18 = arith.constant 640 : i32
    %mul3A_19 = arith.muli %arg1, %mul3A_18 : i32
    %add3A_20 = arith.constant 384 : i32
    %add3A_21 = arith.addi %mul3A_19, %add3A_20 : i32
    "tpu.region"() ({
      %run_scoped3A_76 = tpu.sem_alloc : memref<!tpu.dma_semaphore, #tpu.memory_space<semaphore_mem>>
      %dma_start3A_77 = arith.constant 0 : i32
      %dma_start3A_78 = tpu.memref_slice %arg10[%add3A_21, %dma_start3A_77] : memref<10240x64xf32, #tpu.memory_space<vmem_shared>> -> memref<128x64xf32, #tpu.memory_space<vmem_shared>>
      %dma_start3A_79 = arith.constant 0 : i32
      %dma_start3A_80 = tpu.memref_slice %arg10[%add3A_21, %dma_start3A_79] : memref<10240x64xf32, #tpu.memory_space<vmem_shared>> -> memref<128x64xf32, #tpu.memory_space<vmem_shared>>
      tpu.enqueue_dma source(%arg8 : memref<128x64xf32, #tpu.memory_space<vmem>>) target(%dma_start3A_80 : memref<128x64xf32, #tpu.memory_space<vmem_shared>>) target_semaphore(%run_scoped3A_76 : memref<!tpu.dma_semaphore, #tpu.memory_space<semaphore_mem>>)
      %dma_wait3A_81 = arith.constant 0 : i32
      %dma_wait3A_82 = tpu.memref_slice %arg10[%add3A_21, %dma_wait3A_81] : memref<10240x64xf32, #tpu.memory_space<vmem_shared>> -> memref<128x64xf32, #tpu.memory_space<vmem_shared>>
      %dma_wait3A_83 = arith.constant 0 : i32
      %dma_wait3A_84 = tpu.memref_slice %arg10[%add3A_21, %dma_wait3A_83] : memref<10240x64xf32, #tpu.memory_space<vmem_shared>> -> memref<128x64xf32, #tpu.memory_space<vmem_shared>>
      tpu.wait_dma2 semaphore(%run_scoped3A_76 : memref<!tpu.dma_semaphore, #tpu.memory_space<semaphore_mem>>) src(%arg8 : memref<128x64xf32, #tpu.memory_space<vmem>>) dst(%dma_wait3A_84 : memref<128x64xf32, #tpu.memory_space<vmem_shared>>)
      tpu.yield
    }) : () -> ()
    %mul3A_22 = arith.constant 640 : i32
    %mul3A_23 = arith.muli %arg1, %mul3A_22 : i32
    %add3A_24 = arith.constant 512 : i32
    %add3A_25 = arith.addi %mul3A_23, %add3A_24 : i32
    "tpu.region"() ({
      %run_scoped3A_76 = tpu.sem_alloc : memref<!tpu.dma_semaphore, #tpu.memory_space<semaphore_mem>>
      %dma_start3A_77 = arith.constant 0 : i32
      %dma_start3A_78 = tpu.memref_slice %arg10[%add3A_25, %dma_start3A_77] : memref<10240x64xf32, #tpu.memory_space<vmem_shared>> -> memref<128x64xf32, #tpu.memory_space<vmem_shared>>
      %dma_start3A_79 = arith.constant 0 : i32
      %dma_start3A_80 = tpu.memref_slice %arg10[%add3A_25, %dma_start3A_79] : memref<10240x64xf32, #tpu.memory_space<vmem_shared>> -> memref<128x64xf32, #tpu.memory_space<vmem_shared>>
      tpu.enqueue_dma source(%arg8 : memref<128x64xf32, #tpu.memory_space<vmem>>) target(%dma_start3A_80 : memref<128x64xf32, #tpu.memory_space<vmem_shared>>) target_semaphore(%run_scoped3A_76 : memref<!tpu.dma_semaphore, #tpu.memory_space<semaphore_mem>>)
      %dma_wait3A_81 = arith.constant 0 : i32
      %dma_wait3A_82 = tpu.memref_slice %arg10[%add3A_25, %dma_wait3A_81] : memref<10240x64xf32, #tpu.memory_space<vmem_shared>> -> memref<128x64xf32, #tpu.memory_space<vmem_shared>>
      %dma_wait3A_83 = arith.constant 0 : i32
      %dma_wait3A_84 = tpu.memref_slice %arg10[%add3A_25, %dma_wait3A_83] : memref<10240x64xf32, #tpu.memory_space<vmem_shared>> -> memref<128x64xf32, #tpu.memory_space<vmem_shared>>
      tpu.wait_dma2 semaphore(%run_scoped3A_76 : memref<!tpu.dma_semaphore, #tpu.memory_space<semaphore_mem>>) src(%arg8 : memref<128x64xf32, #tpu.memory_space<vmem>>) dst(%dma_wait3A_84 : memref<128x64xf32, #tpu.memory_space<vmem_shared>>)
      tpu.yield
    }) : () -> ()
    %barrier3A = arith.constant 0 : index
    tpu.barrier barrier_id(%barrier3A)
    %scan3A_26 = arith.constant 0 : i32
    %scan3A_27 = arith.constant 0 : i32
    %mul3A_28 = arith.constant 80 : i32
    %mul3A_29 = arith.muli %scan3A_27, %mul3A_28 : i32
    "tpu.region"() ({
      %run_scoped3A_76 = tpu.sem_alloc : memref<!tpu.dma_semaphore, #tpu.memory_space<semaphore_mem>>
      %dma_start3A_77 = arith.constant 0 : i32
      %dma_start3A_78 = tpu.memref_slice %arg3[%add3A, %mul3A_29, %dma_start3A_77] : memref<32x80x128xi32, #tpu.memory_space<hbm>> -> memref<1x80x128xi32, #tpu.memory_space<hbm>>
      %dma_start3A_79 = tpu.memref_squeeze %dma_start3A_78 : memref<1x80x128xi32, #tpu.memory_space<hbm>> -> memref<80x128xi32, #tpu.memory_space<hbm>>
      %dma_start3A_80 = arith.constant 0 : i32
      %dma_start3A_81 = tpu.memref_slice %arg3[%add3A, %mul3A_29, %dma_start3A_80] : memref<32x80x128xi32, #tpu.memory_space<hbm>> -> memref<1x80x128xi32, #tpu.memory_space<hbm>>
      %dma_start3A_82 = tpu.memref_squeeze %dma_start3A_81 : memref<1x80x128xi32, #tpu.memory_space<hbm>> -> memref<80x128xi32, #tpu.memory_space<hbm>>
      tpu.enqueue_dma source(%dma_start3A_82 : memref<80x128xi32, #tpu.memory_space<hbm>>) target(%arg6 : memref<80x128xi32, #tpu.memory_space<vmem>>) target_semaphore(%run_scoped3A_76 : memref<!tpu.dma_semaphore, #tpu.memory_space<semaphore_mem>>)
      %dma_wait3A_83 = arith.constant 0 : i32
      %dma_wait3A_84 = tpu.memref_slice %arg3[%add3A, %mul3A_29, %dma_wait3A_83] : memref<32x80x128xi32, #tpu.memory_space<hbm>> -> memref<1x80x128xi32, #tpu.memory_space<hbm>>
      %dma_wait3A_85 = tpu.memref_squeeze %dma_wait3A_84 : memref<1x80x128xi32, #tpu.memory_space<hbm>> -> memref<80x128xi32, #tpu.memory_space<hbm>>
      %dma_wait3A_86 = arith.constant 0 : i32
      %dma_wait3A_87 = tpu.memref_slice %arg3[%add3A, %mul3A_29, %dma_wait3A_86] : memref<32x80x128xi32, #tpu.memory_space<hbm>> -> memref<1x80x128xi32, #tpu.memory_space<hbm>>
      %dma_wait3A_88 = tpu.memref_squeeze %dma_wait3A_87 : memref<1x80x128xi32, #tpu.memory_space<hbm>> -> memref<80x128xi32, #tpu.memory_space<hbm>>
      tpu.wait_dma2 semaphore(%run_scoped3A_76 : memref<!tpu.dma_semaphore, #tpu.memory_space<semaphore_mem>>) src(%dma_wait3A_88 : memref<80x128xi32, #tpu.memory_space<hbm>>) dst(%arg6 : memref<80x128xi32, #tpu.memory_space<vmem>>)
      tpu.yield
    }) : () -> ()
    %mul3A_30 = arith.constant 80 : i32
    %mul3A_31 = arith.muli %scan3A_27, %mul3A_30 : i32
    "tpu.region"() ({
      %run_scoped3A_76 = tpu.sem_alloc : memref<!tpu.dma_semaphore, #tpu.memory_space<semaphore_mem>>
      %dma_start3A_77 = arith.constant 0 : i32
      %dma_start3A_78 = tpu.memref_slice %arg4[%add3A, %mul3A_31, %dma_start3A_77] : memref<32x80x128xi32, #tpu.memory_space<hbm>> -> memref<1x80x128xi32, #tpu.memory_space<hbm>>
      %dma_start3A_79 = tpu.memref_squeeze %dma_start3A_78 : memref<1x80x128xi32, #tpu.memory_space<hbm>> -> memref<80x128xi32, #tpu.memory_space<hbm>>
      %dma_start3A_80 = arith.constant 0 : i32
      %dma_start3A_81 = tpu.memref_slice %arg4[%add3A, %mul3A_31, %dma_start3A_80] : memref<32x80x128xi32, #tpu.memory_space<hbm>> -> memref<1x80x128xi32, #tpu.memory_space<hbm>>
      %dma_start3A_82 = tpu.memref_squeeze %dma_start3A_81 : memref<1x80x128xi32, #tpu.memory_space<hbm>> -> memref<80x128xi32, #tpu.memory_space<hbm>>
      tpu.enqueue_dma source(%dma_start3A_82 : memref<80x128xi32, #tpu.memory_space<hbm>>) target(%arg7 : memref<80x128xi32, #tpu.memory_space<vmem>>) target_semaphore(%run_scoped3A_76 : memref<!tpu.dma_semaphore, #tpu.memory_space<semaphore_mem>>)
      %dma_wait3A_83 = arith.constant 0 : i32
      %dma_wait3A_84 = tpu.memref_slice %arg4[%add3A, %mul3A_31, %dma_wait3A_83] : memref<32x80x128xi32, #tpu.memory_space<hbm>> -> memref<1x80x128xi32, #tpu.memory_space<hbm>>
      %dma_wait3A_85 = tpu.memref_squeeze %dma_wait3A_84 : memref<1x80x128xi32, #tpu.memory_space<hbm>> -> memref<80x128xi32, #tpu.memory_space<hbm>>
      %dma_wait3A_86 = arith.constant 0 : i32
      %dma_wait3A_87 = tpu.memref_slice %arg4[%add3A, %mul3A_31, %dma_wait3A_86] : memref<32x80x128xi32, #tpu.memory_space<hbm>> -> memref<1x80x128xi32, #tpu.memory_space<hbm>>
      %dma_wait3A_88 = tpu.memref_squeeze %dma_wait3A_87 : memref<1x80x128xi32, #tpu.memory_space<hbm>> -> memref<80x128xi32, #tpu.memory_space<hbm>>
      tpu.wait_dma2 semaphore(%run_scoped3A_76 : memref<!tpu.dma_semaphore, #tpu.memory_space<semaphore_mem>>) src(%dma_wait3A_88 : memref<80x128xi32, #tpu.memory_space<hbm>>) dst(%arg7 : memref<80x128xi32, #tpu.memory_space<vmem>>)
      tpu.yield
    }) : () -> ()
    %dma_start3A = arith.constant 0 : i32
    %dma_start3A_32 = arith.constant 0 : i32
    %dma_start3A_33 = tpu.memref_slice %arg6[%dma_start3A, %dma_start3A_32] : memref<80x128xi32, #tpu.memory_space<vmem>> -> memref<1x128xi32, #tpu.memory_space<vmem>>
    %dma_start3A_34 = tpu.memref_squeeze %dma_start3A_33 : memref<1x128xi32, #tpu.memory_space<vmem>> -> memref<128xi32, #tpu.memory_space<vmem>>
    %dma_start3A_35 = arith.constant 0 : i32
    %dma_start3A_36 = arith.constant 0 : i32
    %dma_start3A_37 = tpu.memref_slice %arg2[%dma_start3A_35, %dma_start3A_36] : memref<10240x64xf32, #tpu.memory_space<hbm>> -> memref<10240x64xf32, #tpu.memory_space<hbm>>
    tpu.enqueue_indirect_dma source(%dma_start3A_37 : memref<10240x64xf32, #tpu.memory_space<hbm>>) target(%arg8 : memref<128x64xf32, #tpu.memory_space<vmem>>) offsets(%dma_start3A_34 : memref<128xi32, #tpu.memory_space<vmem>>) semaphore(%arg11 : memref<!tpu.dma_semaphore, #tpu.memory_space<semaphore_mem>>)
    %scan3A_38 = arith.constant 0 : i32
    %scan3A_39 = arith.constant 0 : i32
    %scan3A_40 = arith.constant 40 : i32
    %scan3A_41 = arith.addi %scan3A_39, %scan3A_40 : i32
    %scan3A_42 = arith.constant 1 : i32
    scf.for %scan3A_76 = %scan3A_39 to %scan3A_41 step %scan3A_42  : i32 {
      %mul3A_77 = arith.constant 2 : i32
      %mul3A_78 = arith.muli %mul3A_77, %scan3A_76 : i32
      %mul3A_79 = arith.constant 2 : i32
      %mul3A_80 = arith.muli %mul3A_79, %scan3A_76 : i32
      %add3A_81 = arith.constant 1 : i32
      %add3A_82 = arith.addi %mul3A_80, %add3A_81 : i32
      %dma_wait3A_83 = arith.constant 0 : i32
      %dma_wait3A_84 = tpu.memref_slice %arg6[%mul3A_78, %dma_wait3A_83] : memref<80x128xi32, #tpu.memory_space<vmem>> -> memref<1x128xi32, #tpu.memory_space<vmem>>
      %dma_wait3A_85 = tpu.memref_squeeze %dma_wait3A_84 : memref<1x128xi32, #tpu.memory_space<vmem>> -> memref<128xi32, #tpu.memory_space<vmem>>
      %dma_wait3A_86 = arith.constant 0 : i32
      %dma_wait3A_87 = arith.constant 0 : i32
      %dma_wait3A_88 = tpu.memref_slice %arg2[%dma_wait3A_86, %dma_wait3A_87] : memref<10240x64xf32, #tpu.memory_space<hbm>> -> memref<10240x64xf32, #tpu.memory_space<hbm>>
      tpu.wait_indirect_dma semaphore(%arg11 : memref<!tpu.dma_semaphore, #tpu.memory_space<semaphore_mem>>) src(%dma_wait3A_88 : memref<10240x64xf32, #tpu.memory_space<hbm>>) dst(%arg8 : memref<128x64xf32, #tpu.memory_space<vmem>>)
      %dma_start3A_89 = arith.constant 0 : i32
      %dma_start3A_90 = tpu.memref_slice %arg6[%add3A_82, %dma_start3A_89] : memref<80x128xi32, #tpu.memory_space<vmem>> -> memref<1x128xi32, #tpu.memory_space<vmem>>
      %dma_start3A_91 = tpu.memref_squeeze %dma_start3A_90 : memref<1x128xi32, #tpu.memory_space<vmem>> -> memref<128xi32, #tpu.memory_space<vmem>>
      %dma_start3A_92 = arith.constant 0 : i32
      %dma_start3A_93 = arith.constant 0 : i32
      %dma_start3A_94 = tpu.memref_slice %arg2[%dma_start3A_92, %dma_start3A_93] : memref<10240x64xf32, #tpu.memory_space<hbm>> -> memref<10240x64xf32, #tpu.memory_space<hbm>>
      tpu.enqueue_indirect_dma source(%dma_start3A_94 : memref<10240x64xf32, #tpu.memory_space<hbm>>) target(%arg9 : memref<128x64xf32, #tpu.memory_space<vmem>>) offsets(%dma_start3A_91 : memref<128xi32, #tpu.memory_space<vmem>>) semaphore(%arg12 : memref<!tpu.dma_semaphore, #tpu.memory_space<semaphore_mem>>)
      "tpu.region"() ({
        %run_scoped3A_110 = tpu.sem_alloc : memref<!tpu.dma_semaphore, #tpu.memory_space<semaphore_mem>>
        %dma_start3A_111 = arith.constant 0 : i32
        %dma_start3A_112 = tpu.memref_slice %arg7[%mul3A_78, %dma_start3A_111] : memref<80x128xi32, #tpu.memory_space<vmem>> -> memref<1x128xi32, #tpu.memory_space<vmem>>
        %dma_start3A_113 = tpu.memref_squeeze %dma_start3A_112 : memref<1x128xi32, #tpu.memory_space<vmem>> -> memref<128xi32, #tpu.memory_space<vmem>>
        %dma_start3A_114 = arith.constant 0 : i32
        %dma_start3A_115 = arith.constant 0 : i32
        %dma_start3A_116 = tpu.memref_slice %arg10[%dma_start3A_114, %dma_start3A_115] : memref<10240x64xf32, #tpu.memory_space<vmem_shared>> -> memref<10240x64xf32, #tpu.memory_space<vmem_shared>>
        tpu.enqueue_indirect_dma source(%arg8 : memref<128x64xf32, #tpu.memory_space<vmem>>) target(%dma_start3A_116 : memref<10240x64xf32, #tpu.memory_space<vmem_shared>>) offsets(%dma_start3A_113 : memref<128xi32, #tpu.memory_space<vmem>>) semaphore(%run_scoped3A_110 : memref<!tpu.dma_semaphore, #tpu.memory_space<semaphore_mem>>) {add = true}
        %dma_wait3A_117 = arith.constant 0 : i32
        %dma_wait3A_118 = tpu.memref_slice %arg7[%mul3A_78, %dma_wait3A_117] : memref<80x128xi32, #tpu.memory_space<vmem>> -> memref<1x128xi32, #tpu.memory_space<vmem>>
        %dma_wait3A_119 = tpu.memref_squeeze %dma_wait3A_118 : memref<1x128xi32, #tpu.memory_space<vmem>> -> memref<128xi32, #tpu.memory_space<vmem>>
        %dma_wait3A_120 = arith.constant 0 : i32
        %dma_wait3A_121 = arith.constant 0 : i32
        %dma_wait3A_122 = tpu.memref_slice %arg10[%dma_wait3A_120, %dma_wait3A_121] : memref<10240x64xf32, #tpu.memory_space<vmem_shared>> -> memref<10240x64xf32, #tpu.memory_space<vmem_shared>>
        tpu.wait_indirect_dma semaphore(%run_scoped3A_110 : memref<!tpu.dma_semaphore, #tpu.memory_space<semaphore_mem>>) src(%arg8 : memref<128x64xf32, #tpu.memory_space<vmem>>) dst(%dma_wait3A_122 : memref<10240x64xf32, #tpu.memory_space<vmem_shared>>)
        tpu.yield
      }) : () -> ()
      %dma_wait3A_95 = arith.constant 0 : i32
      %dma_wait3A_96 = tpu.memref_slice %arg6[%add3A_82, %dma_wait3A_95] : memref<80x128xi32, #tpu.memory_space<vmem>> -> memref<1x128xi32, #tpu.memory_space<vmem>>
      %dma_wait3A_97 = tpu.memref_squeeze %dma_wait3A_96 : memref<1x128xi32, #tpu.memory_space<vmem>> -> memref<128xi32, #tpu.memory_space<vmem>>
      %dma_wait3A_98 = arith.constant 0 : i32
      %dma_wait3A_99 = arith.constant 0 : i32
      %dma_wait3A_100 = tpu.memref_slice %arg2[%dma_wait3A_98, %dma_wait3A_99] : memref<10240x64xf32, #tpu.memory_space<hbm>> -> memref<10240x64xf32, #tpu.memory_space<hbm>>
      tpu.wait_indirect_dma semaphore(%arg12 : memref<!tpu.dma_semaphore, #tpu.memory_space<semaphore_mem>>) src(%dma_wait3A_100 : memref<10240x64xf32, #tpu.memory_space<hbm>>) dst(%arg9 : memref<128x64xf32, #tpu.memory_space<vmem>>)
      %add3A_101 = arith.constant 1 : i32
      %add3A_102 = arith.addi %add3A_82, %add3A_101 : i32
      %min3A = arith.constant 79 : i32
      %min3A_103 = arith.minsi %add3A_102, %min3A : i32
      %dma_start3A_104 = arith.constant 0 : i32
      %dma_start3A_105 = tpu.memref_slice %arg6[%min3A_103, %dma_start3A_104] : memref<80x128xi32, #tpu.memory_space<vmem>> -> memref<1x128xi32, #tpu.memory_space<vmem>>
      %dma_start3A_106 = tpu.memref_squeeze %dma_start3A_105 : memref<1x128xi32, #tpu.memory_space<vmem>> -> memref<128xi32, #tpu.memory_space<vmem>>
      %dma_start3A_107 = arith.constant 0 : i32
      %dma_start3A_108 = arith.constant 0 : i32
      %dma_start3A_109 = tpu.memref_slice %arg2[%dma_start3A_107, %dma_start3A_108] : memref<10240x64xf32, #tpu.memory_space<hbm>> -> memref<10240x64xf32, #tpu.memory_space<hbm>>
      tpu.enqueue_indirect_dma source(%dma_start3A_109 : memref<10240x64xf32, #tpu.memory_space<hbm>>) target(%arg8 : memref<128x64xf32, #tpu.memory_space<vmem>>) offsets(%dma_start3A_106 : memref<128xi32, #tpu.memory_space<vmem>>) semaphore(%arg11 : memref<!tpu.dma_semaphore, #tpu.memory_space<semaphore_mem>>)
      "tpu.region"() ({
        %run_scoped3A_110 = tpu.sem_alloc : memref<!tpu.dma_semaphore, #tpu.memory_space<semaphore_mem>>
        %dma_start3A_111 = arith.constant 0 : i32
        %dma_start3A_112 = tpu.memref_slice %arg7[%add3A_82, %dma_start3A_111] : memref<80x128xi32, #tpu.memory_space<vmem>> -> memref<1x128xi32, #tpu.memory_space<vmem>>
        %dma_start3A_113 = tpu.memref_squeeze %dma_start3A_112 : memref<1x128xi32, #tpu.memory_space<vmem>> -> memref<128xi32, #tpu.memory_space<vmem>>
        %dma_start3A_114 = arith.constant 0 : i32
        %dma_start3A_115 = arith.constant 0 : i32
        %dma_start3A_116 = tpu.memref_slice %arg10[%dma_start3A_114, %dma_start3A_115] : memref<10240x64xf32, #tpu.memory_space<vmem_shared>> -> memref<10240x64xf32, #tpu.memory_space<vmem_shared>>
        tpu.enqueue_indirect_dma source(%arg9 : memref<128x64xf32, #tpu.memory_space<vmem>>) target(%dma_start3A_116 : memref<10240x64xf32, #tpu.memory_space<vmem_shared>>) offsets(%dma_start3A_113 : memref<128xi32, #tpu.memory_space<vmem>>) semaphore(%run_scoped3A_110 : memref<!tpu.dma_semaphore, #tpu.memory_space<semaphore_mem>>) {add = true}
        %dma_wait3A_117 = arith.constant 0 : i32
        %dma_wait3A_118 = tpu.memref_slice %arg7[%add3A_82, %dma_wait3A_117] : memref<80x128xi32, #tpu.memory_space<vmem>> -> memref<1x128xi32, #tpu.memory_space<vmem>>
        %dma_wait3A_119 = tpu.memref_squeeze %dma_wait3A_118 : memref<1x128xi32, #tpu.memory_space<vmem>> -> memref<128xi32, #tpu.memory_space<vmem>>
        %dma_wait3A_120 = arith.constant 0 : i32
        %dma_wait3A_121 = arith.constant 0 : i32
        %dma_wait3A_122 = tpu.memref_slice %arg10[%dma_wait3A_120, %dma_wait3A_121] : memref<10240x64xf32, #tpu.memory_space<vmem_shared>> -> memref<10240x64xf32, #tpu.memory_space<vmem_shared>>
        tpu.wait_indirect_dma semaphore(%run_scoped3A_110 : memref<!tpu.dma_semaphore, #tpu.memory_space<semaphore_mem>>) src(%arg9 : memref<128x64xf32, #tpu.memory_space<vmem>>) dst(%dma_wait3A_122 : memref<10240x64xf32, #tpu.memory_space<vmem_shared>>)
        tpu.yield
      }) : () -> ()
    }
    %scan3A_43 = arith.constant 40 : i32
    %dma_wait3A = arith.constant 79 : i32
    %dma_wait3A_44 = arith.constant 0 : i32
    %dma_wait3A_45 = tpu.memref_slice %arg6[%dma_wait3A, %dma_wait3A_44] : memref<80x128xi32, #tpu.memory_space<vmem>> -> memref<1x128xi32, #tpu.memory_space<vmem>>
    %dma_wait3A_46 = tpu.memref_squeeze %dma_wait3A_45 : memref<1x128xi32, #tpu.memory_space<vmem>> -> memref<128xi32, #tpu.memory_space<vmem>>
    %dma_wait3A_47 = arith.constant 0 : i32
    %dma_wait3A_48 = arith.constant 0 : i32
    %dma_wait3A_49 = tpu.memref_slice %arg2[%dma_wait3A_47, %dma_wait3A_48] : memref<10240x64xf32, #tpu.memory_space<hbm>> -> memref<10240x64xf32, #tpu.memory_space<hbm>>
    tpu.wait_indirect_dma semaphore(%arg11 : memref<!tpu.dma_semaphore, #tpu.memory_space<semaphore_mem>>) src(%dma_wait3A_49 : memref<10240x64xf32, #tpu.memory_space<hbm>>) dst(%arg8 : memref<128x64xf32, #tpu.memory_space<vmem>>)
    %scan3A_50 = arith.constant 1 : i32
    %barrier3A_51 = arith.constant 0 : index
    tpu.barrier barrier_id(%barrier3A_51)
    %mul3A_52 = arith.constant 640 : i32
    %mul3A_53 = arith.muli %arg1, %mul3A_52 : i32
    %add3A_54 = arith.constant 0 : i32
    %add3A_55 = arith.addi %mul3A_53, %add3A_54 : i32
    "tpu.region"() ({
      %run_scoped3A_76 = tpu.sem_alloc : memref<!tpu.dma_semaphore, #tpu.memory_space<semaphore_mem>>
      %dma_start3A_77 = arith.constant 0 : i32
      %dma_start3A_78 = tpu.memref_slice %arg10[%add3A_55, %dma_start3A_77] : memref<10240x64xf32, #tpu.memory_space<vmem_shared>> -> memref<128x64xf32, #tpu.memory_space<vmem_shared>>
      %dma_start3A_79 = arith.constant 0 : i32
      %dma_start3A_80 = tpu.memref_slice %arg10[%add3A_55, %dma_start3A_79] : memref<10240x64xf32, #tpu.memory_space<vmem_shared>> -> memref<128x64xf32, #tpu.memory_space<vmem_shared>>
      tpu.enqueue_dma source(%dma_start3A_80 : memref<128x64xf32, #tpu.memory_space<vmem_shared>>) target(%arg8 : memref<128x64xf32, #tpu.memory_space<vmem>>) target_semaphore(%run_scoped3A_76 : memref<!tpu.dma_semaphore, #tpu.memory_space<semaphore_mem>>)
      %dma_wait3A_81 = arith.constant 0 : i32
      %dma_wait3A_82 = tpu.memref_slice %arg10[%add3A_55, %dma_wait3A_81] : memref<10240x64xf32, #tpu.memory_space<vmem_shared>> -> memref<128x64xf32, #tpu.memory_space<vmem_shared>>
      %dma_wait3A_83 = arith.constant 0 : i32
      %dma_wait3A_84 = tpu.memref_slice %arg10[%add3A_55, %dma_wait3A_83] : memref<10240x64xf32, #tpu.memory_space<vmem_shared>> -> memref<128x64xf32, #tpu.memory_space<vmem_shared>>
      tpu.wait_dma2 semaphore(%run_scoped3A_76 : memref<!tpu.dma_semaphore, #tpu.memory_space<semaphore_mem>>) src(%dma_wait3A_84 : memref<128x64xf32, #tpu.memory_space<vmem_shared>>) dst(%arg8 : memref<128x64xf32, #tpu.memory_space<vmem>>)
      tpu.yield
    }) : () -> ()
    %run_scoped3A = arith.constant 0 : i32
    "tpu.region"() ({
      %run_scoped3A_76 = tpu.sem_alloc : memref<!tpu.dma_semaphore, #tpu.memory_space<semaphore_mem>>
      %dma_start3A_77 = arith.constant 0 : i32
      %dma_start3A_78 = arith.constant 0 : i32
      %dma_start3A_79 = tpu.memref_slice %arg5[%arg0, %arg1, %run_scoped3A, %dma_start3A_77, %dma_start3A_78] : memref<2x16x5x128x64xf32, #tpu.memory_space<hbm>> -> memref<1x1x1x128x64xf32, #tpu.memory_space<hbm>>
      %dma_start3A_80 = tpu.memref_squeeze %dma_start3A_79 : memref<1x1x1x128x64xf32, #tpu.memory_space<hbm>> -> memref<128x64xf32, #tpu.memory_space<hbm>>
      %dma_start3A_81 = arith.constant 0 : i32
      %dma_start3A_82 = arith.constant 0 : i32
      %dma_start3A_83 = tpu.memref_slice %arg5[%arg0, %arg1, %run_scoped3A, %dma_start3A_81, %dma_start3A_82] : memref<2x16x5x128x64xf32, #tpu.memory_space<hbm>> -> memref<1x1x1x128x64xf32, #tpu.memory_space<hbm>>
      %dma_start3A_84 = tpu.memref_squeeze %dma_start3A_83 : memref<1x1x1x128x64xf32, #tpu.memory_space<hbm>> -> memref<128x64xf32, #tpu.memory_space<hbm>>
      tpu.enqueue_dma source(%arg8 : memref<128x64xf32, #tpu.memory_space<vmem>>) target(%dma_start3A_84 : memref<128x64xf32, #tpu.memory_space<hbm>>) target_semaphore(%run_scoped3A_76 : memref<!tpu.dma_semaphore, #tpu.memory_space<semaphore_mem>>)
      %dma_wait3A_85 = arith.constant 0 : i32
      %dma_wait3A_86 = arith.constant 0 : i32
      %dma_wait3A_87 = tpu.memref_slice %arg5[%arg0, %arg1, %run_scoped3A, %dma_wait3A_85, %dma_wait3A_86] : memref<2x16x5x128x64xf32, #tpu.memory_space<hbm>> -> memref<1x1x1x128x64xf32, #tpu.memory_space<hbm>>
      %dma_wait3A_88 = tpu.memref_squeeze %dma_wait3A_87 : memref<1x1x1x128x64xf32, #tpu.memory_space<hbm>> -> memref<128x64xf32, #tpu.memory_space<hbm>>
      %dma_wait3A_89 = arith.constant 0 : i32
      %dma_wait3A_90 = arith.constant 0 : i32
      %dma_wait3A_91 = tpu.memref_slice %arg5[%arg0, %arg1, %run_scoped3A, %dma_wait3A_89, %dma_wait3A_90] : memref<2x16x5x128x64xf32, #tpu.memory_space<hbm>> -> memref<1x1x1x128x64xf32, #tpu.memory_space<hbm>>
      %dma_wait3A_92 = tpu.memref_squeeze %dma_wait3A_91 : memref<1x1x1x128x64xf32, #tpu.memory_space<hbm>> -> memref<128x64xf32, #tpu.memory_space<hbm>>
      tpu.wait_dma2 semaphore(%run_scoped3A_76 : memref<!tpu.dma_semaphore, #tpu.memory_space<semaphore_mem>>) src(%arg8 : memref<128x64xf32, #tpu.memory_space<vmem>>) dst(%dma_wait3A_92 : memref<128x64xf32, #tpu.memory_space<hbm>>)
      tpu.yield
    }) : () -> ()
    %mul3A_56 = arith.constant 640 : i32
    %mul3A_57 = arith.muli %arg1, %mul3A_56 : i32
    %add3A_58 = arith.constant 128 : i32
    %add3A_59 = arith.addi %mul3A_57, %add3A_58 : i32
    "tpu.region"() ({
      %run_scoped3A_76 = tpu.sem_alloc : memref<!tpu.dma_semaphore, #tpu.memory_space<semaphore_mem>>
      %dma_start3A_77 = arith.constant 0 : i32
      %dma_start3A_78 = tpu.memref_slice %arg10[%add3A_59, %dma_start3A_77] : memref<10240x64xf32, #tpu.memory_space<vmem_shared>> -> memref<128x64xf32, #tpu.memory_space<vmem_shared>>
      %dma_start3A_79 = arith.constant 0 : i32
      %dma_start3A_80 = tpu.memref_slice %arg10[%add3A_59, %dma_start3A_79] : memref<10240x64xf32, #tpu.memory_space<vmem_shared>> -> memref<128x64xf32, #tpu.memory_space<vmem_shared>>
      tpu.enqueue_dma source(%dma_start3A_80 : memref<128x64xf32, #tpu.memory_space<vmem_shared>>) target(%arg8 : memref<128x64xf32, #tpu.memory_space<vmem>>) target_semaphore(%run_scoped3A_76 : memref<!tpu.dma_semaphore, #tpu.memory_space<semaphore_mem>>)
      %dma_wait3A_81 = arith.constant 0 : i32
      %dma_wait3A_82 = tpu.memref_slice %arg10[%add3A_59, %dma_wait3A_81] : memref<10240x64xf32, #tpu.memory_space<vmem_shared>> -> memref<128x64xf32, #tpu.memory_space<vmem_shared>>
      %dma_wait3A_83 = arith.constant 0 : i32
      %dma_wait3A_84 = tpu.memref_slice %arg10[%add3A_59, %dma_wait3A_83] : memref<10240x64xf32, #tpu.memory_space<vmem_shared>> -> memref<128x64xf32, #tpu.memory_space<vmem_shared>>
      tpu.wait_dma2 semaphore(%run_scoped3A_76 : memref<!tpu.dma_semaphore, #tpu.memory_space<semaphore_mem>>) src(%dma_wait3A_84 : memref<128x64xf32, #tpu.memory_space<vmem_shared>>) dst(%arg8 : memref<128x64xf32, #tpu.memory_space<vmem>>)
      tpu.yield
    }) : () -> ()
    %run_scoped3A_60 = arith.constant 1 : i32
    "tpu.region"() ({
      %run_scoped3A_76 = tpu.sem_alloc : memref<!tpu.dma_semaphore, #tpu.memory_space<semaphore_mem>>
      %dma_start3A_77 = arith.constant 0 : i32
      %dma_start3A_78 = arith.constant 0 : i32
      %dma_start3A_79 = tpu.memref_slice %arg5[%arg0, %arg1, %run_scoped3A_60, %dma_start3A_77, %dma_start3A_78] : memref<2x16x5x128x64xf32, #tpu.memory_space<hbm>> -> memref<1x1x1x128x64xf32, #tpu.memory_space<hbm>>
      %dma_start3A_80 = tpu.memref_squeeze %dma_start3A_79 : memref<1x1x1x128x64xf32, #tpu.memory_space<hbm>> -> memref<128x64xf32, #tpu.memory_space<hbm>>
      %dma_start3A_81 = arith.constant 0 : i32
      %dma_start3A_82 = arith.constant 0 : i32
      %dma_start3A_83 = tpu.memref_slice %arg5[%arg0, %arg1, %run_scoped3A_60, %dma_start3A_81, %dma_start3A_82] : memref<2x16x5x128x64xf32, #tpu.memory_space<hbm>> -> memref<1x1x1x128x64xf32, #tpu.memory_space<hbm>>
      %dma_start3A_84 = tpu.memref_squeeze %dma_start3A_83 : memref<1x1x1x128x64xf32, #tpu.memory_space<hbm>> -> memref<128x64xf32, #tpu.memory_space<hbm>>
      tpu.enqueue_dma source(%arg8 : memref<128x64xf32, #tpu.memory_space<vmem>>) target(%dma_start3A_84 : memref<128x64xf32, #tpu.memory_space<hbm>>) target_semaphore(%run_scoped3A_76 : memref<!tpu.dma_semaphore, #tpu.memory_space<semaphore_mem>>)
      %dma_wait3A_85 = arith.constant 0 : i32
      %dma_wait3A_86 = arith.constant 0 : i32
      %dma_wait3A_87 = tpu.memref_slice %arg5[%arg0, %arg1, %run_scoped3A_60, %dma_wait3A_85, %dma_wait3A_86] : memref<2x16x5x128x64xf32, #tpu.memory_space<hbm>> -> memref<1x1x1x128x64xf32, #tpu.memory_space<hbm>>
      %dma_wait3A_88 = tpu.memref_squeeze %dma_wait3A_87 : memref<1x1x1x128x64xf32, #tpu.memory_space<hbm>> -> memref<128x64xf32, #tpu.memory_space<hbm>>
      %dma_wait3A_89 = arith.constant 0 : i32
      %dma_wait3A_90 = arith.constant 0 : i32
      %dma_wait3A_91 = tpu.memref_slice %arg5[%arg0, %arg1, %run_scoped3A_60, %dma_wait3A_89, %dma_wait3A_90] : memref<2x16x5x128x64xf32, #tpu.memory_space<hbm>> -> memref<1x1x1x128x64xf32, #tpu.memory_space<hbm>>
      %dma_wait3A_92 = tpu.memref_squeeze %dma_wait3A_91 : memref<1x1x1x128x64xf32, #tpu.memory_space<hbm>> -> memref<128x64xf32, #tpu.memory_space<hbm>>
      tpu.wait_dma2 semaphore(%run_scoped3A_76 : memref<!tpu.dma_semaphore, #tpu.memory_space<semaphore_mem>>) src(%arg8 : memref<128x64xf32, #tpu.memory_space<vmem>>) dst(%dma_wait3A_92 : memref<128x64xf32, #tpu.memory_space<hbm>>)
      tpu.yield
    }) : () -> ()
    %mul3A_61 = arith.constant 640 : i32
    %mul3A_62 = arith.muli %arg1, %mul3A_61 : i32
    %add3A_63 = arith.constant 256 : i32
    %add3A_64 = arith.addi %mul3A_62, %add3A_63 : i32
    "tpu.region"() ({
      %run_scoped3A_76 = tpu.sem_alloc : memref<!tpu.dma_semaphore, #tpu.memory_space<semaphore_mem>>
      %dma_start3A_77 = arith.constant 0 : i32
      %dma_start3A_78 = tpu.memref_slice %arg10[%add3A_64, %dma_start3A_77] : memref<10240x64xf32, #tpu.memory_space<vmem_shared>> -> memref<128x64xf32, #tpu.memory_space<vmem_shared>>
      %dma_start3A_79 = arith.constant 0 : i32
      %dma_start3A_80 = tpu.memref_slice %arg10[%add3A_64, %dma_start3A_79] : memref<10240x64xf32, #tpu.memory_space<vmem_shared>> -> memref<128x64xf32, #tpu.memory_space<vmem_shared>>
      tpu.enqueue_dma source(%dma_start3A_80 : memref<128x64xf32, #tpu.memory_space<vmem_shared>>) target(%arg8 : memref<128x64xf32, #tpu.memory_space<vmem>>) target_semaphore(%run_scoped3A_76 : memref<!tpu.dma_semaphore, #tpu.memory_space<semaphore_mem>>)
      %dma_wait3A_81 = arith.constant 0 : i32
      %dma_wait3A_82 = tpu.memref_slice %arg10[%add3A_64, %dma_wait3A_81] : memref<10240x64xf32, #tpu.memory_space<vmem_shared>> -> memref<128x64xf32, #tpu.memory_space<vmem_shared>>
      %dma_wait3A_83 = arith.constant 0 : i32
      %dma_wait3A_84 = tpu.memref_slice %arg10[%add3A_64, %dma_wait3A_83] : memref<10240x64xf32, #tpu.memory_space<vmem_shared>> -> memref<128x64xf32, #tpu.memory_space<vmem_shared>>
      tpu.wait_dma2 semaphore(%run_scoped3A_76 : memref<!tpu.dma_semaphore, #tpu.memory_space<semaphore_mem>>) src(%dma_wait3A_84 : memref<128x64xf32, #tpu.memory_space<vmem_shared>>) dst(%arg8 : memref<128x64xf32, #tpu.memory_space<vmem>>)
      tpu.yield
    }) : () -> ()
    %run_scoped3A_65 = arith.constant 2 : i32
    "tpu.region"() ({
      %run_scoped3A_76 = tpu.sem_alloc : memref<!tpu.dma_semaphore, #tpu.memory_space<semaphore_mem>>
      %dma_start3A_77 = arith.constant 0 : i32
      %dma_start3A_78 = arith.constant 0 : i32
      %dma_start3A_79 = tpu.memref_slice %arg5[%arg0, %arg1, %run_scoped3A_65, %dma_start3A_77, %dma_start3A_78] : memref<2x16x5x128x64xf32, #tpu.memory_space<hbm>> -> memref<1x1x1x128x64xf32, #tpu.memory_space<hbm>>
      %dma_start3A_80 = tpu.memref_squeeze %dma_start3A_79 : memref<1x1x1x128x64xf32, #tpu.memory_space<hbm>> -> memref<128x64xf32, #tpu.memory_space<hbm>>
      %dma_start3A_81 = arith.constant 0 : i32
      %dma_start3A_82 = arith.constant 0 : i32
      %dma_start3A_83 = tpu.memref_slice %arg5[%arg0, %arg1, %run_scoped3A_65, %dma_start3A_81, %dma_start3A_82] : memref<2x16x5x128x64xf32, #tpu.memory_space<hbm>> -> memref<1x1x1x128x64xf32, #tpu.memory_space<hbm>>
      %dma_start3A_84 = tpu.memref_squeeze %dma_start3A_83 : memref<1x1x1x128x64xf32, #tpu.memory_space<hbm>> -> memref<128x64xf32, #tpu.memory_space<hbm>>
      tpu.enqueue_dma source(%arg8 : memref<128x64xf32, #tpu.memory_space<vmem>>) target(%dma_start3A_84 : memref<128x64xf32, #tpu.memory_space<hbm>>) target_semaphore(%run_scoped3A_76 : memref<!tpu.dma_semaphore, #tpu.memory_space<semaphore_mem>>)
      %dma_wait3A_85 = arith.constant 0 : i32
      %dma_wait3A_86 = arith.constant 0 : i32
      %dma_wait3A_87 = tpu.memref_slice %arg5[%arg0, %arg1, %run_scoped3A_65, %dma_wait3A_85, %dma_wait3A_86] : memref<2x16x5x128x64xf32, #tpu.memory_space<hbm>> -> memref<1x1x1x128x64xf32, #tpu.memory_space<hbm>>
      %dma_wait3A_88 = tpu.memref_squeeze %dma_wait3A_87 : memref<1x1x1x128x64xf32, #tpu.memory_space<hbm>> -> memref<128x64xf32, #tpu.memory_space<hbm>>
      %dma_wait3A_89 = arith.constant 0 : i32
      %dma_wait3A_90 = arith.constant 0 : i32
      %dma_wait3A_91 = tpu.memref_slice %arg5[%arg0, %arg1, %run_scoped3A_65, %dma_wait3A_89, %dma_wait3A_90] : memref<2x16x5x128x64xf32, #tpu.memory_space<hbm>> -> memref<1x1x1x128x64xf32, #tpu.memory_space<hbm>>
      %dma_wait3A_92 = tpu.memref_squeeze %dma_wait3A_91 : memref<1x1x1x128x64xf32, #tpu.memory_space<hbm>> -> memref<128x64xf32, #tpu.memory_space<hbm>>
      tpu.wait_dma2 semaphore(%run_scoped3A_76 : memref<!tpu.dma_semaphore, #tpu.memory_space<semaphore_mem>>) src(%arg8 : memref<128x64xf32, #tpu.memory_space<vmem>>) dst(%dma_wait3A_92 : memref<128x64xf32, #tpu.memory_space<hbm>>)
      tpu.yield
    }) : () -> ()
    %mul3A_66 = arith.constant 640 : i32
    %mul3A_67 = arith.muli %arg1, %mul3A_66 : i32
    %add3A_68 = arith.constant 384 : i32
    %add3A_69 = arith.addi %mul3A_67, %add3A_68 : i32
    "tpu.region"() ({
      %run_scoped3A_76 = tpu.sem_alloc : memref<!tpu.dma_semaphore, #tpu.memory_space<semaphore_mem>>
      %dma_start3A_77 = arith.constant 0 : i32
      %dma_start3A_78 = tpu.memref_slice %arg10[%add3A_69, %dma_start3A_77] : memref<10240x64xf32, #tpu.memory_space<vmem_shared>> -> memref<128x64xf32, #tpu.memory_space<vmem_shared>>
      %dma_start3A_79 = arith.constant 0 : i32
      %dma_start3A_80 = tpu.memref_slice %arg10[%add3A_69, %dma_start3A_79] : memref<10240x64xf32, #tpu.memory_space<vmem_shared>> -> memref<128x64xf32, #tpu.memory_space<vmem_shared>>
      tpu.enqueue_dma source(%dma_start3A_80 : memref<128x64xf32, #tpu.memory_space<vmem_shared>>) target(%arg8 : memref<128x64xf32, #tpu.memory_space<vmem>>) target_semaphore(%run_scoped3A_76 : memref<!tpu.dma_semaphore, #tpu.memory_space<semaphore_mem>>)
      %dma_wait3A_81 = arith.constant 0 : i32
      %dma_wait3A_82 = tpu.memref_slice %arg10[%add3A_69, %dma_wait3A_81] : memref<10240x64xf32, #tpu.memory_space<vmem_shared>> -> memref<128x64xf32, #tpu.memory_space<vmem_shared>>
      %dma_wait3A_83 = arith.constant 0 : i32
      %dma_wait3A_84 = tpu.memref_slice %arg10[%add3A_69, %dma_wait3A_83] : memref<10240x64xf32, #tpu.memory_space<vmem_shared>> -> memref<128x64xf32, #tpu.memory_space<vmem_shared>>
      tpu.wait_dma2 semaphore(%run_scoped3A_76 : memref<!tpu.dma_semaphore, #tpu.memory_space<semaphore_mem>>) src(%dma_wait3A_84 : memref<128x64xf32, #tpu.memory_space<vmem_shared>>) dst(%arg8 : memref<128x64xf32, #tpu.memory_space<vmem>>)
      tpu.yield
    }) : () -> ()
    %run_scoped3A_70 = arith.constant 3 : i32
    "tpu.region"() ({
      %run_scoped3A_76 = tpu.sem_alloc : memref<!tpu.dma_semaphore, #tpu.memory_space<semaphore_mem>>
      %dma_start3A_77 = arith.constant 0 : i32
      %dma_start3A_78 = arith.constant 0 : i32
      %dma_start3A_79 = tpu.memref_slice %arg5[%arg0, %arg1, %run_scoped3A_70, %dma_start3A_77, %dma_start3A_78] : memref<2x16x5x128x64xf32, #tpu.memory_space<hbm>> -> memref<1x1x1x128x64xf32, #tpu.memory_space<hbm>>
      %dma_start3A_80 = tpu.memref_squeeze %dma_start3A_79 : memref<1x1x1x128x64xf32, #tpu.memory_space<hbm>> -> memref<128x64xf32, #tpu.memory_space<hbm>>
      %dma_start3A_81 = arith.constant 0 : i32
      %dma_start3A_82 = arith.constant 0 : i32
      %dma_start3A_83 = tpu.memref_slice %arg5[%arg0, %arg1, %run_scoped3A_70, %dma_start3A_81, %dma_start3A_82] : memref<2x16x5x128x64xf32, #tpu.memory_space<hbm>> -> memref<1x1x1x128x64xf32, #tpu.memory_space<hbm>>
      %dma_start3A_84 = tpu.memref_squeeze %dma_start3A_83 : memref<1x1x1x128x64xf32, #tpu.memory_space<hbm>> -> memref<128x64xf32, #tpu.memory_space<hbm>>
      tpu.enqueue_dma source(%arg8 : memref<128x64xf32, #tpu.memory_space<vmem>>) target(%dma_start3A_84 : memref<128x64xf32, #tpu.memory_space<hbm>>) target_semaphore(%run_scoped3A_76 : memref<!tpu.dma_semaphore, #tpu.memory_space<semaphore_mem>>)
      %dma_wait3A_85 = arith.constant 0 : i32
      %dma_wait3A_86 = arith.constant 0 : i32
      %dma_wait3A_87 = tpu.memref_slice %arg5[%arg0, %arg1, %run_scoped3A_70, %dma_wait3A_85, %dma_wait3A_86] : memref<2x16x5x128x64xf32, #tpu.memory_space<hbm>> -> memref<1x1x1x128x64xf32, #tpu.memory_space<hbm>>
      %dma_wait3A_88 = tpu.memref_squeeze %dma_wait3A_87 : memref<1x1x1x128x64xf32, #tpu.memory_space<hbm>> -> memref<128x64xf32, #tpu.memory_space<hbm>>
      %dma_wait3A_89 = arith.constant 0 : i32
      %dma_wait3A_90 = arith.constant 0 : i32
      %dma_wait3A_91 = tpu.memref_slice %arg5[%arg0, %arg1, %run_scoped3A_70, %dma_wait3A_89, %dma_wait3A_90] : memref<2x16x5x128x64xf32, #tpu.memory_space<hbm>> -> memref<1x1x1x128x64xf32, #tpu.memory_space<hbm>>
      %dma_wait3A_92 = tpu.memref_squeeze %dma_wait3A_91 : memref<1x1x1x128x64xf32, #tpu.memory_space<hbm>> -> memref<128x64xf32, #tpu.memory_space<hbm>>
      tpu.wait_dma2 semaphore(%run_scoped3A_76 : memref<!tpu.dma_semaphore, #tpu.memory_space<semaphore_mem>>) src(%arg8 : memref<128x64xf32, #tpu.memory_space<vmem>>) dst(%dma_wait3A_92 : memref<128x64xf32, #tpu.memory_space<hbm>>)
      tpu.yield
    }) : () -> ()
    %mul3A_71 = arith.constant 640 : i32
    %mul3A_72 = arith.muli %arg1, %mul3A_71 : i32
    %add3A_73 = arith.constant 512 : i32
    %add3A_74 = arith.addi %mul3A_72, %add3A_73 : i32
    "tpu.region"() ({
      %run_scoped3A_76 = tpu.sem_alloc : memref<!tpu.dma_semaphore, #tpu.memory_space<semaphore_mem>>
      %dma_start3A_77 = arith.constant 0 : i32
      %dma_start3A_78 = tpu.memref_slice %arg10[%add3A_74, %dma_start3A_77] : memref<10240x64xf32, #tpu.memory_space<vmem_shared>> -> memref<128x64xf32, #tpu.memory_space<vmem_shared>>
      %dma_start3A_79 = arith.constant 0 : i32
      %dma_start3A_80 = tpu.memref_slice %arg10[%add3A_74, %dma_start3A_79] : memref<10240x64xf32, #tpu.memory_space<vmem_shared>> -> memref<128x64xf32, #tpu.memory_space<vmem_shared>>
      tpu.enqueue_dma source(%dma_start3A_80 : memref<128x64xf32, #tpu.memory_space<vmem_shared>>) target(%arg8 : memref<128x64xf32, #tpu.memory_space<vmem>>) target_semaphore(%run_scoped3A_76 : memref<!tpu.dma_semaphore, #tpu.memory_space<semaphore_mem>>)
      %dma_wait3A_81 = arith.constant 0 : i32
      %dma_wait3A_82 = tpu.memref_slice %arg10[%add3A_74, %dma_wait3A_81] : memref<10240x64xf32, #tpu.memory_space<vmem_shared>> -> memref<128x64xf32, #tpu.memory_space<vmem_shared>>
      %dma_wait3A_83 = arith.constant 0 : i32
      %dma_wait3A_84 = tpu.memref_slice %arg10[%add3A_74, %dma_wait3A_83] : memref<10240x64xf32, #tpu.memory_space<vmem_shared>> -> memref<128x64xf32, #tpu.memory_space<vmem_shared>>
      tpu.wait_dma2 semaphore(%run_scoped3A_76 : memref<!tpu.dma_semaphore, #tpu.memory_space<semaphore_mem>>) src(%dma_wait3A_84 : memref<128x64xf32, #tpu.memory_space<vmem_shared>>) dst(%arg8 : memref<128x64xf32, #tpu.memory_space<vmem>>)
      tpu.yield
    }) : () -> ()
    %run_scoped3A_75 = arith.constant 4 : i32
    "tpu.region"() ({
      %run_scoped3A_76 = tpu.sem_alloc : memref<!tpu.dma_semaphore, #tpu.memory_space<semaphore_mem>>
      %dma_start3A_77 = arith.constant 0 : i32
      %dma_start3A_78 = arith.constant 0 : i32
      %dma_start3A_79 = tpu.memref_slice %arg5[%arg0, %arg1, %run_scoped3A_75, %dma_start3A_77, %dma_start3A_78] : memref<2x16x5x128x64xf32, #tpu.memory_space<hbm>> -> memref<1x1x1x128x64xf32, #tpu.memory_space<hbm>>
      %dma_start3A_80 = tpu.memref_squeeze %dma_start3A_79 : memref<1x1x1x128x64xf32, #tpu.memory_space<hbm>> -> memref<128x64xf32, #tpu.memory_space<hbm>>
      %dma_start3A_81 = arith.constant 0 : i32
      %dma_start3A_82 = arith.constant 0 : i32
      %dma_start3A_83 = tpu.memref_slice %arg5[%arg0, %arg1, %run_scoped3A_75, %dma_start3A_81, %dma_start3A_82] : memref<2x16x5x128x64xf32, #tpu.memory_space<hbm>> -> memref<1x1x1x128x64xf32, #tpu.memory_space<hbm>>
      %dma_start3A_84 = tpu.memref_squeeze %dma_start3A_83 : memref<1x1x1x128x64xf32, #tpu.memory_space<hbm>> -> memref<128x64xf32, #tpu.memory_space<hbm>>
      tpu.enqueue_dma source(%arg8 : memref<128x64xf32, #tpu.memory_space<vmem>>) target(%dma_start3A_84 : memref<128x64xf32, #tpu.memory_space<hbm>>) target_semaphore(%run_scoped3A_76 : memref<!tpu.dma_semaphore, #tpu.memory_space<semaphore_mem>>)
      %dma_wait3A_85 = arith.constant 0 : i32
      %dma_wait3A_86 = arith.constant 0 : i32
      %dma_wait3A_87 = tpu.memref_slice %arg5[%arg0, %arg1, %run_scoped3A_75, %dma_wait3A_85, %dma_wait3A_86] : memref<2x16x5x128x64xf32, #tpu.memory_space<hbm>> -> memref<1x1x1x128x64xf32, #tpu.memory_space<hbm>>
      %dma_wait3A_88 = tpu.memref_squeeze %dma_wait3A_87 : memref<1x1x1x128x64xf32, #tpu.memory_space<hbm>> -> memref<128x64xf32, #tpu.memory_space<hbm>>
      %dma_wait3A_89 = arith.constant 0 : i32
      %dma_wait3A_90 = arith.constant 0 : i32
      %dma_wait3A_91 = tpu.memref_slice %arg5[%arg0, %arg1, %run_scoped3A_75, %dma_wait3A_89, %dma_wait3A_90] : memref<2x16x5x128x64xf32, #tpu.memory_space<hbm>> -> memref<1x1x1x128x64xf32, #tpu.memory_space<hbm>>
      %dma_wait3A_92 = tpu.memref_squeeze %dma_wait3A_91 : memref<1x1x1x128x64xf32, #tpu.memory_space<hbm>> -> memref<128x64xf32, #tpu.memory_space<hbm>>
      tpu.wait_dma2 semaphore(%run_scoped3A_76 : memref<!tpu.dma_semaphore, #tpu.memory_space<semaphore_mem>>) src(%arg8 : memref<128x64xf32, #tpu.memory_space<vmem>>) dst(%dma_wait3A_92 : memref<128x64xf32, #tpu.memory_space<hbm>>)
      tpu.yield
    }) : () -> ()
    return
  }
}

#map = affine_map<(d0, d1) -> (0, 0)>
#map1 = affine_map<(d0, d1) -> (0, 0, 0)>
#map2 = affine_map<(d0, d1) -> (0, 0, 0, 0, 0)>
module attributes {stable_mosaic.version = 14 : i64} {
  func.func @_spmm_body(%arg0: i32, %arg1: i32, %arg2: memref<10240x128xf32, #tpu.memory_space<hbm>>, %arg3: memref<32x80x128xi32, #tpu.memory_space<hbm>>, %arg4: memref<32x80x128xi32, #tpu.memory_space<hbm>>, %arg5: memref<2x16x5x128x128xf32, #tpu.memory_space<hbm>>, %arg6: memref<16x128xi32, #tpu.memory_space<vmem>>, %arg7: memref<16x128xi32, #tpu.memory_space<vmem>>, %arg8: memref<128x128xf32, #tpu.memory_space<vmem>>, %arg9: memref<128x128xf32, #tpu.memory_space<vmem>>, %arg10: memref<10240x128xf32, #tpu.memory_space<vmem_shared>>, %arg11: memref<!tpu.dma_semaphore, #tpu.memory_space<semaphore_mem>>, %arg12: memref<!tpu.dma_semaphore, #tpu.memory_space<semaphore_mem>>) attributes {dimension_semantics = [#tpu.dimension_semantics<core_parallel>, #tpu.dimension_semantics<subcore_parallel>], iteration_bounds = array<i64: 2, 16>, scalar_prefetch = 0 : i64, scratch_operands = 7 : i64, tpu.core_type = #tpu.core_type<sc_vector_subcore>, window_params = [{transform_indices = #map}, {transform_indices = #map1}, {transform_indices = #map1}, {transform_indices = #map2}]} {
    %mul3A = arith.constant 2 : i32
    %mul3A_0 = arith.muli %arg1, %mul3A : i32
    %add3A = arith.addi %mul3A_0, %arg0 : i32
    %scan3A = arith.constant 0 : i32
    %scan3A_1 = arith.constant 0 : i32
    %scan3A_2 = arith.constant 128 : i32
    %scan3A_3 = arith.addi %scan3A_1, %scan3A_2 : i32
    %scan3A_4 = arith.constant 1 : i32
    scf.for %scan3A_57 = %scan3A_1 to %scan3A_3 step %scan3A_4  : i32 {
      %broadcast_in_dim3A = arith.constant 0.000000e+00 : f32
      %broadcast_in_dim3A_58 = vector.broadcast %broadcast_in_dim3A : f32 to vector<16xf32>
      %swap3A = arith.index_cast %scan3A_57 : i32 to index
      %swap3A_59 = arith.constant 0 : index
      %swap3A_60 = tpu.vector_load %arg8[%swap3A, %swap3A_59] {strides = array<i32>} : memref<128x128xf32, #tpu.memory_space<vmem>>, vector<1x16xf32>,
      %swap3A_61 = vector.shape_cast %swap3A_60 : vector<1x16xf32> to vector<16xf32>
      %swap3A_62 = vector.shape_cast %broadcast_in_dim3A_58 : vector<16xf32> to vector<1x16xf32>
      tpu.vector_store %arg8[%swap3A, %swap3A_59], %swap3A_62 {strides = array<i32>} : memref<128x128xf32, #tpu.memory_space<vmem>>, vector<1x16xf32>,
      %broadcast_in_dim3A_63 = arith.constant 0.000000e+00 : f32
      %broadcast_in_dim3A_64 = vector.broadcast %broadcast_in_dim3A_63 : f32 to vector<16xf32>
      %swap3A_65 = arith.index_cast %scan3A_57 : i32 to index
      %swap3A_66 = arith.constant 16 : index
      %swap3A_67 = tpu.vector_load %arg8[%swap3A_65, %swap3A_66] {strides = array<i32>} : memref<128x128xf32, #tpu.memory_space<vmem>>, vector<1x16xf32>,
      %swap3A_68 = vector.shape_cast %swap3A_67 : vector<1x16xf32> to vector<16xf32>
      %swap3A_69 = vector.shape_cast %broadcast_in_dim3A_64 : vector<16xf32> to vector<1x16xf32>
      tpu.vector_store %arg8[%swap3A_65, %swap3A_66], %swap3A_69 {strides = array<i32>} : memref<128x128xf32, #tpu.memory_space<vmem>>, vector<1x16xf32>,
      %broadcast_in_dim3A_70 = arith.constant 0.000000e+00 : f32
      %broadcast_in_dim3A_71 = vector.broadcast %broadcast_in_dim3A_70 : f32 to vector<16xf32>
      %swap3A_72 = arith.index_cast %scan3A_57 : i32 to index
      %swap3A_73 = arith.constant 32 : index
      %swap3A_74 = tpu.vector_load %arg8[%swap3A_72, %swap3A_73] {strides = array<i32>} : memref<128x128xf32, #tpu.memory_space<vmem>>, vector<1x16xf32>,
      %swap3A_75 = vector.shape_cast %swap3A_74 : vector<1x16xf32> to vector<16xf32>
      %swap3A_76 = vector.shape_cast %broadcast_in_dim3A_71 : vector<16xf32> to vector<1x16xf32>
      tpu.vector_store %arg8[%swap3A_72, %swap3A_73], %swap3A_76 {strides = array<i32>} : memref<128x128xf32, #tpu.memory_space<vmem>>, vector<1x16xf32>,
      %broadcast_in_dim3A_77 = arith.constant 0.000000e+00 : f32
      %broadcast_in_dim3A_78 = vector.broadcast %broadcast_in_dim3A_77 : f32 to vector<16xf32>
      %swap3A_79 = arith.index_cast %scan3A_57 : i32 to index
      %swap3A_80 = arith.constant 48 : index
      %swap3A_81 = tpu.vector_load %arg8[%swap3A_79, %swap3A_80] {strides = array<i32>} : memref<128x128xf32, #tpu.memory_space<vmem>>, vector<1x16xf32>,
      %swap3A_82 = vector.shape_cast %swap3A_81 : vector<1x16xf32> to vector<16xf32>
      %swap3A_83 = vector.shape_cast %broadcast_in_dim3A_78 : vector<16xf32> to vector<1x16xf32>
      tpu.vector_store %arg8[%swap3A_79, %swap3A_80], %swap3A_83 {strides = array<i32>} : memref<128x128xf32, #tpu.memory_space<vmem>>, vector<1x16xf32>,
      %broadcast_in_dim3A_84 = arith.constant 0.000000e+00 : f32
      %broadcast_in_dim3A_85 = vector.broadcast %broadcast_in_dim3A_84 : f32 to vector<16xf32>
      %swap3A_86 = arith.index_cast %scan3A_57 : i32 to index
      %swap3A_87 = arith.constant 64 : index
      %swap3A_88 = tpu.vector_load %arg8[%swap3A_86, %swap3A_87] {strides = array<i32>} : memref<128x128xf32, #tpu.memory_space<vmem>>, vector<1x16xf32>,
      %swap3A_89 = vector.shape_cast %swap3A_88 : vector<1x16xf32> to vector<16xf32>
      %swap3A_90 = vector.shape_cast %broadcast_in_dim3A_85 : vector<16xf32> to vector<1x16xf32>
      tpu.vector_store %arg8[%swap3A_86, %swap3A_87], %swap3A_90 {strides = array<i32>} : memref<128x128xf32, #tpu.memory_space<vmem>>, vector<1x16xf32>,
      %broadcast_in_dim3A_91 = arith.constant 0.000000e+00 : f32
      %broadcast_in_dim3A_92 = vector.broadcast %broadcast_in_dim3A_91 : f32 to vector<16xf32>
      %swap3A_93 = arith.index_cast %scan3A_57 : i32 to index
      %swap3A_94 = arith.constant 80 : index
      %swap3A_95 = tpu.vector_load %arg8[%swap3A_93, %swap3A_94] {strides = array<i32>} : memref<128x128xf32, #tpu.memory_space<vmem>>, vector<1x16xf32>,
      %swap3A_96 = vector.shape_cast %swap3A_95 : vector<1x16xf32> to vector<16xf32>
      %swap3A_97 = vector.shape_cast %broadcast_in_dim3A_92 : vector<16xf32> to vector<1x16xf32>
      tpu.vector_store %arg8[%swap3A_93, %swap3A_94], %swap3A_97 {strides = array<i32>} : memref<128x128xf32, #tpu.memory_space<vmem>>, vector<1x16xf32>,
      %broadcast_in_dim3A_98 = arith.constant 0.000000e+00 : f32
      %broadcast_in_dim3A_99 = vector.broadcast %broadcast_in_dim3A_98 : f32 to vector<16xf32>
      %swap3A_100 = arith.index_cast %scan3A_57 : i32 to index
      %swap3A_101 = arith.constant 96 : index
      %swap3A_102 = tpu.vector_load %arg8[%swap3A_100, %swap3A_101] {strides = array<i32>} : memref<128x128xf32, #tpu.memory_space<vmem>>, vector<1x16xf32>,
      %swap3A_103 = vector.shape_cast %swap3A_102 : vector<1x16xf32> to vector<16xf32>
      %swap3A_104 = vector.shape_cast %broadcast_in_dim3A_99 : vector<16xf32> to vector<1x16xf32>
      tpu.vector_store %arg8[%swap3A_100, %swap3A_101], %swap3A_104 {strides = array<i32>} : memref<128x128xf32, #tpu.memory_space<vmem>>, vector<1x16xf32>,
      %broadcast_in_dim3A_105 = arith.constant 0.000000e+00 : f32
      %broadcast_in_dim3A_106 = vector.broadcast %broadcast_in_dim3A_105 : f32 to vector<16xf32>
      %swap3A_107 = arith.index_cast %scan3A_57 : i32 to index
      %swap3A_108 = arith.constant 112 : index
      %swap3A_109 = tpu.vector_load %arg8[%swap3A_107, %swap3A_108] {strides = array<i32>} : memref<128x128xf32, #tpu.memory_space<vmem>>, vector<1x16xf32>,
      %swap3A_110 = vector.shape_cast %swap3A_109 : vector<1x16xf32> to vector<16xf32>
      %swap3A_111 = vector.shape_cast %broadcast_in_dim3A_106 : vector<16xf32> to vector<1x16xf32>
      tpu.vector_store %arg8[%swap3A_107, %swap3A_108], %swap3A_111 {strides = array<i32>} : memref<128x128xf32, #tpu.memory_space<vmem>>, vector<1x16xf32>,
    }
    %scan3A_5 = arith.constant 128 : i32
    %mul3A_6 = arith.constant 640 : i32
    %mul3A_7 = arith.muli %arg1, %mul3A_6 : i32
    %add3A_8 = arith.constant 0 : i32
    %add3A_9 = arith.addi %mul3A_7, %add3A_8 : i32
    "tpu.region"() ({
      %run_scoped3A_57 = tpu.sem_alloc : memref<!tpu.dma_semaphore, #tpu.memory_space<semaphore_mem>>
      %dma_start3A = arith.constant 0 : i32
      %dma_start3A_58 = tpu.memref_slice %arg10[%add3A_9, %dma_start3A] : memref<10240x128xf32, #tpu.memory_space<vmem_shared>> -> memref<128x128xf32, #tpu.memory_space<vmem_shared>>
      %dma_start3A_59 = arith.constant 0 : i32
      %dma_start3A_60 = tpu.memref_slice %arg10[%add3A_9, %dma_start3A_59] : memref<10240x128xf32, #tpu.memory_space<vmem_shared>> -> memref<128x128xf32, #tpu.memory_space<vmem_shared>>
      tpu.enqueue_dma source(%arg8 : memref<128x128xf32, #tpu.memory_space<vmem>>) target(%dma_start3A_60 : memref<128x128xf32, #tpu.memory_space<vmem_shared>>) target_semaphore(%run_scoped3A_57 : memref<!tpu.dma_semaphore, #tpu.memory_space<semaphore_mem>>)
      %dma_wait3A = arith.constant 0 : i32
      %dma_wait3A_61 = tpu.memref_slice %arg10[%add3A_9, %dma_wait3A] : memref<10240x128xf32, #tpu.memory_space<vmem_shared>> -> memref<128x128xf32, #tpu.memory_space<vmem_shared>>
      %dma_wait3A_62 = arith.constant 0 : i32
      %dma_wait3A_63 = tpu.memref_slice %arg10[%add3A_9, %dma_wait3A_62] : memref<10240x128xf32, #tpu.memory_space<vmem_shared>> -> memref<128x128xf32, #tpu.memory_space<vmem_shared>>
      tpu.wait_dma2 semaphore(%run_scoped3A_57 : memref<!tpu.dma_semaphore, #tpu.memory_space<semaphore_mem>>) src(%arg8 : memref<128x128xf32, #tpu.memory_space<vmem>>) dst(%dma_wait3A_63 : memref<128x128xf32, #tpu.memory_space<vmem_shared>>)
      tpu.yield
    }) : () -> ()
    %mul3A_10 = arith.constant 640 : i32
    %mul3A_11 = arith.muli %arg1, %mul3A_10 : i32
    %add3A_12 = arith.constant 128 : i32
    %add3A_13 = arith.addi %mul3A_11, %add3A_12 : i32
    "tpu.region"() ({
      %run_scoped3A_57 = tpu.sem_alloc : memref<!tpu.dma_semaphore, #tpu.memory_space<semaphore_mem>>
      %dma_start3A = arith.constant 0 : i32
      %dma_start3A_58 = tpu.memref_slice %arg10[%add3A_13, %dma_start3A] : memref<10240x128xf32, #tpu.memory_space<vmem_shared>> -> memref<128x128xf32, #tpu.memory_space<vmem_shared>>
      %dma_start3A_59 = arith.constant 0 : i32
      %dma_start3A_60 = tpu.memref_slice %arg10[%add3A_13, %dma_start3A_59] : memref<10240x128xf32, #tpu.memory_space<vmem_shared>> -> memref<128x128xf32, #tpu.memory_space<vmem_shared>>
      tpu.enqueue_dma source(%arg8 : memref<128x128xf32, #tpu.memory_space<vmem>>) target(%dma_start3A_60 : memref<128x128xf32, #tpu.memory_space<vmem_shared>>) target_semaphore(%run_scoped3A_57 : memref<!tpu.dma_semaphore, #tpu.memory_space<semaphore_mem>>)
      %dma_wait3A = arith.constant 0 : i32
      %dma_wait3A_61 = tpu.memref_slice %arg10[%add3A_13, %dma_wait3A] : memref<10240x128xf32, #tpu.memory_space<vmem_shared>> -> memref<128x128xf32, #tpu.memory_space<vmem_shared>>
      %dma_wait3A_62 = arith.constant 0 : i32
      %dma_wait3A_63 = tpu.memref_slice %arg10[%add3A_13, %dma_wait3A_62] : memref<10240x128xf32, #tpu.memory_space<vmem_shared>> -> memref<128x128xf32, #tpu.memory_space<vmem_shared>>
      tpu.wait_dma2 semaphore(%run_scoped3A_57 : memref<!tpu.dma_semaphore, #tpu.memory_space<semaphore_mem>>) src(%arg8 : memref<128x128xf32, #tpu.memory_space<vmem>>) dst(%dma_wait3A_63 : memref<128x128xf32, #tpu.memory_space<vmem_shared>>)
      tpu.yield
    }) : () -> ()
    %mul3A_14 = arith.constant 640 : i32
    %mul3A_15 = arith.muli %arg1, %mul3A_14 : i32
    %add3A_16 = arith.constant 256 : i32
    %add3A_17 = arith.addi %mul3A_15, %add3A_16 : i32
    "tpu.region"() ({
      %run_scoped3A_57 = tpu.sem_alloc : memref<!tpu.dma_semaphore, #tpu.memory_space<semaphore_mem>>
      %dma_start3A = arith.constant 0 : i32
      %dma_start3A_58 = tpu.memref_slice %arg10[%add3A_17, %dma_start3A] : memref<10240x128xf32, #tpu.memory_space<vmem_shared>> -> memref<128x128xf32, #tpu.memory_space<vmem_shared>>
      %dma_start3A_59 = arith.constant 0 : i32
      %dma_start3A_60 = tpu.memref_slice %arg10[%add3A_17, %dma_start3A_59] : memref<10240x128xf32, #tpu.memory_space<vmem_shared>> -> memref<128x128xf32, #tpu.memory_space<vmem_shared>>
      tpu.enqueue_dma source(%arg8 : memref<128x128xf32, #tpu.memory_space<vmem>>) target(%dma_start3A_60 : memref<128x128xf32, #tpu.memory_space<vmem_shared>>) target_semaphore(%run_scoped3A_57 : memref<!tpu.dma_semaphore, #tpu.memory_space<semaphore_mem>>)
      %dma_wait3A = arith.constant 0 : i32
      %dma_wait3A_61 = tpu.memref_slice %arg10[%add3A_17, %dma_wait3A] : memref<10240x128xf32, #tpu.memory_space<vmem_shared>> -> memref<128x128xf32, #tpu.memory_space<vmem_shared>>
      %dma_wait3A_62 = arith.constant 0 : i32
      %dma_wait3A_63 = tpu.memref_slice %arg10[%add3A_17, %dma_wait3A_62] : memref<10240x128xf32, #tpu.memory_space<vmem_shared>> -> memref<128x128xf32, #tpu.memory_space<vmem_shared>>
      tpu.wait_dma2 semaphore(%run_scoped3A_57 : memref<!tpu.dma_semaphore, #tpu.memory_space<semaphore_mem>>) src(%arg8 : memref<128x128xf32, #tpu.memory_space<vmem>>) dst(%dma_wait3A_63 : memref<128x128xf32, #tpu.memory_space<vmem_shared>>)
      tpu.yield
    }) : () -> ()
    %mul3A_18 = arith.constant 640 : i32
    %mul3A_19 = arith.muli %arg1, %mul3A_18 : i32
    %add3A_20 = arith.constant 384 : i32
    %add3A_21 = arith.addi %mul3A_19, %add3A_20 : i32
    "tpu.region"() ({
      %run_scoped3A_57 = tpu.sem_alloc : memref<!tpu.dma_semaphore, #tpu.memory_space<semaphore_mem>>
      %dma_start3A = arith.constant 0 : i32
      %dma_start3A_58 = tpu.memref_slice %arg10[%add3A_21, %dma_start3A] : memref<10240x128xf32, #tpu.memory_space<vmem_shared>> -> memref<128x128xf32, #tpu.memory_space<vmem_shared>>
      %dma_start3A_59 = arith.constant 0 : i32
      %dma_start3A_60 = tpu.memref_slice %arg10[%add3A_21, %dma_start3A_59] : memref<10240x128xf32, #tpu.memory_space<vmem_shared>> -> memref<128x128xf32, #tpu.memory_space<vmem_shared>>
      tpu.enqueue_dma source(%arg8 : memref<128x128xf32, #tpu.memory_space<vmem>>) target(%dma_start3A_60 : memref<128x128xf32, #tpu.memory_space<vmem_shared>>) target_semaphore(%run_scoped3A_57 : memref<!tpu.dma_semaphore, #tpu.memory_space<semaphore_mem>>)
      %dma_wait3A = arith.constant 0 : i32
      %dma_wait3A_61 = tpu.memref_slice %arg10[%add3A_21, %dma_wait3A] : memref<10240x128xf32, #tpu.memory_space<vmem_shared>> -> memref<128x128xf32, #tpu.memory_space<vmem_shared>>
      %dma_wait3A_62 = arith.constant 0 : i32
      %dma_wait3A_63 = tpu.memref_slice %arg10[%add3A_21, %dma_wait3A_62] : memref<10240x128xf32, #tpu.memory_space<vmem_shared>> -> memref<128x128xf32, #tpu.memory_space<vmem_shared>>
      tpu.wait_dma2 semaphore(%run_scoped3A_57 : memref<!tpu.dma_semaphore, #tpu.memory_space<semaphore_mem>>) src(%arg8 : memref<128x128xf32, #tpu.memory_space<vmem>>) dst(%dma_wait3A_63 : memref<128x128xf32, #tpu.memory_space<vmem_shared>>)
      tpu.yield
    }) : () -> ()
    %mul3A_22 = arith.constant 640 : i32
    %mul3A_23 = arith.muli %arg1, %mul3A_22 : i32
    %add3A_24 = arith.constant 512 : i32
    %add3A_25 = arith.addi %mul3A_23, %add3A_24 : i32
    "tpu.region"() ({
      %run_scoped3A_57 = tpu.sem_alloc : memref<!tpu.dma_semaphore, #tpu.memory_space<semaphore_mem>>
      %dma_start3A = arith.constant 0 : i32
      %dma_start3A_58 = tpu.memref_slice %arg10[%add3A_25, %dma_start3A] : memref<10240x128xf32, #tpu.memory_space<vmem_shared>> -> memref<128x128xf32, #tpu.memory_space<vmem_shared>>
      %dma_start3A_59 = arith.constant 0 : i32
      %dma_start3A_60 = tpu.memref_slice %arg10[%add3A_25, %dma_start3A_59] : memref<10240x128xf32, #tpu.memory_space<vmem_shared>> -> memref<128x128xf32, #tpu.memory_space<vmem_shared>>
      tpu.enqueue_dma source(%arg8 : memref<128x128xf32, #tpu.memory_space<vmem>>) target(%dma_start3A_60 : memref<128x128xf32, #tpu.memory_space<vmem_shared>>) target_semaphore(%run_scoped3A_57 : memref<!tpu.dma_semaphore, #tpu.memory_space<semaphore_mem>>)
      %dma_wait3A = arith.constant 0 : i32
      %dma_wait3A_61 = tpu.memref_slice %arg10[%add3A_25, %dma_wait3A] : memref<10240x128xf32, #tpu.memory_space<vmem_shared>> -> memref<128x128xf32, #tpu.memory_space<vmem_shared>>
      %dma_wait3A_62 = arith.constant 0 : i32
      %dma_wait3A_63 = tpu.memref_slice %arg10[%add3A_25, %dma_wait3A_62] : memref<10240x128xf32, #tpu.memory_space<vmem_shared>> -> memref<128x128xf32, #tpu.memory_space<vmem_shared>>
      tpu.wait_dma2 semaphore(%run_scoped3A_57 : memref<!tpu.dma_semaphore, #tpu.memory_space<semaphore_mem>>) src(%arg8 : memref<128x128xf32, #tpu.memory_space<vmem>>) dst(%dma_wait3A_63 : memref<128x128xf32, #tpu.memory_space<vmem_shared>>)
      tpu.yield
    }) : () -> ()
    %barrier3A = arith.constant 0 : index
    tpu.barrier barrier_id(%barrier3A)
    %scan3A_26 = arith.constant 0 : i32
    %scan3A_27 = arith.constant 0 : i32
    %scan3A_28 = arith.constant 5 : i32
    %scan3A_29 = arith.addi %scan3A_27, %scan3A_28 : i32
    %scan3A_30 = arith.constant 1 : i32
    scf.for %scan3A_57 = %scan3A_27 to %scan3A_29 step %scan3A_30  : i32 {
      %mul3A_58 = arith.constant 16 : i32
      %mul3A_59 = arith.muli %scan3A_57, %mul3A_58 : i32
      "tpu.region"() ({
        %run_scoped3A_80 = tpu.sem_alloc : memref<!tpu.dma_semaphore, #tpu.memory_space<semaphore_mem>>
        %dma_start3A_81 = arith.constant 0 : i32
        %dma_start3A_82 = tpu.memref_slice %arg3[%add3A, %mul3A_59, %dma_start3A_81] : memref<32x80x128xi32, #tpu.memory_space<hbm>> -> memref<1x16x128xi32, #tpu.memory_space<hbm>>
        %dma_start3A_83 = tpu.memref_squeeze %dma_start3A_82 : memref<1x16x128xi32, #tpu.memory_space<hbm>> -> memref<16x128xi32, #tpu.memory_space<hbm>>
        %dma_start3A_84 = arith.constant 0 : i32
        %dma_start3A_85 = tpu.memref_slice %arg3[%add3A, %mul3A_59, %dma_start3A_84] : memref<32x80x128xi32, #tpu.memory_space<hbm>> -> memref<1x16x128xi32, #tpu.memory_space<hbm>>
        %dma_start3A_86 = tpu.memref_squeeze %dma_start3A_85 : memref<1x16x128xi32, #tpu.memory_space<hbm>> -> memref<16x128xi32, #tpu.memory_space<hbm>>
        tpu.enqueue_dma source(%dma_start3A_86 : memref<16x128xi32, #tpu.memory_space<hbm>>) target(%arg6 : memref<16x128xi32, #tpu.memory_space<vmem>>) target_semaphore(%run_scoped3A_80 : memref<!tpu.dma_semaphore, #tpu.memory_space<semaphore_mem>>)
        %dma_wait3A_87 = arith.constant 0 : i32
        %dma_wait3A_88 = tpu.memref_slice %arg3[%add3A, %mul3A_59, %dma_wait3A_87] : memref<32x80x128xi32, #tpu.memory_space<hbm>> -> memref<1x16x128xi32, #tpu.memory_space<hbm>>
        %dma_wait3A_89 = tpu.memref_squeeze %dma_wait3A_88 : memref<1x16x128xi32, #tpu.memory_space<hbm>> -> memref<16x128xi32, #tpu.memory_space<hbm>>
        %dma_wait3A_90 = arith.constant 0 : i32
        %dma_wait3A_91 = tpu.memref_slice %arg3[%add3A, %mul3A_59, %dma_wait3A_90] : memref<32x80x128xi32, #tpu.memory_space<hbm>> -> memref<1x16x128xi32, #tpu.memory_space<hbm>>
        %dma_wait3A_92 = tpu.memref_squeeze %dma_wait3A_91 : memref<1x16x128xi32, #tpu.memory_space<hbm>> -> memref<16x128xi32, #tpu.memory_space<hbm>>
        tpu.wait_dma2 semaphore(%run_scoped3A_80 : memref<!tpu.dma_semaphore, #tpu.memory_space<semaphore_mem>>) src(%dma_wait3A_92 : memref<16x128xi32, #tpu.memory_space<hbm>>) dst(%arg6 : memref<16x128xi32, #tpu.memory_space<vmem>>)
        tpu.yield
      }) : () -> ()
      %mul3A_60 = arith.constant 16 : i32
      %mul3A_61 = arith.muli %scan3A_57, %mul3A_60 : i32
      "tpu.region"() ({
        %run_scoped3A_80 = tpu.sem_alloc : memref<!tpu.dma_semaphore, #tpu.memory_space<semaphore_mem>>
        %dma_start3A_81 = arith.constant 0 : i32
        %dma_start3A_82 = tpu.memref_slice %arg4[%add3A, %mul3A_61, %dma_start3A_81] : memref<32x80x128xi32, #tpu.memory_space<hbm>> -> memref<1x16x128xi32, #tpu.memory_space<hbm>>
        %dma_start3A_83 = tpu.memref_squeeze %dma_start3A_82 : memref<1x16x128xi32, #tpu.memory_space<hbm>> -> memref<16x128xi32, #tpu.memory_space<hbm>>
        %dma_start3A_84 = arith.constant 0 : i32
        %dma_start3A_85 = tpu.memref_slice %arg4[%add3A, %mul3A_61, %dma_start3A_84] : memref<32x80x128xi32, #tpu.memory_space<hbm>> -> memref<1x16x128xi32, #tpu.memory_space<hbm>>
        %dma_start3A_86 = tpu.memref_squeeze %dma_start3A_85 : memref<1x16x128xi32, #tpu.memory_space<hbm>> -> memref<16x128xi32, #tpu.memory_space<hbm>>
        tpu.enqueue_dma source(%dma_start3A_86 : memref<16x128xi32, #tpu.memory_space<hbm>>) target(%arg7 : memref<16x128xi32, #tpu.memory_space<vmem>>) target_semaphore(%run_scoped3A_80 : memref<!tpu.dma_semaphore, #tpu.memory_space<semaphore_mem>>)
        %dma_wait3A_87 = arith.constant 0 : i32
        %dma_wait3A_88 = tpu.memref_slice %arg4[%add3A, %mul3A_61, %dma_wait3A_87] : memref<32x80x128xi32, #tpu.memory_space<hbm>> -> memref<1x16x128xi32, #tpu.memory_space<hbm>>
        %dma_wait3A_89 = tpu.memref_squeeze %dma_wait3A_88 : memref<1x16x128xi32, #tpu.memory_space<hbm>> -> memref<16x128xi32, #tpu.memory_space<hbm>>
        %dma_wait3A_90 = arith.constant 0 : i32
        %dma_wait3A_91 = tpu.memref_slice %arg4[%add3A, %mul3A_61, %dma_wait3A_90] : memref<32x80x128xi32, #tpu.memory_space<hbm>> -> memref<1x16x128xi32, #tpu.memory_space<hbm>>
        %dma_wait3A_92 = tpu.memref_squeeze %dma_wait3A_91 : memref<1x16x128xi32, #tpu.memory_space<hbm>> -> memref<16x128xi32, #tpu.memory_space<hbm>>
        tpu.wait_dma2 semaphore(%run_scoped3A_80 : memref<!tpu.dma_semaphore, #tpu.memory_space<semaphore_mem>>) src(%dma_wait3A_92 : memref<16x128xi32, #tpu.memory_space<hbm>>) dst(%arg7 : memref<16x128xi32, #tpu.memory_space<vmem>>)
        tpu.yield
      }) : () -> ()
      %dma_start3A = arith.constant 0 : i32
      %dma_start3A_62 = arith.constant 0 : i32
      %dma_start3A_63 = tpu.memref_slice %arg6[%dma_start3A, %dma_start3A_62] : memref<16x128xi32, #tpu.memory_space<vmem>> -> memref<1x128xi32, #tpu.memory_space<vmem>>
      %dma_start3A_64 = tpu.memref_squeeze %dma_start3A_63 : memref<1x128xi32, #tpu.memory_space<vmem>> -> memref<128xi32, #tpu.memory_space<vmem>>
      %dma_start3A_65 = arith.constant 0 : i32
      %dma_start3A_66 = arith.constant 0 : i32
      %dma_start3A_67 = tpu.memref_slice %arg2[%dma_start3A_65, %dma_start3A_66] : memref<10240x128xf32, #tpu.memory_space<hbm>> -> memref<10240x128xf32, #tpu.memory_space<hbm>>
      tpu.enqueue_indirect_dma source(%dma_start3A_67 : memref<10240x128xf32, #tpu.memory_space<hbm>>) target(%arg8 : memref<128x128xf32, #tpu.memory_space<vmem>>) offsets(%dma_start3A_64 : memref<128xi32, #tpu.memory_space<vmem>>) semaphore(%arg11 : memref<!tpu.dma_semaphore, #tpu.memory_space<semaphore_mem>>)
      %scan3A_68 = arith.constant 0 : i32
      %scan3A_69 = arith.constant 0 : i32
      %scan3A_70 = arith.constant 8 : i32
      %scan3A_71 = arith.addi %scan3A_69, %scan3A_70 : i32
      %scan3A_72 = arith.constant 1 : i32
      scf.for %scan3A_80 = %scan3A_69 to %scan3A_71 step %scan3A_72  : i32 {
        %mul3A_81 = arith.constant 2 : i32
        %mul3A_82 = arith.muli %mul3A_81, %scan3A_80 : i32
        %mul3A_83 = arith.constant 2 : i32
        %mul3A_84 = arith.muli %mul3A_83, %scan3A_80 : i32
        %add3A_85 = arith.constant 1 : i32
        %add3A_86 = arith.addi %mul3A_84, %add3A_85 : i32
        %dma_wait3A_87 = arith.constant 0 : i32
        %dma_wait3A_88 = tpu.memref_slice %arg6[%mul3A_82, %dma_wait3A_87] : memref<16x128xi32, #tpu.memory_space<vmem>> -> memref<1x128xi32, #tpu.memory_space<vmem>>
        %dma_wait3A_89 = tpu.memref_squeeze %dma_wait3A_88 : memref<1x128xi32, #tpu.memory_space<vmem>> -> memref<128xi32, #tpu.memory_space<vmem>>
        %dma_wait3A_90 = arith.constant 0 : i32
        %dma_wait3A_91 = arith.constant 0 : i32
        %dma_wait3A_92 = tpu.memref_slice %arg2[%dma_wait3A_90, %dma_wait3A_91] : memref<10240x128xf32, #tpu.memory_space<hbm>> -> memref<10240x128xf32, #tpu.memory_space<hbm>>
        tpu.wait_indirect_dma semaphore(%arg11 : memref<!tpu.dma_semaphore, #tpu.memory_space<semaphore_mem>>) src(%dma_wait3A_92 : memref<10240x128xf32, #tpu.memory_space<hbm>>) dst(%arg8 : memref<128x128xf32, #tpu.memory_space<vmem>>)
        %dma_start3A_93 = arith.constant 0 : i32
        %dma_start3A_94 = tpu.memref_slice %arg6[%add3A_86, %dma_start3A_93] : memref<16x128xi32, #tpu.memory_space<vmem>> -> memref<1x128xi32, #tpu.memory_space<vmem>>
        %dma_start3A_95 = tpu.memref_squeeze %dma_start3A_94 : memref<1x128xi32, #tpu.memory_space<vmem>> -> memref<128xi32, #tpu.memory_space<vmem>>
        %dma_start3A_96 = arith.constant 0 : i32
        %dma_start3A_97 = arith.constant 0 : i32
        %dma_start3A_98 = tpu.memref_slice %arg2[%dma_start3A_96, %dma_start3A_97] : memref<10240x128xf32, #tpu.memory_space<hbm>> -> memref<10240x128xf32, #tpu.memory_space<hbm>>
        tpu.enqueue_indirect_dma source(%dma_start3A_98 : memref<10240x128xf32, #tpu.memory_space<hbm>>) target(%arg9 : memref<128x128xf32, #tpu.memory_space<vmem>>) offsets(%dma_start3A_95 : memref<128xi32, #tpu.memory_space<vmem>>) semaphore(%arg12 : memref<!tpu.dma_semaphore, #tpu.memory_space<semaphore_mem>>)
        "tpu.region"() ({
          %run_scoped3A_114 = tpu.sem_alloc : memref<!tpu.dma_semaphore, #tpu.memory_space<semaphore_mem>>
          %dma_start3A_115 = arith.constant 0 : i32
          %dma_start3A_116 = tpu.memref_slice %arg7[%mul3A_82, %dma_start3A_115] : memref<16x128xi32, #tpu.memory_space<vmem>> -> memref<1x128xi32, #tpu.memory_space<vmem>>
          %dma_start3A_117 = tpu.memref_squeeze %dma_start3A_116 : memref<1x128xi32, #tpu.memory_space<vmem>> -> memref<128xi32, #tpu.memory_space<vmem>>
          %dma_start3A_118 = arith.constant 0 : i32
          %dma_start3A_119 = arith.constant 0 : i32
          %dma_start3A_120 = tpu.memref_slice %arg10[%dma_start3A_118, %dma_start3A_119] : memref<10240x128xf32, #tpu.memory_space<vmem_shared>> -> memref<10240x128xf32, #tpu.memory_space<vmem_shared>>
          tpu.enqueue_indirect_dma source(%arg8 : memref<128x128xf32, #tpu.memory_space<vmem>>) target(%dma_start3A_120 : memref<10240x128xf32, #tpu.memory_space<vmem_shared>>) offsets(%dma_start3A_117 : memref<128xi32, #tpu.memory_space<vmem>>) semaphore(%run_scoped3A_114 : memref<!tpu.dma_semaphore, #tpu.memory_space<semaphore_mem>>) {add = true}
          %dma_wait3A_121 = arith.constant 0 : i32
          %dma_wait3A_122 = tpu.memref_slice %arg7[%mul3A_82, %dma_wait3A_121] : memref<16x128xi32, #tpu.memory_space<vmem>> -> memref<1x128xi32, #tpu.memory_space<vmem>>
          %dma_wait3A_123 = tpu.memref_squeeze %dma_wait3A_122 : memref<1x128xi32, #tpu.memory_space<vmem>> -> memref<128xi32, #tpu.memory_space<vmem>>
          %dma_wait3A_124 = arith.constant 0 : i32
          %dma_wait3A_125 = arith.constant 0 : i32
          %dma_wait3A_126 = tpu.memref_slice %arg10[%dma_wait3A_124, %dma_wait3A_125] : memref<10240x128xf32, #tpu.memory_space<vmem_shared>> -> memref<10240x128xf32, #tpu.memory_space<vmem_shared>>
          tpu.wait_indirect_dma semaphore(%run_scoped3A_114 : memref<!tpu.dma_semaphore, #tpu.memory_space<semaphore_mem>>) src(%arg8 : memref<128x128xf32, #tpu.memory_space<vmem>>) dst(%dma_wait3A_126 : memref<10240x128xf32, #tpu.memory_space<vmem_shared>>)
          tpu.yield
        }) : () -> ()
        %dma_wait3A_99 = arith.constant 0 : i32
        %dma_wait3A_100 = tpu.memref_slice %arg6[%add3A_86, %dma_wait3A_99] : memref<16x128xi32, #tpu.memory_space<vmem>> -> memref<1x128xi32, #tpu.memory_space<vmem>>
        %dma_wait3A_101 = tpu.memref_squeeze %dma_wait3A_100 : memref<1x128xi32, #tpu.memory_space<vmem>> -> memref<128xi32, #tpu.memory_space<vmem>>
        %dma_wait3A_102 = arith.constant 0 : i32
        %dma_wait3A_103 = arith.constant 0 : i32
        %dma_wait3A_104 = tpu.memref_slice %arg2[%dma_wait3A_102, %dma_wait3A_103] : memref<10240x128xf32, #tpu.memory_space<hbm>> -> memref<10240x128xf32, #tpu.memory_space<hbm>>
        tpu.wait_indirect_dma semaphore(%arg12 : memref<!tpu.dma_semaphore, #tpu.memory_space<semaphore_mem>>) src(%dma_wait3A_104 : memref<10240x128xf32, #tpu.memory_space<hbm>>) dst(%arg9 : memref<128x128xf32, #tpu.memory_space<vmem>>)
        %add3A_105 = arith.constant 1 : i32
        %add3A_106 = arith.addi %add3A_86, %add3A_105 : i32
        %min3A = arith.constant 15 : i32
        %min3A_107 = arith.minsi %add3A_106, %min3A : i32
        %dma_start3A_108 = arith.constant 0 : i32
        %dma_start3A_109 = tpu.memref_slice %arg6[%min3A_107, %dma_start3A_108] : memref<16x128xi32, #tpu.memory_space<vmem>> -> memref<1x128xi32, #tpu.memory_space<vmem>>
        %dma_start3A_110 = tpu.memref_squeeze %dma_start3A_109 : memref<1x128xi32, #tpu.memory_space<vmem>> -> memref<128xi32, #tpu.memory_space<vmem>>
        %dma_start3A_111 = arith.constant 0 : i32
        %dma_start3A_112 = arith.constant 0 : i32
        %dma_start3A_113 = tpu.memref_slice %arg2[%dma_start3A_111, %dma_start3A_112] : memref<10240x128xf32, #tpu.memory_space<hbm>> -> memref<10240x128xf32, #tpu.memory_space<hbm>>
        tpu.enqueue_indirect_dma source(%dma_start3A_113 : memref<10240x128xf32, #tpu.memory_space<hbm>>) target(%arg8 : memref<128x128xf32, #tpu.memory_space<vmem>>) offsets(%dma_start3A_110 : memref<128xi32, #tpu.memory_space<vmem>>) semaphore(%arg11 : memref<!tpu.dma_semaphore, #tpu.memory_space<semaphore_mem>>)
        "tpu.region"() ({
          %run_scoped3A_114 = tpu.sem_alloc : memref<!tpu.dma_semaphore, #tpu.memory_space<semaphore_mem>>
          %dma_start3A_115 = arith.constant 0 : i32
          %dma_start3A_116 = tpu.memref_slice %arg7[%add3A_86, %dma_start3A_115] : memref<16x128xi32, #tpu.memory_space<vmem>> -> memref<1x128xi32, #tpu.memory_space<vmem>>
          %dma_start3A_117 = tpu.memref_squeeze %dma_start3A_116 : memref<1x128xi32, #tpu.memory_space<vmem>> -> memref<128xi32, #tpu.memory_space<vmem>>
          %dma_start3A_118 = arith.constant 0 : i32
          %dma_start3A_119 = arith.constant 0 : i32
          %dma_start3A_120 = tpu.memref_slice %arg10[%dma_start3A_118, %dma_start3A_119] : memref<10240x128xf32, #tpu.memory_space<vmem_shared>> -> memref<10240x128xf32, #tpu.memory_space<vmem_shared>>
          tpu.enqueue_indirect_dma source(%arg9 : memref<128x128xf32, #tpu.memory_space<vmem>>) target(%dma_start3A_120 : memref<10240x128xf32, #tpu.memory_space<vmem_shared>>) offsets(%dma_start3A_117 : memref<128xi32, #tpu.memory_space<vmem>>) semaphore(%run_scoped3A_114 : memref<!tpu.dma_semaphore, #tpu.memory_space<semaphore_mem>>) {add = true}
          %dma_wait3A_121 = arith.constant 0 : i32
          %dma_wait3A_122 = tpu.memref_slice %arg7[%add3A_86, %dma_wait3A_121] : memref<16x128xi32, #tpu.memory_space<vmem>> -> memref<1x128xi32, #tpu.memory_space<vmem>>
          %dma_wait3A_123 = tpu.memref_squeeze %dma_wait3A_122 : memref<1x128xi32, #tpu.memory_space<vmem>> -> memref<128xi32, #tpu.memory_space<vmem>>
          %dma_wait3A_124 = arith.constant 0 : i32
          %dma_wait3A_125 = arith.constant 0 : i32
          %dma_wait3A_126 = tpu.memref_slice %arg10[%dma_wait3A_124, %dma_wait3A_125] : memref<10240x128xf32, #tpu.memory_space<vmem_shared>> -> memref<10240x128xf32, #tpu.memory_space<vmem_shared>>
          tpu.wait_indirect_dma semaphore(%run_scoped3A_114 : memref<!tpu.dma_semaphore, #tpu.memory_space<semaphore_mem>>) src(%arg9 : memref<128x128xf32, #tpu.memory_space<vmem>>) dst(%dma_wait3A_126 : memref<10240x128xf32, #tpu.memory_space<vmem_shared>>)
          tpu.yield
        }) : () -> ()
      }
      %scan3A_73 = arith.constant 8 : i32
      %dma_wait3A = arith.constant 15 : i32
      %dma_wait3A_74 = arith.constant 0 : i32
      %dma_wait3A_75 = tpu.memref_slice %arg6[%dma_wait3A, %dma_wait3A_74] : memref<16x128xi32, #tpu.memory_space<vmem>> -> memref<1x128xi32, #tpu.memory_space<vmem>>
      %dma_wait3A_76 = tpu.memref_squeeze %dma_wait3A_75 : memref<1x128xi32, #tpu.memory_space<vmem>> -> memref<128xi32, #tpu.memory_space<vmem>>
      %dma_wait3A_77 = arith.constant 0 : i32
      %dma_wait3A_78 = arith.constant 0 : i32
      %dma_wait3A_79 = tpu.memref_slice %arg2[%dma_wait3A_77, %dma_wait3A_78] : memref<10240x128xf32, #tpu.memory_space<hbm>> -> memref<10240x128xf32, #tpu.memory_space<hbm>>
      tpu.wait_indirect_dma semaphore(%arg11 : memref<!tpu.dma_semaphore, #tpu.memory_space<semaphore_mem>>) src(%dma_wait3A_79 : memref<10240x128xf32, #tpu.memory_space<hbm>>) dst(%arg8 : memref<128x128xf32, #tpu.memory_space<vmem>>)
    }
    %scan3A_31 = arith.constant 5 : i32
    %barrier3A_32 = arith.constant 0 : index
    tpu.barrier barrier_id(%barrier3A_32)
    %mul3A_33 = arith.constant 640 : i32
    %mul3A_34 = arith.muli %arg1, %mul3A_33 : i32
    %add3A_35 = arith.constant 0 : i32
    %add3A_36 = arith.addi %mul3A_34, %add3A_35 : i32
    "tpu.region"() ({
      %run_scoped3A_57 = tpu.sem_alloc : memref<!tpu.dma_semaphore, #tpu.memory_space<semaphore_mem>>
      %dma_start3A = arith.constant 0 : i32
      %dma_start3A_58 = tpu.memref_slice %arg10[%add3A_36, %dma_start3A] : memref<10240x128xf32, #tpu.memory_space<vmem_shared>> -> memref<128x128xf32, #tpu.memory_space<vmem_shared>>
      %dma_start3A_59 = arith.constant 0 : i32
      %dma_start3A_60 = tpu.memref_slice %arg10[%add3A_36, %dma_start3A_59] : memref<10240x128xf32, #tpu.memory_space<vmem_shared>> -> memref<128x128xf32, #tpu.memory_space<vmem_shared>>
      tpu.enqueue_dma source(%dma_start3A_60 : memref<128x128xf32, #tpu.memory_space<vmem_shared>>) target(%arg8 : memref<128x128xf32, #tpu.memory_space<vmem>>) target_semaphore(%run_scoped3A_57 : memref<!tpu.dma_semaphore, #tpu.memory_space<semaphore_mem>>)
      %dma_wait3A = arith.constant 0 : i32
      %dma_wait3A_61 = tpu.memref_slice %arg10[%add3A_36, %dma_wait3A] : memref<10240x128xf32, #tpu.memory_space<vmem_shared>> -> memref<128x128xf32, #tpu.memory_space<vmem_shared>>
      %dma_wait3A_62 = arith.constant 0 : i32
      %dma_wait3A_63 = tpu.memref_slice %arg10[%add3A_36, %dma_wait3A_62] : memref<10240x128xf32, #tpu.memory_space<vmem_shared>> -> memref<128x128xf32, #tpu.memory_space<vmem_shared>>
      tpu.wait_dma2 semaphore(%run_scoped3A_57 : memref<!tpu.dma_semaphore, #tpu.memory_space<semaphore_mem>>) src(%dma_wait3A_63 : memref<128x128xf32, #tpu.memory_space<vmem_shared>>) dst(%arg8 : memref<128x128xf32, #tpu.memory_space<vmem>>)
      tpu.yield
    }) : () -> ()
    %run_scoped3A = arith.constant 0 : i32
    "tpu.region"() ({
      %run_scoped3A_57 = tpu.sem_alloc : memref<!tpu.dma_semaphore, #tpu.memory_space<semaphore_mem>>
      %dma_start3A = arith.constant 0 : i32
      %dma_start3A_58 = arith.constant 0 : i32
      %dma_start3A_59 = tpu.memref_slice %arg5[%arg0, %arg1, %run_scoped3A, %dma_start3A, %dma_start3A_58] : memref<2x16x5x128x128xf32, #tpu.memory_space<hbm>> -> memref<1x1x1x128x128xf32, #tpu.memory_space<hbm>>
      %dma_start3A_60 = tpu.memref_squeeze %dma_start3A_59 : memref<1x1x1x128x128xf32, #tpu.memory_space<hbm>> -> memref<128x128xf32, #tpu.memory_space<hbm>>
      %dma_start3A_61 = arith.constant 0 : i32
      %dma_start3A_62 = arith.constant 0 : i32
      %dma_start3A_63 = tpu.memref_slice %arg5[%arg0, %arg1, %run_scoped3A, %dma_start3A_61, %dma_start3A_62] : memref<2x16x5x128x128xf32, #tpu.memory_space<hbm>> -> memref<1x1x1x128x128xf32, #tpu.memory_space<hbm>>
      %dma_start3A_64 = tpu.memref_squeeze %dma_start3A_63 : memref<1x1x1x128x128xf32, #tpu.memory_space<hbm>> -> memref<128x128xf32, #tpu.memory_space<hbm>>
      tpu.enqueue_dma source(%arg8 : memref<128x128xf32, #tpu.memory_space<vmem>>) target(%dma_start3A_64 : memref<128x128xf32, #tpu.memory_space<hbm>>) target_semaphore(%run_scoped3A_57 : memref<!tpu.dma_semaphore, #tpu.memory_space<semaphore_mem>>)
      %dma_wait3A = arith.constant 0 : i32
      %dma_wait3A_65 = arith.constant 0 : i32
      %dma_wait3A_66 = tpu.memref_slice %arg5[%arg0, %arg1, %run_scoped3A, %dma_wait3A, %dma_wait3A_65] : memref<2x16x5x128x128xf32, #tpu.memory_space<hbm>> -> memref<1x1x1x128x128xf32, #tpu.memory_space<hbm>>
      %dma_wait3A_67 = tpu.memref_squeeze %dma_wait3A_66 : memref<1x1x1x128x128xf32, #tpu.memory_space<hbm>> -> memref<128x128xf32, #tpu.memory_space<hbm>>
      %dma_wait3A_68 = arith.constant 0 : i32
      %dma_wait3A_69 = arith.constant 0 : i32
      %dma_wait3A_70 = tpu.memref_slice %arg5[%arg0, %arg1, %run_scoped3A, %dma_wait3A_68, %dma_wait3A_69] : memref<2x16x5x128x128xf32, #tpu.memory_space<hbm>> -> memref<1x1x1x128x128xf32, #tpu.memory_space<hbm>>
      %dma_wait3A_71 = tpu.memref_squeeze %dma_wait3A_70 : memref<1x1x1x128x128xf32, #tpu.memory_space<hbm>> -> memref<128x128xf32, #tpu.memory_space<hbm>>
      tpu.wait_dma2 semaphore(%run_scoped3A_57 : memref<!tpu.dma_semaphore, #tpu.memory_space<semaphore_mem>>) src(%arg8 : memref<128x128xf32, #tpu.memory_space<vmem>>) dst(%dma_wait3A_71 : memref<128x128xf32, #tpu.memory_space<hbm>>)
      tpu.yield
    }) : () -> ()
    %mul3A_37 = arith.constant 640 : i32
    %mul3A_38 = arith.muli %arg1, %mul3A_37 : i32
    %add3A_39 = arith.constant 128 : i32
    %add3A_40 = arith.addi %mul3A_38, %add3A_39 : i32
    "tpu.region"() ({
      %run_scoped3A_57 = tpu.sem_alloc : memref<!tpu.dma_semaphore, #tpu.memory_space<semaphore_mem>>
      %dma_start3A = arith.constant 0 : i32
      %dma_start3A_58 = tpu.memref_slice %arg10[%add3A_40, %dma_start3A] : memref<10240x128xf32, #tpu.memory_space<vmem_shared>> -> memref<128x128xf32, #tpu.memory_space<vmem_shared>>
      %dma_start3A_59 = arith.constant 0 : i32
      %dma_start3A_60 = tpu.memref_slice %arg10[%add3A_40, %dma_start3A_59] : memref<10240x128xf32, #tpu.memory_space<vmem_shared>> -> memref<128x128xf32, #tpu.memory_space<vmem_shared>>
      tpu.enqueue_dma source(%dma_start3A_60 : memref<128x128xf32, #tpu.memory_space<vmem_shared>>) target(%arg8 : memref<128x128xf32, #tpu.memory_space<vmem>>) target_semaphore(%run_scoped3A_57 : memref<!tpu.dma_semaphore, #tpu.memory_space<semaphore_mem>>)
      %dma_wait3A = arith.constant 0 : i32
      %dma_wait3A_61 = tpu.memref_slice %arg10[%add3A_40, %dma_wait3A] : memref<10240x128xf32, #tpu.memory_space<vmem_shared>> -> memref<128x128xf32, #tpu.memory_space<vmem_shared>>
      %dma_wait3A_62 = arith.constant 0 : i32
      %dma_wait3A_63 = tpu.memref_slice %arg10[%add3A_40, %dma_wait3A_62] : memref<10240x128xf32, #tpu.memory_space<vmem_shared>> -> memref<128x128xf32, #tpu.memory_space<vmem_shared>>
      tpu.wait_dma2 semaphore(%run_scoped3A_57 : memref<!tpu.dma_semaphore, #tpu.memory_space<semaphore_mem>>) src(%dma_wait3A_63 : memref<128x128xf32, #tpu.memory_space<vmem_shared>>) dst(%arg8 : memref<128x128xf32, #tpu.memory_space<vmem>>)
      tpu.yield
    }) : () -> ()
    %run_scoped3A_41 = arith.constant 1 : i32
    "tpu.region"() ({
      %run_scoped3A_57 = tpu.sem_alloc : memref<!tpu.dma_semaphore, #tpu.memory_space<semaphore_mem>>
      %dma_start3A = arith.constant 0 : i32
      %dma_start3A_58 = arith.constant 0 : i32
      %dma_start3A_59 = tpu.memref_slice %arg5[%arg0, %arg1, %run_scoped3A_41, %dma_start3A, %dma_start3A_58] : memref<2x16x5x128x128xf32, #tpu.memory_space<hbm>> -> memref<1x1x1x128x128xf32, #tpu.memory_space<hbm>>
      %dma_start3A_60 = tpu.memref_squeeze %dma_start3A_59 : memref<1x1x1x128x128xf32, #tpu.memory_space<hbm>> -> memref<128x128xf32, #tpu.memory_space<hbm>>
      %dma_start3A_61 = arith.constant 0 : i32
      %dma_start3A_62 = arith.constant 0 : i32
      %dma_start3A_63 = tpu.memref_slice %arg5[%arg0, %arg1, %run_scoped3A_41, %dma_start3A_61, %dma_start3A_62] : memref<2x16x5x128x128xf32, #tpu.memory_space<hbm>> -> memref<1x1x1x128x128xf32, #tpu.memory_space<hbm>>
      %dma_start3A_64 = tpu.memref_squeeze %dma_start3A_63 : memref<1x1x1x128x128xf32, #tpu.memory_space<hbm>> -> memref<128x128xf32, #tpu.memory_space<hbm>>
      tpu.enqueue_dma source(%arg8 : memref<128x128xf32, #tpu.memory_space<vmem>>) target(%dma_start3A_64 : memref<128x128xf32, #tpu.memory_space<hbm>>) target_semaphore(%run_scoped3A_57 : memref<!tpu.dma_semaphore, #tpu.memory_space<semaphore_mem>>)
      %dma_wait3A = arith.constant 0 : i32
      %dma_wait3A_65 = arith.constant 0 : i32
      %dma_wait3A_66 = tpu.memref_slice %arg5[%arg0, %arg1, %run_scoped3A_41, %dma_wait3A, %dma_wait3A_65] : memref<2x16x5x128x128xf32, #tpu.memory_space<hbm>> -> memref<1x1x1x128x128xf32, #tpu.memory_space<hbm>>
      %dma_wait3A_67 = tpu.memref_squeeze %dma_wait3A_66 : memref<1x1x1x128x128xf32, #tpu.memory_space<hbm>> -> memref<128x128xf32, #tpu.memory_space<hbm>>
      %dma_wait3A_68 = arith.constant 0 : i32
      %dma_wait3A_69 = arith.constant 0 : i32
      %dma_wait3A_70 = tpu.memref_slice %arg5[%arg0, %arg1, %run_scoped3A_41, %dma_wait3A_68, %dma_wait3A_69] : memref<2x16x5x128x128xf32, #tpu.memory_space<hbm>> -> memref<1x1x1x128x128xf32, #tpu.memory_space<hbm>>
      %dma_wait3A_71 = tpu.memref_squeeze %dma_wait3A_70 : memref<1x1x1x128x128xf32, #tpu.memory_space<hbm>> -> memref<128x128xf32, #tpu.memory_space<hbm>>
      tpu.wait_dma2 semaphore(%run_scoped3A_57 : memref<!tpu.dma_semaphore, #tpu.memory_space<semaphore_mem>>) src(%arg8 : memref<128x128xf32, #tpu.memory_space<vmem>>) dst(%dma_wait3A_71 : memref<128x128xf32, #tpu.memory_space<hbm>>)
      tpu.yield
    }) : () -> ()
    %mul3A_42 = arith.constant 640 : i32
    %mul3A_43 = arith.muli %arg1, %mul3A_42 : i32
    %add3A_44 = arith.constant 256 : i32
    %add3A_45 = arith.addi %mul3A_43, %add3A_44 : i32
    "tpu.region"() ({
      %run_scoped3A_57 = tpu.sem_alloc : memref<!tpu.dma_semaphore, #tpu.memory_space<semaphore_mem>>
      %dma_start3A = arith.constant 0 : i32
      %dma_start3A_58 = tpu.memref_slice %arg10[%add3A_45, %dma_start3A] : memref<10240x128xf32, #tpu.memory_space<vmem_shared>> -> memref<128x128xf32, #tpu.memory_space<vmem_shared>>
      %dma_start3A_59 = arith.constant 0 : i32
      %dma_start3A_60 = tpu.memref_slice %arg10[%add3A_45, %dma_start3A_59] : memref<10240x128xf32, #tpu.memory_space<vmem_shared>> -> memref<128x128xf32, #tpu.memory_space<vmem_shared>>
      tpu.enqueue_dma source(%dma_start3A_60 : memref<128x128xf32, #tpu.memory_space<vmem_shared>>) target(%arg8 : memref<128x128xf32, #tpu.memory_space<vmem>>) target_semaphore(%run_scoped3A_57 : memref<!tpu.dma_semaphore, #tpu.memory_space<semaphore_mem>>)
      %dma_wait3A = arith.constant 0 : i32
      %dma_wait3A_61 = tpu.memref_slice %arg10[%add3A_45, %dma_wait3A] : memref<10240x128xf32, #tpu.memory_space<vmem_shared>> -> memref<128x128xf32, #tpu.memory_space<vmem_shared>>
      %dma_wait3A_62 = arith.constant 0 : i32
      %dma_wait3A_63 = tpu.memref_slice %arg10[%add3A_45, %dma_wait3A_62] : memref<10240x128xf32, #tpu.memory_space<vmem_shared>> -> memref<128x128xf32, #tpu.memory_space<vmem_shared>>
      tpu.wait_dma2 semaphore(%run_scoped3A_57 : memref<!tpu.dma_semaphore, #tpu.memory_space<semaphore_mem>>) src(%dma_wait3A_63 : memref<128x128xf32, #tpu.memory_space<vmem_shared>>) dst(%arg8 : memref<128x128xf32, #tpu.memory_space<vmem>>)
      tpu.yield
    }) : () -> ()
    %run_scoped3A_46 = arith.constant 2 : i32
    "tpu.region"() ({
      %run_scoped3A_57 = tpu.sem_alloc : memref<!tpu.dma_semaphore, #tpu.memory_space<semaphore_mem>>
      %dma_start3A = arith.constant 0 : i32
      %dma_start3A_58 = arith.constant 0 : i32
      %dma_start3A_59 = tpu.memref_slice %arg5[%arg0, %arg1, %run_scoped3A_46, %dma_start3A, %dma_start3A_58] : memref<2x16x5x128x128xf32, #tpu.memory_space<hbm>> -> memref<1x1x1x128x128xf32, #tpu.memory_space<hbm>>
      %dma_start3A_60 = tpu.memref_squeeze %dma_start3A_59 : memref<1x1x1x128x128xf32, #tpu.memory_space<hbm>> -> memref<128x128xf32, #tpu.memory_space<hbm>>
      %dma_start3A_61 = arith.constant 0 : i32
      %dma_start3A_62 = arith.constant 0 : i32
      %dma_start3A_63 = tpu.memref_slice %arg5[%arg0, %arg1, %run_scoped3A_46, %dma_start3A_61, %dma_start3A_62] : memref<2x16x5x128x128xf32, #tpu.memory_space<hbm>> -> memref<1x1x1x128x128xf32, #tpu.memory_space<hbm>>
      %dma_start3A_64 = tpu.memref_squeeze %dma_start3A_63 : memref<1x1x1x128x128xf32, #tpu.memory_space<hbm>> -> memref<128x128xf32, #tpu.memory_space<hbm>>
      tpu.enqueue_dma source(%arg8 : memref<128x128xf32, #tpu.memory_space<vmem>>) target(%dma_start3A_64 : memref<128x128xf32, #tpu.memory_space<hbm>>) target_semaphore(%run_scoped3A_57 : memref<!tpu.dma_semaphore, #tpu.memory_space<semaphore_mem>>)
      %dma_wait3A = arith.constant 0 : i32
      %dma_wait3A_65 = arith.constant 0 : i32
      %dma_wait3A_66 = tpu.memref_slice %arg5[%arg0, %arg1, %run_scoped3A_46, %dma_wait3A, %dma_wait3A_65] : memref<2x16x5x128x128xf32, #tpu.memory_space<hbm>> -> memref<1x1x1x128x128xf32, #tpu.memory_space<hbm>>
      %dma_wait3A_67 = tpu.memref_squeeze %dma_wait3A_66 : memref<1x1x1x128x128xf32, #tpu.memory_space<hbm>> -> memref<128x128xf32, #tpu.memory_space<hbm>>
      %dma_wait3A_68 = arith.constant 0 : i32
      %dma_wait3A_69 = arith.constant 0 : i32
      %dma_wait3A_70 = tpu.memref_slice %arg5[%arg0, %arg1, %run_scoped3A_46, %dma_wait3A_68, %dma_wait3A_69] : memref<2x16x5x128x128xf32, #tpu.memory_space<hbm>> -> memref<1x1x1x128x128xf32, #tpu.memory_space<hbm>>
      %dma_wait3A_71 = tpu.memref_squeeze %dma_wait3A_70 : memref<1x1x1x128x128xf32, #tpu.memory_space<hbm>> -> memref<128x128xf32, #tpu.memory_space<hbm>>
      tpu.wait_dma2 semaphore(%run_scoped3A_57 : memref<!tpu.dma_semaphore, #tpu.memory_space<semaphore_mem>>) src(%arg8 : memref<128x128xf32, #tpu.memory_space<vmem>>) dst(%dma_wait3A_71 : memref<128x128xf32, #tpu.memory_space<hbm>>)
      tpu.yield
    }) : () -> ()
    %mul3A_47 = arith.constant 640 : i32
    %mul3A_48 = arith.muli %arg1, %mul3A_47 : i32
    %add3A_49 = arith.constant 384 : i32
    %add3A_50 = arith.addi %mul3A_48, %add3A_49 : i32
    "tpu.region"() ({
      %run_scoped3A_57 = tpu.sem_alloc : memref<!tpu.dma_semaphore, #tpu.memory_space<semaphore_mem>>
      %dma_start3A = arith.constant 0 : i32
      %dma_start3A_58 = tpu.memref_slice %arg10[%add3A_50, %dma_start3A] : memref<10240x128xf32, #tpu.memory_space<vmem_shared>> -> memref<128x128xf32, #tpu.memory_space<vmem_shared>>
      %dma_start3A_59 = arith.constant 0 : i32
      %dma_start3A_60 = tpu.memref_slice %arg10[%add3A_50, %dma_start3A_59] : memref<10240x128xf32, #tpu.memory_space<vmem_shared>> -> memref<128x128xf32, #tpu.memory_space<vmem_shared>>
      tpu.enqueue_dma source(%dma_start3A_60 : memref<128x128xf32, #tpu.memory_space<vmem_shared>>) target(%arg8 : memref<128x128xf32, #tpu.memory_space<vmem>>) target_semaphore(%run_scoped3A_57 : memref<!tpu.dma_semaphore, #tpu.memory_space<semaphore_mem>>)
      %dma_wait3A = arith.constant 0 : i32
      %dma_wait3A_61 = tpu.memref_slice %arg10[%add3A_50, %dma_wait3A] : memref<10240x128xf32, #tpu.memory_space<vmem_shared>> -> memref<128x128xf32, #tpu.memory_space<vmem_shared>>
      %dma_wait3A_62 = arith.constant 0 : i32
      %dma_wait3A_63 = tpu.memref_slice %arg10[%add3A_50, %dma_wait3A_62] : memref<10240x128xf32, #tpu.memory_space<vmem_shared>> -> memref<128x128xf32, #tpu.memory_space<vmem_shared>>
      tpu.wait_dma2 semaphore(%run_scoped3A_57 : memref<!tpu.dma_semaphore, #tpu.memory_space<semaphore_mem>>) src(%dma_wait3A_63 : memref<128x128xf32, #tpu.memory_space<vmem_shared>>) dst(%arg8 : memref<128x128xf32, #tpu.memory_space<vmem>>)
      tpu.yield
    }) : () -> ()
    %run_scoped3A_51 = arith.constant 3 : i32
    "tpu.region"() ({
      %run_scoped3A_57 = tpu.sem_alloc : memref<!tpu.dma_semaphore, #tpu.memory_space<semaphore_mem>>
      %dma_start3A = arith.constant 0 : i32
      %dma_start3A_58 = arith.constant 0 : i32
      %dma_start3A_59 = tpu.memref_slice %arg5[%arg0, %arg1, %run_scoped3A_51, %dma_start3A, %dma_start3A_58] : memref<2x16x5x128x128xf32, #tpu.memory_space<hbm>> -> memref<1x1x1x128x128xf32, #tpu.memory_space<hbm>>
      %dma_start3A_60 = tpu.memref_squeeze %dma_start3A_59 : memref<1x1x1x128x128xf32, #tpu.memory_space<hbm>> -> memref<128x128xf32, #tpu.memory_space<hbm>>
      %dma_start3A_61 = arith.constant 0 : i32
      %dma_start3A_62 = arith.constant 0 : i32
      %dma_start3A_63 = tpu.memref_slice %arg5[%arg0, %arg1, %run_scoped3A_51, %dma_start3A_61, %dma_start3A_62] : memref<2x16x5x128x128xf32, #tpu.memory_space<hbm>> -> memref<1x1x1x128x128xf32, #tpu.memory_space<hbm>>
      %dma_start3A_64 = tpu.memref_squeeze %dma_start3A_63 : memref<1x1x1x128x128xf32, #tpu.memory_space<hbm>> -> memref<128x128xf32, #tpu.memory_space<hbm>>
      tpu.enqueue_dma source(%arg8 : memref<128x128xf32, #tpu.memory_space<vmem>>) target(%dma_start3A_64 : memref<128x128xf32, #tpu.memory_space<hbm>>) target_semaphore(%run_scoped3A_57 : memref<!tpu.dma_semaphore, #tpu.memory_space<semaphore_mem>>)
      %dma_wait3A = arith.constant 0 : i32
      %dma_wait3A_65 = arith.constant 0 : i32
      %dma_wait3A_66 = tpu.memref_slice %arg5[%arg0, %arg1, %run_scoped3A_51, %dma_wait3A, %dma_wait3A_65] : memref<2x16x5x128x128xf32, #tpu.memory_space<hbm>> -> memref<1x1x1x128x128xf32, #tpu.memory_space<hbm>>
      %dma_wait3A_67 = tpu.memref_squeeze %dma_wait3A_66 : memref<1x1x1x128x128xf32, #tpu.memory_space<hbm>> -> memref<128x128xf32, #tpu.memory_space<hbm>>
      %dma_wait3A_68 = arith.constant 0 : i32
      %dma_wait3A_69 = arith.constant 0 : i32
      %dma_wait3A_70 = tpu.memref_slice %arg5[%arg0, %arg1, %run_scoped3A_51, %dma_wait3A_68, %dma_wait3A_69] : memref<2x16x5x128x128xf32, #tpu.memory_space<hbm>> -> memref<1x1x1x128x128xf32, #tpu.memory_space<hbm>>
      %dma_wait3A_71 = tpu.memref_squeeze %dma_wait3A_70 : memref<1x1x1x128x128xf32, #tpu.memory_space<hbm>> -> memref<128x128xf32, #tpu.memory_space<hbm>>
      tpu.wait_dma2 semaphore(%run_scoped3A_57 : memref<!tpu.dma_semaphore, #tpu.memory_space<semaphore_mem>>) src(%arg8 : memref<128x128xf32, #tpu.memory_space<vmem>>) dst(%dma_wait3A_71 : memref<128x128xf32, #tpu.memory_space<hbm>>)
      tpu.yield
    }) : () -> ()
    %mul3A_52 = arith.constant 640 : i32
    %mul3A_53 = arith.muli %arg1, %mul3A_52 : i32
    %add3A_54 = arith.constant 512 : i32
    %add3A_55 = arith.addi %mul3A_53, %add3A_54 : i32
    "tpu.region"() ({
      %run_scoped3A_57 = tpu.sem_alloc : memref<!tpu.dma_semaphore, #tpu.memory_space<semaphore_mem>>
      %dma_start3A = arith.constant 0 : i32
      %dma_start3A_58 = tpu.memref_slice %arg10[%add3A_55, %dma_start3A] : memref<10240x128xf32, #tpu.memory_space<vmem_shared>> -> memref<128x128xf32, #tpu.memory_space<vmem_shared>>
      %dma_start3A_59 = arith.constant 0 : i32
      %dma_start3A_60 = tpu.memref_slice %arg10[%add3A_55, %dma_start3A_59] : memref<10240x128xf32, #tpu.memory_space<vmem_shared>> -> memref<128x128xf32, #tpu.memory_space<vmem_shared>>
      tpu.enqueue_dma source(%dma_start3A_60 : memref<128x128xf32, #tpu.memory_space<vmem_shared>>) target(%arg8 : memref<128x128xf32, #tpu.memory_space<vmem>>) target_semaphore(%run_scoped3A_57 : memref<!tpu.dma_semaphore, #tpu.memory_space<semaphore_mem>>)
      %dma_wait3A = arith.constant 0 : i32
      %dma_wait3A_61 = tpu.memref_slice %arg10[%add3A_55, %dma_wait3A] : memref<10240x128xf32, #tpu.memory_space<vmem_shared>> -> memref<128x128xf32, #tpu.memory_space<vmem_shared>>
      %dma_wait3A_62 = arith.constant 0 : i32
      %dma_wait3A_63 = tpu.memref_slice %arg10[%add3A_55, %dma_wait3A_62] : memref<10240x128xf32, #tpu.memory_space<vmem_shared>> -> memref<128x128xf32, #tpu.memory_space<vmem_shared>>
      tpu.wait_dma2 semaphore(%run_scoped3A_57 : memref<!tpu.dma_semaphore, #tpu.memory_space<semaphore_mem>>) src(%dma_wait3A_63 : memref<128x128xf32, #tpu.memory_space<vmem_shared>>) dst(%arg8 : memref<128x128xf32, #tpu.memory_space<vmem>>)
      tpu.yield
    }) : () -> ()
    %run_scoped3A_56 = arith.constant 4 : i32
    "tpu.region"() ({
      %run_scoped3A_57 = tpu.sem_alloc : memref<!tpu.dma_semaphore, #tpu.memory_space<semaphore_mem>>
      %dma_start3A = arith.constant 0 : i32
      %dma_start3A_58 = arith.constant 0 : i32
      %dma_start3A_59 = tpu.memref_slice %arg5[%arg0, %arg1, %run_scoped3A_56, %dma_start3A, %dma_start3A_58] : memref<2x16x5x128x128xf32, #tpu.memory_space<hbm>> -> memref<1x1x1x128x128xf32, #tpu.memory_space<hbm>>
      %dma_start3A_60 = tpu.memref_squeeze %dma_start3A_59 : memref<1x1x1x128x128xf32, #tpu.memory_space<hbm>> -> memref<128x128xf32, #tpu.memory_space<hbm>>
      %dma_start3A_61 = arith.constant 0 : i32
      %dma_start3A_62 = arith.constant 0 : i32
      %dma_start3A_63 = tpu.memref_slice %arg5[%arg0, %arg1, %run_scoped3A_56, %dma_start3A_61, %dma_start3A_62] : memref<2x16x5x128x128xf32, #tpu.memory_space<hbm>> -> memref<1x1x1x128x128xf32, #tpu.memory_space<hbm>>
      %dma_start3A_64 = tpu.memref_squeeze %dma_start3A_63 : memref<1x1x1x128x128xf32, #tpu.memory_space<hbm>> -> memref<128x128xf32, #tpu.memory_space<hbm>>
      tpu.enqueue_dma source(%arg8 : memref<128x128xf32, #tpu.memory_space<vmem>>) target(%dma_start3A_64 : memref<128x128xf32, #tpu.memory_space<hbm>>) target_semaphore(%run_scoped3A_57 : memref<!tpu.dma_semaphore, #tpu.memory_space<semaphore_mem>>)
      %dma_wait3A = arith.constant 0 : i32
      %dma_wait3A_65 = arith.constant 0 : i32
      %dma_wait3A_66 = tpu.memref_slice %arg5[%arg0, %arg1, %run_scoped3A_56, %dma_wait3A, %dma_wait3A_65] : memref<2x16x5x128x128xf32, #tpu.memory_space<hbm>> -> memref<1x1x1x128x128xf32, #tpu.memory_space<hbm>>
      %dma_wait3A_67 = tpu.memref_squeeze %dma_wait3A_66 : memref<1x1x1x128x128xf32, #tpu.memory_space<hbm>> -> memref<128x128xf32, #tpu.memory_space<hbm>>
      %dma_wait3A_68 = arith.constant 0 : i32
      %dma_wait3A_69 = arith.constant 0 : i32
      %dma_wait3A_70 = tpu.memref_slice %arg5[%arg0, %arg1, %run_scoped3A_56, %dma_wait3A_68, %dma_wait3A_69] : memref<2x16x5x128x128xf32, #tpu.memory_space<hbm>> -> memref<1x1x1x128x128xf32, #tpu.memory_space<hbm>>
      %dma_wait3A_71 = tpu.memref_squeeze %dma_wait3A_70 : memref<1x1x1x128x128xf32, #tpu.memory_space<hbm>> -> memref<128x128xf32, #tpu.memory_space<hbm>>
      tpu.wait_dma2 semaphore(%run_scoped3A_57 : memref<!tpu.dma_semaphore, #tpu.memory_space<semaphore_mem>>) src(%arg8 : memref<128x128xf32, #tpu.memory_space<vmem>>) dst(%dma_wait3A_71 : memref<128x128xf32, #tpu.memory_space<hbm>>)
      tpu.yield
    }) : () -> ()
    return
  }
}

module attributes {stable_mosaic.version = 14 : i64} {
  func.func @_tc1a_body(%arg0: i32, %arg1: memref<512x128xf32, #tpu.memory_space<vmem>>, %arg2: memref<128x128xf32, #tpu.memory_space<vmem>>, %arg3: memref<512x128xf32, #tpu.memory_space<vmem>>) attributes {dimension_semantics = [#tpu.dimension_semantics<arbitrary>], iteration_bounds = array<i64: 20>, scalar_prefetch = 0 : i64, scratch_operands = 0 : i64, tpu.core_type = #tpu.core_type<tc>, window_params = [{transform_indices = @transform_0, window_bounds = array<i64: 512, 128>}, {pipeline_mode = #tpu.pipeline_mode<synchronous>, transform_indices = @transform_1, window_bounds = array<i64: 128, 128>}, {transform_indices = @transform_2, window_bounds = array<i64: 512, 128>}]} {
    %get3A = arith.constant 0 : index
    %get3A_0 = arith.constant 0 : index
    %get3A_1 = vector.load %arg1[%get3A, %get3A_0] : memref<512x128xf32, #tpu.memory_space<vmem>>, vector<512x128xf32>
    %get3A_2 = arith.constant 0 : index
    %get3A_3 = arith.constant 0 : index
    %get3A_4 = vector.load %arg2[%get3A_2, %get3A_3] : memref<128x128xf32, #tpu.memory_space<vmem>>, vector<128x128xf32>
    %dot_general3A = arith.constant dense<0.000000e+00> : vector<512x128xf32>
    %dot_general3A_5 = tpu.matmul %get3A_1, %get3A_4, %dot_general3A {dimension_numbers = #tpu.dot_dimension_numbers<[1], [0], [0], [1], [0, 0, 1, 1], [], []>, transpose_lhs_hint = false} : vector<512x128xf32>, vector<128x128xf32>, vector<512x128xf32> -> vector<512x128xf32>
    %swap3A = arith.constant 0 : index
    %swap3A_6 = arith.constant 0 : index
    %swap3A_7 = vector.load %arg3[%swap3A, %swap3A_6] : memref<512x128xf32, #tpu.memory_space<vmem>>, vector<512x128xf32>
    tpu.vector_store %arg3[%swap3A, %swap3A_6], %dot_general3A_5 {strides = array<i32>} : memref<512x128xf32, #tpu.memory_space<vmem>>, vector<512x128xf32>,
    return
  }
  func.func @transform_0(%arg0: i32) -> (i32, i32) {
    %c0_i32 = arith.constant 0 : i32
    %c0_i32_0 = arith.constant 0 : i32
    return %arg0, %c0_i32 : i32, i32
  }
  func.func @transform_1(%arg0: i32) -> (i32, i32) {
    %c0_i32 = arith.constant 0 : i32
    %c0_i32_0 = arith.constant 0 : i32
    %c0_i32_1 = arith.constant 0 : i32
    return %c0_i32, %c0_i32_0 : i32, i32
  }
  func.func @transform_2(%arg0: i32) -> (i32, i32) {
    %c0_i32 = arith.constant 0 : i32
    %c0_i32_0 = arith.constant 0 : i32
    return %arg0, %c0_i32 : i32, i32
  }
}

module attributes {stable_mosaic.version = 14 : i64} {
  func.func @_tc1b_body(%arg0: i32, %arg1: memref<512x128xf32, #tpu.memory_space<vmem>>, %arg2: memref<512x16xf32, #tpu.memory_space<vmem>>, %arg3: memref<512x16xf32, #tpu.memory_space<vmem>>, %arg4: memref<512x128xf32, #tpu.memory_space<vmem>>, %arg5: memref<512x128xf32, #tpu.memory_space<vmem>>) attributes {dimension_semantics = [#tpu.dimension_semantics<arbitrary>], iteration_bounds = array<i64: 20>, scalar_prefetch = 0 : i64, scratch_operands = 0 : i64, tpu.core_type = #tpu.core_type<tc>, window_params = [{transform_indices = @transform_0, window_bounds = array<i64: 512, 128>}, {transform_indices = @transform_1, window_bounds = array<i64: 512, 16>}, {transform_indices = @transform_2, window_bounds = array<i64: 512, 16>}, {transform_indices = @transform_3, window_bounds = array<i64: 512, 128>}, {transform_indices = @transform_4, window_bounds = array<i64: 512, 128>}]} {
    %get3A = arith.constant 0 : index
    %get3A_0 = arith.constant 0 : index
    %get3A_1 = vector.load %arg2[%get3A, %get3A_0] : memref<512x16xf32, #tpu.memory_space<vmem>>, vector<512x1xf32>
    %get3A_2 = arith.constant 0 : index
    %get3A_3 = arith.constant 0 : index
    %get3A_4 = vector.load %arg3[%get3A_2, %get3A_3] : memref<512x16xf32, #tpu.memory_space<vmem>>, vector<512x1xf32>
    %add3A = arith.addf %get3A_1, %get3A_4 : vector<512x1xf32>
    %add3A_5 = arith.constant 1.000000e+00 : f32
    %add3A_6 = vector.broadcast %add3A_5 : f32 to vector<512x1xf32>
    %add3A_7 = arith.addf %add3A, %add3A_6 : vector<512x1xf32>
    %rsqrt3A = math.rsqrt %add3A_7 : vector<512x1xf32>
    %get3A_8 = arith.constant 0 : index
    %get3A_9 = arith.constant 0 : index
    %get3A_10 = vector.load %arg1[%get3A_8, %get3A_9] : memref<512x128xf32, #tpu.memory_space<vmem>>, vector<512x128xf32>
    %mul3A = vector.broadcast %rsqrt3A : vector<512x1xf32> to vector<512x128xf32>
    %mul3A_11 = arith.mulf %get3A_10, %mul3A : vector<512x128xf32>
    %swap3A = arith.constant 0 : index
    %swap3A_12 = arith.constant 0 : index
    %swap3A_13 = vector.load %arg4[%swap3A, %swap3A_12] : memref<512x128xf32, #tpu.memory_space<vmem>>, vector<512x128xf32>
    tpu.vector_store %arg4[%swap3A, %swap3A_12], %mul3A_11 {strides = array<i32>} : memref<512x128xf32, #tpu.memory_space<vmem>>, vector<512x128xf32>,
    %broadcast_in_dim3A = vector.shape_cast %rsqrt3A : vector<512x1xf32> to vector<512x1xf32>
    %broadcast_in_dim3A_14 = vector.broadcast %broadcast_in_dim3A : vector<512x1xf32> to vector<512x128xf32>
    %swap3A_15 = arith.constant 0 : index
    %swap3A_16 = arith.constant 0 : index
    %swap3A_17 = vector.load %arg5[%swap3A_15, %swap3A_16] : memref<512x128xf32, #tpu.memory_space<vmem>>, vector<512x128xf32>
    tpu.vector_store %arg5[%swap3A_15, %swap3A_16], %broadcast_in_dim3A_14 {strides = array<i32>} : memref<512x128xf32, #tpu.memory_space<vmem>>, vector<512x128xf32>,
    return
  }
  func.func @transform_0(%arg0: i32) -> (i32, i32) {
    %c0_i32 = arith.constant 0 : i32
    %c0_i32_0 = arith.constant 0 : i32
    return %arg0, %c0_i32 : i32, i32
  }
  func.func @transform_1(%arg0: i32) -> (i32, i32) {
    %c0_i32 = arith.constant 0 : i32
    %c0_i32_0 = arith.constant 0 : i32
    return %arg0, %c0_i32 : i32, i32
  }
  func.func @transform_2(%arg0: i32) -> (i32, i32) {
    %c0_i32 = arith.constant 0 : i32
    %c0_i32_0 = arith.constant 0 : i32
    return %arg0, %c0_i32 : i32, i32
  }
  func.func @transform_3(%arg0: i32) -> (i32, i32) {
    %c0_i32 = arith.constant 0 : i32
    %c0_i32_0 = arith.constant 0 : i32
    return %arg0, %c0_i32 : i32, i32
  }
  func.func @transform_4(%arg0: i32) -> (i32, i32) {
    %c0_i32 = arith.constant 0 : i32
    %c0_i32_0 = arith.constant 0 : i32
    return %arg0, %c0_i32 : i32, i32
  }
}

module attributes {stable_mosaic.version = 14 : i64} {
  func.func @_tc2_body(%arg0: i32, %arg1: memref<512x128xf32, #tpu.memory_space<vmem>>, %arg2: memref<512x128xf32, #tpu.memory_space<vmem>>, %arg3: memref<512x128xf32, #tpu.memory_space<vmem>>, %arg4: memref<512x128xf32, #tpu.memory_space<vmem>>, %arg5: memref<1x128xf32, #tpu.memory_space<vmem>>, %arg6: memref<128x64xf32, #tpu.memory_space<vmem>>, %arg7: memref<512x64xf32, #tpu.memory_space<vmem>>) attributes {dimension_semantics = [#tpu.dimension_semantics<arbitrary>], iteration_bounds = array<i64: 20>, scalar_prefetch = 0 : i64, scratch_operands = 0 : i64, tpu.core_type = #tpu.core_type<tc>, window_params = [{transform_indices = @transform_0, window_bounds = array<i64: 512, 128>}, {transform_indices = @transform_1, window_bounds = array<i64: 512, 128>}, {transform_indices = @transform_2, window_bounds = array<i64: 512, 128>}, {transform_indices = @transform_3, window_bounds = array<i64: 512, 128>}, {pipeline_mode = #tpu.pipeline_mode<synchronous>, transform_indices = @transform_4, window_bounds = array<i64: 1, 128>}, {pipeline_mode = #tpu.pipeline_mode<synchronous>, transform_indices = @transform_5, window_bounds = array<i64: 128, 64>}, {transform_indices = @transform_6, window_bounds = array<i64: 512, 64>}]} {
    %get3A = arith.constant 0 : index
    %get3A_0 = arith.constant 0 : index
    %get3A_1 = vector.load %arg4[%get3A, %get3A_0] : memref<512x128xf32, #tpu.memory_space<vmem>>, vector<512x128xf32>
    %get3A_2 = arith.constant 0 : index
    %get3A_3 = arith.constant 0 : index
    %get3A_4 = vector.load %arg1[%get3A_2, %get3A_3] : memref<512x128xf32, #tpu.memory_space<vmem>>, vector<512x128xf32>
    %get3A_5 = arith.constant 0 : index
    %get3A_6 = arith.constant 0 : index
    %get3A_7 = vector.load %arg2[%get3A_5, %get3A_6] : memref<512x128xf32, #tpu.memory_space<vmem>>, vector<512x128xf32>
    %add3A = arith.addf %get3A_4, %get3A_7 : vector<512x128xf32>
    %get3A_8 = arith.constant 0 : index
    %get3A_9 = arith.constant 0 : index
    %get3A_10 = vector.load %arg3[%get3A_8, %get3A_9] : memref<512x128xf32, #tpu.memory_space<vmem>>, vector<512x128xf32>
    %add3A_11 = arith.addf %add3A, %get3A_10 : vector<512x128xf32>
    %mul3A = arith.mulf %get3A_1, %add3A_11 : vector<512x128xf32>
    %get3A_12 = arith.constant 0 : index
    %get3A_13 = arith.constant 0 : index
    %get3A_14 = vector.load %arg5[%get3A_12, %get3A_13] : memref<1x128xf32, #tpu.memory_space<vmem>>, vector<1x128xf32>
    %add3A_15 = vector.broadcast %get3A_14 : vector<1x128xf32> to vector<512x128xf32>
    %add3A_16 = arith.addf %mul3A, %add3A_15 : vector<512x128xf32>
    %max3A = arith.constant 0.000000e+00 : f32
    %max3A_17 = vector.broadcast %max3A : f32 to vector<512x128xf32>
    %max3A_18 = arith.maximumf %add3A_16, %max3A_17 : vector<512x128xf32>
    %get3A_19 = arith.constant 0 : index
    %get3A_20 = arith.constant 0 : index
    %get3A_21 = vector.load %arg6[%get3A_19, %get3A_20] : memref<128x64xf32, #tpu.memory_space<vmem>>, vector<128x64xf32>
    %dot_general3A = arith.constant dense<0.000000e+00> : vector<512x64xf32>
    %dot_general3A_22 = tpu.matmul %max3A_18, %get3A_21, %dot_general3A {dimension_numbers = #tpu.dot_dimension_numbers<[1], [0], [0], [1], [0, 0, 1, 1], [], []>, transpose_lhs_hint = false} : vector<512x128xf32>, vector<128x64xf32>, vector<512x64xf32> -> vector<512x64xf32>
    %slice3A = vector.extract_strided_slice %get3A_1 {offsets = [0, 0], sizes = [512, 64], strides = [1, 1]} : vector<512x128xf32> to vector<512x64xf32>
    %mul3A_23 = arith.mulf %dot_general3A_22, %slice3A : vector<512x64xf32>
    %swap3A = arith.constant 0 : index
    %swap3A_24 = arith.constant 0 : index
    %swap3A_25 = vector.load %arg7[%swap3A, %swap3A_24] : memref<512x64xf32, #tpu.memory_space<vmem>>, vector<512x64xf32>
    tpu.vector_store %arg7[%swap3A, %swap3A_24], %mul3A_23 {strides = array<i32>} : memref<512x64xf32, #tpu.memory_space<vmem>>, vector<512x64xf32>,
    return
  }
  func.func @transform_0(%arg0: i32) -> (i32, i32) {
    %c0_i32 = arith.constant 0 : i32
    %c0_i32_0 = arith.constant 0 : i32
    return %arg0, %c0_i32 : i32, i32
  }
  func.func @transform_1(%arg0: i32) -> (i32, i32) {
    %c0_i32 = arith.constant 0 : i32
    %c0_i32_0 = arith.constant 0 : i32
    return %arg0, %c0_i32 : i32, i32
  }
  func.func @transform_2(%arg0: i32) -> (i32, i32) {
    %c0_i32 = arith.constant 0 : i32
    %c0_i32_0 = arith.constant 0 : i32
    return %arg0, %c0_i32 : i32, i32
  }
  func.func @transform_3(%arg0: i32) -> (i32, i32) {
    %c0_i32 = arith.constant 0 : i32
    %c0_i32_0 = arith.constant 0 : i32
    return %arg0, %c0_i32 : i32, i32
  }
  func.func @transform_4(%arg0: i32) -> (i32, i32) {
    %c0_i32 = arith.constant 0 : i32
    %c0_i32_0 = arith.constant 0 : i32
    %c0_i32_1 = arith.constant 0 : i32
    return %c0_i32, %c0_i32_0 : i32, i32
  }
  func.func @transform_5(%arg0: i32) -> (i32, i32) {
    %c0_i32 = arith.constant 0 : i32
    %c0_i32_0 = arith.constant 0 : i32
    %c0_i32_1 = arith.constant 0 : i32
    return %c0_i32, %c0_i32_0 : i32, i32
  }
  func.func @transform_6(%arg0: i32) -> (i32, i32) {
    %c0_i32 = arith.constant 0 : i32
    %c0_i32_0 = arith.constant 0 : i32
    return %arg0, %c0_i32 : i32, i32
  }
}

module attributes {stable_mosaic.version = 14 : i64} {
  func.func @_tc3_body(%arg0: i32, %arg1: memref<512x64xf32, #tpu.memory_space<vmem>>, %arg2: memref<512x64xf32, #tpu.memory_space<vmem>>, %arg3: memref<512x64xf32, #tpu.memory_space<vmem>>, %arg4: memref<512x128xf32, #tpu.memory_space<vmem>>, %arg5: memref<1x64xf32, #tpu.memory_space<vmem>>, %arg6: memref<512x128xf32, #tpu.memory_space<vmem>>) attributes {dimension_semantics = [#tpu.dimension_semantics<arbitrary>], iteration_bounds = array<i64: 20>, scalar_prefetch = 0 : i64, scratch_operands = 0 : i64, tpu.core_type = #tpu.core_type<tc>, window_params = [{transform_indices = @transform_0, window_bounds = array<i64: 512, 64>}, {transform_indices = @transform_1, window_bounds = array<i64: 512, 64>}, {transform_indices = @transform_2, window_bounds = array<i64: 512, 64>}, {transform_indices = @transform_3, window_bounds = array<i64: 512, 128>}, {pipeline_mode = #tpu.pipeline_mode<synchronous>, transform_indices = @transform_4, window_bounds = array<i64: 1, 64>}, {transform_indices = @transform_5, window_bounds = array<i64: 512, 128>}]} {
    %get3A = arith.constant 0 : index
    %get3A_0 = arith.constant 0 : index
    %get3A_1 = vector.load %arg4[%get3A, %get3A_0] : memref<512x128xf32, #tpu.memory_space<vmem>>, vector<512x64xf32>
    %get3A_2 = arith.constant 0 : index
    %get3A_3 = arith.constant 0 : index
    %get3A_4 = vector.load %arg1[%get3A_2, %get3A_3] : memref<512x64xf32, #tpu.memory_space<vmem>>, vector<512x64xf32>
    %get3A_5 = arith.constant 0 : index
    %get3A_6 = arith.constant 0 : index
    %get3A_7 = vector.load %arg2[%get3A_5, %get3A_6] : memref<512x64xf32, #tpu.memory_space<vmem>>, vector<512x64xf32>
    %add3A = arith.addf %get3A_4, %get3A_7 : vector<512x64xf32>
    %get3A_8 = arith.constant 0 : index
    %get3A_9 = arith.constant 0 : index
    %get3A_10 = vector.load %arg3[%get3A_8, %get3A_9] : memref<512x64xf32, #tpu.memory_space<vmem>>, vector<512x64xf32>
    %add3A_11 = arith.addf %add3A, %get3A_10 : vector<512x64xf32>
    %mul3A = arith.mulf %get3A_1, %add3A_11 : vector<512x64xf32>
    %get3A_12 = arith.constant 0 : index
    %get3A_13 = arith.constant 0 : index
    %get3A_14 = vector.load %arg5[%get3A_12, %get3A_13] : memref<1x64xf32, #tpu.memory_space<vmem>>, vector<1x64xf32>
    %add3A_15 = vector.broadcast %get3A_14 : vector<1x64xf32> to vector<512x64xf32>
    %add3A_16 = arith.addf %mul3A, %add3A_15 : vector<512x64xf32>
    %max3A = arith.constant 0.000000e+00 : f32
    %max3A_17 = vector.broadcast %max3A : f32 to vector<512x64xf32>
    %max3A_18 = arith.maximumf %add3A_16, %max3A_17 : vector<512x64xf32>
    %swap3A = arith.constant 0 : index
    %swap3A_19 = arith.constant 0 : index
    %swap3A_20 = vector.load %arg6[%swap3A, %swap3A_19] : memref<512x128xf32, #tpu.memory_space<vmem>>, vector<512x64xf32>
    tpu.vector_store %arg6[%swap3A, %swap3A_19], %max3A_18 {strides = array<i32>} : memref<512x128xf32, #tpu.memory_space<vmem>>, vector<512x64xf32>,
    %broadcast_in_dim3A = arith.constant 0.000000e+00 : f32
    %broadcast_in_dim3A_21 = vector.broadcast %broadcast_in_dim3A : f32 to vector<512x64xf32>
    %swap3A_22 = arith.constant 0 : index
    %swap3A_23 = arith.constant 64 : index
    %swap3A_24 = vector.load %arg6[%swap3A_22, %swap3A_23] : memref<512x128xf32, #tpu.memory_space<vmem>>, vector<512x64xf32>
    tpu.vector_store %arg6[%swap3A_22, %swap3A_23], %broadcast_in_dim3A_21 {strides = array<i32>} : memref<512x128xf32, #tpu.memory_space<vmem>>, vector<512x64xf32>,
    return
  }
  func.func @transform_0(%arg0: i32) -> (i32, i32) {
    %c0_i32 = arith.constant 0 : i32
    %c0_i32_0 = arith.constant 0 : i32
    return %arg0, %c0_i32 : i32, i32
  }
  func.func @transform_1(%arg0: i32) -> (i32, i32) {
    %c0_i32 = arith.constant 0 : i32
    %c0_i32_0 = arith.constant 0 : i32
    return %arg0, %c0_i32 : i32, i32
  }
  func.func @transform_2(%arg0: i32) -> (i32, i32) {
    %c0_i32 = arith.constant 0 : i32
    %c0_i32_0 = arith.constant 0 : i32
    return %arg0, %c0_i32 : i32, i32
  }
  func.func @transform_3(%arg0: i32) -> (i32, i32) {
    %c0_i32 = arith.constant 0 : i32
    %c0_i32_0 = arith.constant 0 : i32
    return %arg0, %c0_i32 : i32, i32
  }
  func.func @transform_4(%arg0: i32) -> (i32, i32) {
    %c0_i32 = arith.constant 0 : i32
    %c0_i32_0 = arith.constant 0 : i32
    %c0_i32_1 = arith.constant 0 : i32
    return %c0_i32, %c0_i32_0 : i32, i32
  }
  func.func @transform_5(%arg0: i32) -> (i32, i32) {
    %c0_i32 = arith.constant 0 : i32
    %c0_i32_0 = arith.constant 0 : i32
    return %arg0, %c0_i32 : i32, i32
  }
}

module attributes {stable_mosaic.version = 14 : i64} {
  func.func @_tc4_body(%arg0: i32, %arg1: memref<1000x128xf32, #tpu.memory_space<vmem>>, %arg2: memref<1000x128xf32, #tpu.memory_space<vmem>>, %arg3: memref<64x64xf32, #tpu.memory_space<vmem>>, %arg4: memref<1x64xf32, #tpu.memory_space<vmem>>, %arg5: memref<64x2xf32, #tpu.memory_space<vmem>>, %arg6: memref<1x2xf32, #tpu.memory_space<vmem>>, %arg7: memref<1000x2xf32, #tpu.memory_space<vmem>>) attributes {dimension_semantics = [#tpu.dimension_semantics<arbitrary>], iteration_bounds = array<i64: 100>, scalar_prefetch = 0 : i64, scratch_operands = 0 : i64, tpu.core_type = #tpu.core_type<tc>, window_params = [{transform_indices = @transform_0, window_bounds = array<i64: 1000, 128>}, {transform_indices = @transform_1, window_bounds = array<i64: 1000, 128>}, {pipeline_mode = #tpu.pipeline_mode<synchronous>, transform_indices = @transform_2, window_bounds = array<i64: 64, 64>}, {pipeline_mode = #tpu.pipeline_mode<synchronous>, transform_indices = @transform_3, window_bounds = array<i64: 1, 64>}, {pipeline_mode = #tpu.pipeline_mode<synchronous>, transform_indices = @transform_4, window_bounds = array<i64: 64, 2>}, {pipeline_mode = #tpu.pipeline_mode<synchronous>, transform_indices = @transform_5, window_bounds = array<i64: 1, 2>}, {transform_indices = @transform_6, window_bounds = array<i64: 1000, 2>}]} {
    %get3A = arith.constant 0 : index
    %get3A_0 = arith.constant 0 : index
    %get3A_1 = vector.load %arg1[%get3A, %get3A_0] : memref<1000x128xf32, #tpu.memory_space<vmem>>, vector<1000x64xf32>
    %get3A_2 = arith.constant 0 : index
    %get3A_3 = arith.constant 0 : index
    %get3A_4 = vector.load %arg2[%get3A_2, %get3A_3] : memref<1000x128xf32, #tpu.memory_space<vmem>>, vector<1000x64xf32>
    %mul3A = arith.mulf %get3A_1, %get3A_4 : vector<1000x64xf32>
    %get3A_5 = arith.constant 0 : index
    %get3A_6 = arith.constant 0 : index
    %get3A_7 = vector.load %arg3[%get3A_5, %get3A_6] : memref<64x64xf32, #tpu.memory_space<vmem>>, vector<64x64xf32>
    %dot_general3A = arith.constant dense<0.000000e+00> : vector<1000x64xf32>
    %dot_general3A_8 = tpu.matmul %mul3A, %get3A_7, %dot_general3A {dimension_numbers = #tpu.dot_dimension_numbers<[1], [0], [0], [1], [0, 0, 1, 1], [], []>, transpose_lhs_hint = false} : vector<1000x64xf32>, vector<64x64xf32>, vector<1000x64xf32> -> vector<1000x64xf32>
    %get3A_9 = arith.constant 0 : index
    %get3A_10 = arith.constant 0 : index
    %get3A_11 = vector.load %arg4[%get3A_9, %get3A_10] : memref<1x64xf32, #tpu.memory_space<vmem>>, vector<1x64xf32>
    %add3A = vector.broadcast %get3A_11 : vector<1x64xf32> to vector<1000x64xf32>
    %add3A_12 = arith.addf %dot_general3A_8, %add3A : vector<1000x64xf32>
    %max3A = arith.constant 0.000000e+00 : f32
    %max3A_13 = vector.broadcast %max3A : f32 to vector<1000x64xf32>
    %max3A_14 = arith.maximumf %add3A_12, %max3A_13 : vector<1000x64xf32>
    %get3A_15 = arith.constant 0 : index
    %get3A_16 = arith.constant 0 : index
    %get3A_17 = vector.load %arg5[%get3A_15, %get3A_16] : memref<64x2xf32, #tpu.memory_space<vmem>>, vector<64x2xf32>
    %dot_general3A_18 = arith.constant dense<0.000000e+00> : vector<1000x2xf32>
    %dot_general3A_19 = tpu.matmul %max3A_14, %get3A_17, %dot_general3A_18 {dimension_numbers = #tpu.dot_dimension_numbers<[1], [0], [0], [1], [0, 0, 1, 1], [], []>, transpose_lhs_hint = false} : vector<1000x64xf32>, vector<64x2xf32>, vector<1000x2xf32> -> vector<1000x2xf32>
    %get3A_20 = arith.constant 0 : index
    %get3A_21 = arith.constant 0 : index
    %get3A_22 = vector.load %arg6[%get3A_20, %get3A_21] : memref<1x2xf32, #tpu.memory_space<vmem>>, vector<1x2xf32>
    %add3A_23 = vector.broadcast %get3A_22 : vector<1x2xf32> to vector<1000x2xf32>
    %add3A_24 = arith.addf %dot_general3A_19, %add3A_23 : vector<1000x2xf32>
    %swap3A = arith.constant 0 : index
    %swap3A_25 = arith.constant 0 : index
    %swap3A_26 = vector.load %arg7[%swap3A, %swap3A_25] : memref<1000x2xf32, #tpu.memory_space<vmem>>, vector<1000x2xf32>
    tpu.vector_store %arg7[%swap3A, %swap3A_25], %add3A_24 {strides = array<i32>} : memref<1000x2xf32, #tpu.memory_space<vmem>>, vector<1000x2xf32>,
    return
  }
  func.func @transform_0(%arg0: i32) -> (i32, i32) {
    %c0_i32 = arith.constant 0 : i32
    %c0_i32_0 = arith.constant 0 : i32
    return %arg0, %c0_i32 : i32, i32
  }
  func.func @transform_1(%arg0: i32) -> (i32, i32) {
    %c0_i32 = arith.constant 0 : i32
    %c0_i32_0 = arith.constant 0 : i32
    return %arg0, %c0_i32 : i32, i32
  }
  func.func @transform_2(%arg0: i32) -> (i32, i32) {
    %c0_i32 = arith.constant 0 : i32
    %c0_i32_0 = arith.constant 0 : i32
    %c0_i32_1 = arith.constant 0 : i32
    return %c0_i32, %c0_i32_0 : i32, i32
  }
  func.func @transform_3(%arg0: i32) -> (i32, i32) {
    %c0_i32 = arith.constant 0 : i32
    %c0_i32_0 = arith.constant 0 : i32
    %c0_i32_1 = arith.constant 0 : i32
    return %c0_i32, %c0_i32_0 : i32, i32
  }
  func.func @transform_4(%arg0: i32) -> (i32, i32) {
    %c0_i32 = arith.constant 0 : i32
    %c0_i32_0 = arith.constant 0 : i32
    %c0_i32_1 = arith.constant 0 : i32
    return %c0_i32, %c0_i32_0 : i32, i32
  }
  func.func @transform_5(%arg0: i32) -> (i32, i32) {
    %c0_i32 = arith.constant 0 : i32
    %c0_i32_0 = arith.constant 0 : i32
    %c0_i32_1 = arith.constant 0 : i32
    return %c0_i32, %c0_i32_0 : i32, i32
  }
  func.func @transform_6(%arg0: i32) -> (i32, i32) {
    %c0_i32 = arith.constant 0 : i32
    %c0_i32_0 = arith.constant 0 : i32
    return %arg0, %c0_i32 : i32, i32
  }
}

</mosaic_0001>

<sc_bundles>
// kernel: kernel.11.cloned.1.call-start
scs
__scs_entry_jumppad:
0x0: {  	(pc) =	sbr.rel $0x88, $3  }
0x1: {  	(tag) =	ssettag $0x0;
	lr =	simm.s32 $0x1  }
0x2: {  	[smem:$0x3F96] =	sst lr;
	_ =	strace $0xD0000000  }
0x3: {  	_ = 	snop  }
0x4: {  	_ = 	snop  }
0x5: {  	_ = 	snop  }
0x6: {  	_ = 	snop  }
0x7: {  	_ = 	snop  }
__scs_overlays_trampoline_lowered:
0x8: {  	[smem:$0x3FA5] =	sst s0  }
0x9: {  	[smem:$0x3FA6] =	sst s1  }
0xa: {  	[smem:$0x3FA7] =	sst s2  }
0xb: {  	[smem:$0x3FA8] =	sst s3  }
0xc: {  	[smem:$0x3FA9] =	sst s4  }
0xd: {  	[smem:$0x3FAA] =	sst s5  }
0xe: {  	[smem:$0x3FAB] =	sst s6  }
0xf: {  	[smem:$0x3FAC] =	sst s7  }
0x10: {  	[smem:$0x3FAD] =	sst s8  }
0x11: {  	[smem:$0x3FAE] =	sst s9;
	s0 =	simm.s32 @!p0 $0x0  }
0x12: {  	s1 =	sld [smem:$0x3F94];
	s0 =	simm.s32 @p0 $0x1  }
0x13: {  	[smem:$0x3FAF] =	sst s0;
	s0 =	simm.s32 @!p1 $0x0  }
0x14: {  	s2 =	sld [smem:$0x3F93];
	s0 =	simm.s32 @p1 $0x1  }
0x15: {  	[smem:$0x3FB0] =	sst s0;
	s0 =	simm.s32 @!p2 $0x0  }
0x16: {  	s3 =	sld [smem:$0x3FDB];
	s0 =	simm.s32 @p2 $0x1  }
0x17: {  	s4 =	simm.s32 $0x1BF5;
	[smem:$0x3FB2] =	sst s0  }
0x18: {  	s0 =	sld [smem:$0x3F95];
	_ =	swait.ge [sflag:s4], $0x0  }
0x19: {  	s7 =	sld [smem:$0x3F96]  }
0x1a: {  	s8 =	sadd.s32 $0xFFFFE003, lr  }
0x1b: {  	s9 =	sadd.s32 $0xFFFFFEF7, lr;
	s5 =	simm.s32 $0xFFFFFFFF;
	p2 =	slt.u32 s8, $0xFFFFF086  }
0x1c: {  	p1 =	slt.u32 s9, $0xF7A;
	s5 =	simm.s32 @!p2 $0x0  }
0x1d: {  	s5 =	simm.s32 @p1 $0x1;
	p0 =	seq.s32 s7, s2  }
0x1e: {  	s7 =	smul.u32 @!p0 $0xF7A, s2;
	p2 =	seq.s32 @!p0 s5, $0x0  }
0x1f: {  	s9 =	smul.u32 $0xF7A, s1;
	s8 =	simm.s32 @!p0 $0x1BF5;
	p2 =	por !p2, p0  }
0x20: {  	[sflag:s8] =	ssyncset.s32 @!p0 $0xFFFFF086;
	s6 =	sadd.s32 @!p0 s3, s7;
	s7 =	simm.s32 @!p0 $0x108  }
0x21: {  	s3 =	sadd.s32 s3, s9;
	s6 =	sadd.s32 @!p0 $0x88, s6;
	s7 =	simm.s32 @p2 $0x1082  }
0x22: {  	[simem:s7], [sflag:s8] =	dma.local @!p0 [hbm:s6], $0xF7A  }
0x23: {  	s9 =	sor.u32 $0xD0000000, s2;
	s6 =	simm.s32 $0x108;
	_ =	swait.ge @!p0 [sflag:s8], $0x0  }
0x24: {  	s3 =	sadd.s32 $0x88, s3;
	s6 =	simm.s32 @!p1 $0x1082;
	[sflag:s4] =	ssyncset.s32 $0xFFFFF086  }
0x25: {  	[simem:s6], [sflag:s4] =	dma.local [hbm:s3], $0xF7A  }
0x26: {  	[smem:$0x3F96] =	sst s1;
	(tag) =	ssettag s2;
	_ =	strace s9  }
0x27: {  	s1 =	sld [smem:$0x3FA6]  }
0x28: {  	s2 =	sld [smem:$0x3FA7]  }
0x29: {  	s4 =	sld [smem:$0x3FA9]  }
0x2a: {  	p0 =	seq.s32 s5, $0x0;
	s5 =	sld [smem:$0x3FAA]  }
0x2b: {  	s6 =	sld [smem:$0x3FAB]  }
0x2c: {  	s7 =	sld [smem:$0x3FAC]  }
0x2d: {  	s3 =	simm.s32 $0x108;
	s8 =	sld [smem:$0x3FAD]  }
0x2e: {  	s3 =	simm.s32 @!p0 $0x1082;
	s9 =	sld [smem:$0x3FAE]  }
0x2f: {  	lr =	sadd.s32 s0, s3;
	s0 =	sld [smem:$0x3FA5]  }
0x30: {  	s3 =	sld [smem:$0x3FA8]  }
0x31: {  	[smem:$0x3FB1] =	sst s10  }
0x32: {  	s10 =	sld [smem:$0x3FAF];
	_ =	sdelay $0x3  }
0x33: {  	p0 =	seq.s32 s10, $0x1;
	s10 =	sld [smem:$0x3FB1];
	_ =	sdelay $0x3  }
0x34: {  	[smem:$0x3FB1] =	sst s10  }
0x35: {  	s10 =	sld [smem:$0x3FB0];
	_ =	sdelay $0x3  }
0x36: {  	p1 =	seq.s32 s10, $0x1;
	s10 =	sld [smem:$0x3FB1];
	_ =	sdelay $0x3  }
0x37: {  	[smem:$0x3FB1] =	sst s10  }
0x38: {  	s10 =	sld [smem:$0x3FB2]  }
0x39: {  	_ = 	snop;
	(pc) =	sbr.ind lr, $3  }
0x3a: {  	_ = 	snop  }
0x3b: {  	_ = 	snop  }
0x3c: {  	p2 =	seq.s32 s10, $0x1;
	s10 =	sld [smem:$0x3FB1]  }
0x3d: {  	_ =	shalt  }
0x3e: {  	_ =	shalt  }
0x3f: {  	_ =	shalt  }
0x40: {  	_ =	shalt  }
0x41: {  	_ =	shalt  }
0x42: {  	_ =	shalt  }
0x43: {  	_ =	shalt  }
0x44: {  	_ =	shalt  }
0x45: {  	_ =	shalt  }
0x46: {  	_ =	shalt  }
0x47: {  	_ =	shalt  }
0x48: {  	_ =	shalt  }
0x49: {  	_ =	shalt  }
0x4a: {  	_ =	shalt  }
0x4b: {  	_ =	shalt  }
0x4c: {  	_ =	shalt  }
0x4d: {  	_ =	shalt  }
0x4e: {  	_ =	shalt  }
0x4f: {  	_ =	shalt  }
0x50: {  	_ =	shalt  }
0x51: {  	_ =	shalt  }
0x52: {  	_ =	shalt  }
0x53: {  	_ =	shalt  }
0x54: {  	_ =	shalt  }
0x55: {  	_ =	shalt  }
0x56: {  	_ =	shalt  }
0x57: {  	_ =	shalt  }
0x58: {  	_ =	shalt  }
0x59: {  	_ =	shalt  }
0x5a: {  	_ =	shalt  }
0x5b: {  	_ =	shalt  }
0x5c: {  	_ =	shalt  }
0x5d: {  	_ =	shalt  }
0x5e: {  	_ =	shalt  }
0x5f: {  	_ =	shalt  }
0x60: {  	_ =	shalt  }
0x61: {  	_ =	shalt  }
0x62: {  	_ =	shalt  }
0x63: {  	_ =	shalt  }
0x64: {  	_ =	shalt  }
0x65: {  	_ =	shalt  }
0x66: {  	_ =	shalt  }
0x67: {  	_ =	shalt  }
0x68: {  	_ =	shalt  }
0x69: {  	_ =	shalt  }
0x6a: {  	_ =	shalt  }
0x6b: {  	_ =	shalt  }
0x6c: {  	_ =	shalt  }
0x6d: {  	_ =	shalt  }
0x6e: {  	_ =	shalt  }
0x6f: {  	_ =	shalt  }
0x70: {  	_ =	shalt  }
0x71: {  	_ =	shalt  }
0x72: {  	_ =	shalt  }
0x73: {  	_ =	shalt  }
0x74: {  	_ =	shalt  }
0x75: {  	_ =	shalt  }
0x76: {  	_ =	shalt  }
0x77: {  	_ =	shalt  }
0x78: {  	_ =	shalt  }
0x79: {  	_ =	shalt  }
0x7a: {  	_ =	shalt  }
0x7b: {  	_ =	shalt  }
0x7c: {  	_ =	shalt  }
0x7d: {  	_ =	shalt  }
0x7e: {  	_ =	shalt  }
0x7f: {  	_ =	shalt  }
0x80: {  	_ =	shalt  }
0x81: {  	_ =	shalt  }
0x82: {  	_ =	shalt  }
0x83: {  	_ =	shalt  }
0x84: {  	_ =	shalt  }
0x85: {  	_ =	shalt  }
0x86: {  	_ =	shalt  }
0x87: {  	_ =	shalt  }
.Lfunc_end0:
.L_simem_size_0:
called_computation_lowered:
.L_overlay_start_0:
0x88: {  	s2 =	sld [smem:$0x3FD9]  }
0x89: {  	s3 =	sld [smem:$0x3FFE];
	_ =	sdelay $0x1  }
0x8a: {  	s1 =	srdreg.scid  }
0x8b: {  	s0 =	sand.u32 $0x1, s1  }
0x8c: {  	s16 =	sshll.u32 s0, $0xA;
	s2 =	sadd.s32 s3, s2  }
0x8d: {  	s2 =	sadd.s32 s2, s16  }
0x8e: {  	[smem:$0x3FBD] =	sst s2  }
0x8f: {  	_ = 	snop  }
0x90: {  	(tm) =	ssettm $0x1  }
0x91: {  	s17 =	sld [smem:$0x3FFB];
	_ =	sdelay $0x3  }
0x92: {  	_ =	strace s17  }
0x93: {  	s2 =	sld [smem:$0x3FFC];
	_ =	sdelay $0x3  }
0x94: {  	_ =	strace s2  }
0x95: {  	s2 =	sld [smem:$0x3FFD];
	_ =	sdelay $0x3  }
0x96: {  	_ =	strace s2  }
0x97: {  	_ =	strace $0x8FFFFFFF  }
0x98: {  	s18 =	sld [smem:$0x3FDB];
	_ =	sdelay $0x1  }
0x99: {  	s19 =	simm.s32 $_scs_section_size  }
0x9a: {  	s4 =	simm.s32 $_size__tile_overlayer_lowered;
	s5 =	simm.s32 $_tile_overlayer_lowered  }
0x9b: {  	s22 =	simm.s32 $0x1BFF;
	s21 =	sshll.u32 s5, $0x1;
	s2 =	sadd.s32 s19, s18  }
0x9c: {  	s6 =	simm.s32 $0x0;
	s20 =	sshll.u32 s4, $0x1;
	s4 =	sadd.s32 s21, s2  }
0x9d: {  	[timem:s6], [sflag:s22] =	dma.local [hbm:s4], s20  }
0x9e: {  	_ =	swait.ge [sflag:s22], s20  }
0x9f: {  	s3 =	ssub.s32 $0x0, s20;
	[sflag:s22] =	ssyncset.done $0x0  }
0xa0: {  	[sflag:s22] =	ssyncadd.s32 s3;
	_ =	sdelay $0x1  }
0xa1: {  	s23 =	simm.s32 $0x1B8B  }
0xa2: {  	_ =	swait.ge [sflag:s23], $0x1  }
0xa3: {  	[sflag:s23] =	ssyncset.done $0x0  }
0xa4: {  	s25 =	simm.s32 $0x1B8E;
	s24 =	sld [smem:$0x3FFE];
	[sflag:s23] =	ssyncadd.s32 $0xFFFFFFFF  }
0xa5: {  	s26 =	simm.s32 $execute0_lowered;
	[smem:$0x3FD2] =	sst s25  }
0xa6: {  	s4 =	sshll.u32 s26, $0x1;
	_ =	strace $0x80000046;
	[dreg:$0x1] =	wrdreg $0xFFFFFFFF  }
0xa7: {  	s28 =	simm.s32 $_size_execute0_lowered;
	s2 =	sadd.s32 s2, s4;
	[dreg:$0x0] =	wrdreg $0x0  }
0xa8: {  	s4 =	sshll.u32 s28, $0x1;
	[dreg:$0x2] =	wrdreg s2  }
0xa9: {  	[dreg:$0x3] =	wrdreg s4  }
0xaa: {  	[dreg:$0x4] =	wrdreg $0xC0  }
0xab: {  	_ =	task [dreg:s6], $0x5FFFF  }
0xac: {  	[dreg:$0x1] =	wrdreg $0xFFFFFFFF  }
0xad: {  	[dreg:$0x0] =	wrdreg $0x60  }
0xae: {  	[dreg:$0x2] =	wrdreg s24  }
0xaf: {  	[dreg:$0x3] =	wrdreg $0x58000  }
0xb0: {  	[dreg:$0x4] =	wrdreg $0x9  }
0xb1: {  	_ =	task.clear_ibuf [dreg:s6], $0x5FFFF;
	_ =	strace $0x90000046  }
0xb2: {  	s29 =	simm.s32 $0x9;
	_ =	strace $0x80000048  }
0xb3: {  	_ =	swait.ge [sflag:s29], $0x1  }
0xb4: {  	[sflag:s29] =	ssyncadd.s32 $0xFFFFFFFF  }
0xb5: {  	_ =	strace $0x90000048  }
0xb6: {  	_ =	sfence  }
0xb7: {  	s30 =	sld [smem:$0x0];
	_ =	sdelay $0x2  }
0xb8: {  	s31 =	sshll.u32 s1, $0xD;
	s1 =	sshrl.u32 s1, $0x2  }
0xb9: {  	s3 =	sand.u32 $0x4000, s31;
	s1 =	sadd.s32 s1, s30  }
0xba: {  	s0 =	sor.u32 s3, s0;
	s1 =	sshll.u32 s1, $0x11  }
0xbb: {  	s0 =	sor.u32 s1, s0  }
0xbc: {  	s0 =	sadd.s32 $0x8F2B, s0  }
0xbd: {  	[sflag:s0] =	ssyncadd.remote.s32 $0x1  }
0xbe: {  	_ =	sfence.sel $0xFFFF  }
0xbf: {  	[dreg:$0x0] =	wrdreg $0xFFFFFFFF;
	(pc) =	sbr.abs _section_cstart, $3  }
0xc0: {  	[dreg:$0x1] =	wrdreg $0xFFFFFFFF  }
0xc1: {  	_ =	task.clear_ibuf [dreg:s6], $0x2FFFF;
	_ =	strace $0x9FFFFFFF  }
0xc2: {  	(tm) =	ssettm $0x7FFFFFFF  }
0xc3: {  	_ =	shalt  }
tec
execute0_lowered:
.L_overlay_start_1:
0x0: {  	(tag) =	ssettag $0x1  }
0x1: {  	s4 =	rddreg [dreg:$0x0]  }
0x2: {  	s2 =	rddreg [dreg:$0x1];
	s3 =	srdreg.scid  }
0x3: {  	s0 =	rddreg [dreg:$0x2];
	s1 =	stileid.u32  }
0x4: {  	s10 =	simm.s32 $0x80;
	s11 =	simm.s32 $0x2800;
	s8 =	smul.u32 $0x2800, s1  }
0x5: {  	s12 =	simm.s32 $0x0;
	s5 =	sand.u32 $0x1, s3;
	s30 =	smul.u32 $0xA000, s1  }
0x6: {  	s3 =	simm.s32 $0x0;
	s6 =	sshll.u32 s1, $0x1;
	s7 =	smul.u32 $0x28000, s5  }
0x7: {  	[smem:$0x7FF] =	sst s3;
	s6 =	sor.u32 s5, s6;
	s5 =	ssub.s32 $0x2, s5  }
0x8: {  	_ =	strace $0x80000047;
	s6 =	smul.u32 $0x500, s6;
	s9 =	sshrl.u32 s5, $0x1  }
0x9: {  	s31 =	sshrl.u32 s30, $0x2;
	s7 =	sadd.s32 s8, s7;
	s9 =	ssub.s32 s5, s9  }
0xa: {  	s8 =	simm.s32 $0x3000;
	s6 =	sadd.s32 s6, s4;
	s7 =	sshrl.u32 s7, $0x3  }
0xb: {  	s7 =	sadd.s32 s7, s4;
	s4 =	sadd.s32 s31, s2;
	s5 =	sadd.s32 $0xD400, s6  }
0xc: {  	v0 =	vimm.f32 $1.000000000e+00;
	v1 =	vimm.f32 $0.0e+00;
	s6 =	sadd.s32 $0x17400, s7;
	s7 =	smax.u32 s9, $0x1;
	s9 =	simm.s32 $0x1  }
.LBB2_1:
0xd: {  	s13 =	simm.s32 $0x0  }
.LBB2_2:
0xe: {  	p0 =	sne.s32 s13, $0x1FC0  }
.Ltmp0:
0xf: {  	_ = 	snop;
	(pc) =	sbr.rel @p0 .LBB2_2-.Ltmp0, $3  }
0x10: {  	_ =	sdelay $0x1  }
0x11: {  	s14 =	sshra.s32 s13, $0x2  }
0x12: {  	s13 =	sadd.s32 $0x40, s13;
	[tilespmem:s14+$0x2800] =	vst v0  }
0x13: {  	s13 =	simm.s32 $0x40;
	s14 =	simm.s32 $0x0  }
.LBB2_4:
0x14: {  	p0 =	sne.s32 s13, $0x9FC0;
	[tilespmem:s14+$0x3000] =	vst v1;
	s14 =	smov.u32 s13;
	s13 =	sadd.s32 $0x40, s13  }
.Ltmp1:
0x15: {  	(pc) =	sbr.rel @p0 .LBB2_4-.Ltmp1, $2  }
0x16: {  	_ =	sdelay $0x2  }
0x17: {  	s14 =	sshra.s32 s14, $0x2  }
0x18: {  	[tilespmem:s14+$0x3000] =	vst v1  }
0x19: {  	[spmem:s4] =	stream.linear.scatter [tilespmem:s8], [sflag:$0x1], $0x2800, $0x38;
	[tilespmem:$0x8000] =	vst v63  }
0x1a: {  	_ =	swait.ge [sflag:s9], $0x2800  }
0x1b: {  	[sflag:s9] =	ssyncset.done $0x0  }
0x1c: {  	[sflag:s9] =	ssyncadd.s32 $0xFFFFD800  }
0x1d: {  	s13 =	simm.s32 $0x0;
	[bflag:$0x0] =	sbarrier.arrive $0xFFFF  }
0x1e: {  	[tilespmem:s13], [sflag:$0x1] =	stream.linear.gather [hbm4b:s5+s13], $0x2800, $0x38;
	[tilespmem:$0x8000] =	vst v63  }
0x1f: {  	_ =	swait.ge [sflag:s9], $0x2800  }
0x20: {  	[sflag:s9] =	ssyncset.done $0x0  }
0x21: {  	s31 =	simm.s32 $0x0;
	[sflag:s9] =	ssyncadd.s32 $0xFFFFD800  }
0x22: {  	[spmem:s2] =	stream.indirect.scatter.add.f32 [tilespmem:s11], [sflag:$0x1], $0x10, s31, s10, $0xb8;
	[tilespmem:$0x8000] =	vst v63  }
0x23: {  	_ =	swait.ge [sflag:s9], $0x800  }
0x24: {  	s13 =	simm.s32 $0x200;
	[sflag:s9] =	ssyncset.done $0x0  }
.LBB2_6:
0x25: {  	s14 =	sshra.s32 s13, $0x2;
	[sflag:s9] =	ssyncadd.s32 $0xFFFFF800;
	p0 =	sne.s32 s13, $0x9E00  }
0x26: {  	[spmem:s2] =	stream.indirect.scatter.add.f32 [tilespmem:s11], [sflag:$0x1], $0x10, s14, s10, $0xb8;
	[tilespmem:$0x8000] =	vst v63  }
.Ltmp2:
0x27: {  	_ = 	snop;
	(pc) =	sbr.rel @p0 .LBB2_6-.Ltmp2, $4  }
0x28: {  	_ = 	snop  }
0x29: {  	s13 =	sadd.s32 $0x200, s13  }
0x2a: {  	_ =	swait.ge [sflag:s9], $0x800  }
0x2b: {  	[sflag:s9] =	ssyncset.done $0x0  }
0x2c: {  	[sflag:s9] =	ssyncadd.s32 $0xFFFFF800  }
0x2d: {  	[bflag:$0x0] =	sbarrier.arrive $0xFFFF  }
0x2e: {  	[tilespmem:s8], [sflag:$0x1] =	stream.linear.gather [spmem:s4], $0x2800, $0x38;
	[tilespmem:$0x8000] =	vst v63  }
0x2f: {  	s12 =	sadd.s32 $0x1, s12;
	_ =	swait.ge [sflag:s9], $0x2800  }
0x30: {  	p0 =	sne.s32 s12, s7;
	[sflag:s9] =	ssyncset.done $0x0  }
.Ltmp3:
0x31: {  	[sflag:s9] =	ssyncadd.s32 $0xFFFFD800;
	(pc) =	sbr.rel @p0 .LBB2_1-.Ltmp3, $4  }
0x32: {  	[hbm4b:s6+s3] =	stream.linear.scatter [tilespmem:s8], [sflag:$0x1], $0x2800, $0x38;
	[tilespmem:$0x8000] =	vst v63  }
0x33: {  	_ =	swait.ge [sflag:s9], $0x2800  }
0x34: {  	[sflag:s9] =	ssyncset.done $0x0  }
0x35: {  	[sflag:s9] =	ssyncadd.s32 $0xFFFFD800  }
0x36: {  	_ =	sfence.sel $0x180000  }
0x37: {  	[bflag:$0x0] =	sbarrier.arrive $0xFFFF  }
0x38: {  	p0 =	sne.s32 s1, $0x0;
	_ =	strace $0x90000047  }
0x39: {  	s0 =	sadd.s32 @!p0 $0x100000, s0;
	[bflag:$0x2] =	sbarrier.arrive $0xFFFF  }
0x3a: {  	[sflag:s0] =	ssyncadd.tile.s32 @!p0 $0x1;
	_ =	shalt  }
.Lfunc_end2:
_tile_overlayer_lowered:
.L_overlay_start_2:
0x3b: {  	(tag) =	ssettag $0x2  }
0x3c: {  	s0 =	rddreg [dreg:$0x0];
	s2 =	stileid.u32  }
0x3d: {  	s1 =	rddreg [dreg:$0x1];
	p0 =	sne.s32 s2, $0x0  }
0x3e: {  	s3 =	rddreg [dreg:$0x2];
	[bflag:$0x3] =	sbarrier.arrive $0xFFFF;
	s2 =	simm.s32 @!p0 $0x1C01  }
0x3f: {  	[timem:s3], [sflag:s2] =	dma.local @!p0 [hbm:s0], s1  }
0x40: {  	s0 =	simm.s32 @!p0 $0x1  }
0x41: {  	_ =	swait.ge @!p0 [sflag:s0], s1  }
0x42: {  	s1 =	ssub.s32 @!p0 $0x0, s1;
	[sflag:s0] =	ssyncset.done @!p0 $0x0  }
0x43: {  	[sflag:s0] =	ssyncadd.s32 @!p0 s1  }
0x44: {  	[bflag:$0x3] =	sbarrier.arrive $0xFFFF  }
0x45: {  	_ =	shalt  }

// kernel: kernel.14.cloned.1.call-start
scs
__scs_entry_jumppad:
0x0: {  	(pc) =	sbr.rel $0x88, $3  }
0x1: {  	(tag) =	ssettag $0x0;
	lr =	simm.s32 $0x1  }
0x2: {  	[smem:$0x3F96] =	sst lr;
	_ =	strace $0xD0000000  }
0x3: {  	_ = 	snop  }
0x4: {  	_ = 	snop  }
0x5: {  	_ = 	snop  }
0x6: {  	_ = 	snop  }
0x7: {  	_ = 	snop  }
__scs_overlays_trampoline_lowered:
0x8: {  	[smem:$0x3FA5] =	sst s0  }
0x9: {  	[smem:$0x3FA6] =	sst s1  }
0xa: {  	[smem:$0x3FA7] =	sst s2  }
0xb: {  	[smem:$0x3FA8] =	sst s3  }
0xc: {  	[smem:$0x3FA9] =	sst s4  }
0xd: {  	[smem:$0x3FAA] =	sst s5  }
0xe: {  	[smem:$0x3FAB] =	sst s6  }
0xf: {  	[smem:$0x3FAC] =	sst s7  }
0x10: {  	[smem:$0x3FAD] =	sst s8  }
0x11: {  	[smem:$0x3FAE] =	sst s9;
	s0 =	simm.s32 @!p0 $0x0  }
0x12: {  	s1 =	sld [smem:$0x3F94];
	s0 =	simm.s32 @p0 $0x1  }
0x13: {  	[smem:$0x3FAF] =	sst s0;
	s0 =	simm.s32 @!p1 $0x0  }
0x14: {  	s2 =	sld [smem:$0x3F93];
	s0 =	simm.s32 @p1 $0x1  }
0x15: {  	[smem:$0x3FB0] =	sst s0;
	s0 =	simm.s32 @!p2 $0x0  }
0x16: {  	s3 =	sld [smem:$0x3FDB];
	s0 =	simm.s32 @p2 $0x1  }
0x17: {  	s4 =	simm.s32 $0x1BF5;
	[smem:$0x3FB2] =	sst s0  }
0x18: {  	s0 =	sld [smem:$0x3F95];
	_ =	swait.ge [sflag:s4], $0x0  }
0x19: {  	s7 =	sld [smem:$0x3F96]  }
0x1a: {  	s8 =	sadd.s32 $0xFFFFE003, lr  }
0x1b: {  	s9 =	sadd.s32 $0xFFFFFEF7, lr;
	s5 =	simm.s32 $0xFFFFFFFF;
	p2 =	slt.u32 s8, $0xFFFFF086  }
0x1c: {  	p1 =	slt.u32 s9, $0xF7A;
	s5 =	simm.s32 @!p2 $0x0  }
0x1d: {  	s5 =	simm.s32 @p1 $0x1;
	p0 =	seq.s32 s7, s2  }
0x1e: {  	s7 =	smul.u32 @!p0 $0xF7A, s2;
	p2 =	seq.s32 @!p0 s5, $0x0  }
0x1f: {  	s9 =	smul.u32 $0xF7A, s1;
	s8 =	simm.s32 @!p0 $0x1BF5;
	p2 =	por !p2, p0  }
0x20: {  	[sflag:s8] =	ssyncset.s32 @!p0 $0xFFFFF086;
	s6 =	sadd.s32 @!p0 s3, s7;
	s7 =	simm.s32 @!p0 $0x108  }
0x21: {  	s3 =	sadd.s32 s3, s9;
	s6 =	sadd.s32 @!p0 $0x88, s6;
	s7 =	simm.s32 @p2 $0x1082  }
0x22: {  	[simem:s7], [sflag:s8] =	dma.local @!p0 [hbm:s6], $0xF7A  }
0x23: {  	s9 =	sor.u32 $0xD0000000, s2;
	s6 =	simm.s32 $0x108;
	_ =	swait.ge @!p0 [sflag:s8], $0x0  }
0x24: {  	s3 =	sadd.s32 $0x88, s3;
	s6 =	simm.s32 @!p1 $0x1082;
	[sflag:s4] =	ssyncset.s32 $0xFFFFF086  }
0x25: {  	[simem:s6], [sflag:s4] =	dma.local [hbm:s3], $0xF7A  }
0x26: {  	[smem:$0x3F96] =	sst s1;
	(tag) =	ssettag s2;
	_ =	strace s9  }
0x27: {  	s1 =	sld [smem:$0x3FA6]  }
0x28: {  	s2 =	sld [smem:$0x3FA7]  }
0x29: {  	s4 =	sld [smem:$0x3FA9]  }
0x2a: {  	p0 =	seq.s32 s5, $0x0;
	s5 =	sld [smem:$0x3FAA]  }
0x2b: {  	s6 =	sld [smem:$0x3FAB]  }
0x2c: {  	s7 =	sld [smem:$0x3FAC]  }
0x2d: {  	s3 =	simm.s32 $0x108;
	s8 =	sld [smem:$0x3FAD]  }
0x2e: {  	s3 =	simm.s32 @!p0 $0x1082;
	s9 =	sld [smem:$0x3FAE]  }
0x2f: {  	lr =	sadd.s32 s0, s3;
	s0 =	sld [smem:$0x3FA5]  }
0x30: {  	s3 =	sld [smem:$0x3FA8]  }
0x31: {  	[smem:$0x3FB1] =	sst s10  }
0x32: {  	s10 =	sld [smem:$0x3FAF];
	_ =	sdelay $0x3  }
0x33: {  	p0 =	seq.s32 s10, $0x1;
	s10 =	sld [smem:$0x3FB1];
	_ =	sdelay $0x3  }
0x34: {  	[smem:$0x3FB1] =	sst s10  }
0x35: {  	s10 =	sld [smem:$0x3FB0];
	_ =	sdelay $0x3  }
0x36: {  	p1 =	seq.s32 s10, $0x1;
	s10 =	sld [smem:$0x3FB1];
	_ =	sdelay $0x3  }
0x37: {  	[smem:$0x3FB1] =	sst s10  }
0x38: {  	s10 =	sld [smem:$0x3FB2]  }
0x39: {  	_ = 	snop;
	(pc) =	sbr.ind lr, $3  }
0x3a: {  	_ = 	snop  }
0x3b: {  	_ = 	snop  }
0x3c: {  	p2 =	seq.s32 s10, $0x1;
	s10 =	sld [smem:$0x3FB1]  }
0x3d: {  	_ =	shalt  }
0x3e: {  	_ =	shalt  }
0x3f: {  	_ =	shalt  }
0x40: {  	_ =	shalt  }
0x41: {  	_ =	shalt  }
0x42: {  	_ =	shalt  }
0x43: {  	_ =	shalt  }
0x44: {  	_ =	shalt  }
0x45: {  	_ =	shalt  }
0x46: {  	_ =	shalt  }
0x47: {  	_ =	shalt  }
0x48: {  	_ =	shalt  }
0x49: {  	_ =	shalt  }
0x4a: {  	_ =	shalt  }
0x4b: {  	_ =	shalt  }
0x4c: {  	_ =	shalt  }
0x4d: {  	_ =	shalt  }
0x4e: {  	_ =	shalt  }
0x4f: {  	_ =	shalt  }
0x50: {  	_ =	shalt  }
0x51: {  	_ =	shalt  }
0x52: {  	_ =	shalt  }
0x53: {  	_ =	shalt  }
0x54: {  	_ =	shalt  }
0x55: {  	_ =	shalt  }
0x56: {  	_ =	shalt  }
0x57: {  	_ =	shalt  }
0x58: {  	_ =	shalt  }
0x59: {  	_ =	shalt  }
0x5a: {  	_ =	shalt  }
0x5b: {  	_ =	shalt  }
0x5c: {  	_ =	shalt  }
0x5d: {  	_ =	shalt  }
0x5e: {  	_ =	shalt  }
0x5f: {  	_ =	shalt  }
0x60: {  	_ =	shalt  }
0x61: {  	_ =	shalt  }
0x62: {  	_ =	shalt  }
0x63: {  	_ =	shalt  }
0x64: {  	_ =	shalt  }
0x65: {  	_ =	shalt  }
0x66: {  	_ =	shalt  }
0x67: {  	_ =	shalt  }
0x68: {  	_ =	shalt  }
0x69: {  	_ =	shalt  }
0x6a: {  	_ =	shalt  }
0x6b: {  	_ =	shalt  }
0x6c: {  	_ =	shalt  }
0x6d: {  	_ =	shalt  }
0x6e: {  	_ =	shalt  }
0x6f: {  	_ =	shalt  }
0x70: {  	_ =	shalt  }
0x71: {  	_ =	shalt  }
0x72: {  	_ =	shalt  }
0x73: {  	_ =	shalt  }
0x74: {  	_ =	shalt  }
0x75: {  	_ =	shalt  }
0x76: {  	_ =	shalt  }
0x77: {  	_ =	shalt  }
0x78: {  	_ =	shalt  }
0x79: {  	_ =	shalt  }
0x7a: {  	_ =	shalt  }
0x7b: {  	_ =	shalt  }
0x7c: {  	_ =	shalt  }
0x7d: {  	_ =	shalt  }
0x7e: {  	_ =	shalt  }
0x7f: {  	_ =	shalt  }
0x80: {  	_ =	shalt  }
0x81: {  	_ =	shalt  }
0x82: {  	_ =	shalt  }
0x83: {  	_ =	shalt  }
0x84: {  	_ =	shalt  }
0x85: {  	_ =	shalt  }
0x86: {  	_ =	shalt  }
0x87: {  	_ =	shalt  }
.Lfunc_end0:
.L_simem_size_0:
called_computation.1_lowered:
.L_overlay_start_0:
0x88: {  	s2 =	sld [smem:$0x3FD9]  }
0x89: {  	s3 =	sld [smem:$0x3FFE];
	_ =	sdelay $0x1  }
0x8a: {  	s1 =	srdreg.scid  }
0x8b: {  	s0 =	sand.u32 $0x1, s1  }
0x8c: {  	s16 =	sshll.u32 s0, $0xA;
	s2 =	sadd.s32 s3, s2  }
0x8d: {  	s2 =	sadd.s32 s2, s16  }
0x8e: {  	[smem:$0x3FBD] =	sst s2  }
0x8f: {  	_ = 	snop  }
0x90: {  	(tm) =	ssettm $0x1  }
0x91: {  	s17 =	sld [smem:$0x3FFB];
	_ =	sdelay $0x3  }
0x92: {  	_ =	strace s17  }
0x93: {  	s2 =	sld [smem:$0x3FFC];
	_ =	sdelay $0x3  }
0x94: {  	_ =	strace s2  }
0x95: {  	s2 =	sld [smem:$0x3FFD];
	_ =	sdelay $0x3  }
0x96: {  	_ =	strace s2  }
0x97: {  	_ =	strace $0x8FFFFFFF  }
0x98: {  	s18 =	sld [smem:$0x3FDB];
	_ =	sdelay $0x1  }
0x99: {  	s19 =	simm.s32 $_scs_section_size  }
0x9a: {  	s4 =	simm.s32 $_size__tile_overlayer_lowered;
	s5 =	simm.s32 $_tile_overlayer_lowered  }
0x9b: {  	s22 =	simm.s32 $0x1BFF;
	s21 =	sshll.u32 s5, $0x1;
	s2 =	sadd.s32 s19, s18  }
0x9c: {  	s6 =	simm.s32 $0x0;
	s20 =	sshll.u32 s4, $0x1;
	s4 =	sadd.s32 s21, s2  }
0x9d: {  	[timem:s6], [sflag:s22] =	dma.local [hbm:s4], s20  }
0x9e: {  	_ =	swait.ge [sflag:s22], s20  }
0x9f: {  	s3 =	ssub.s32 $0x0, s20;
	[sflag:s22] =	ssyncset.done $0x0  }
0xa0: {  	[sflag:s22] =	ssyncadd.s32 s3;
	_ =	sdelay $0x1  }
0xa1: {  	s23 =	simm.s32 $0x1B8B  }
0xa2: {  	_ =	swait.ge [sflag:s23], $0x1  }
0xa3: {  	[sflag:s23] =	ssyncset.done $0x0  }
0xa4: {  	s25 =	simm.s32 $0x1B8E;
	s24 =	sld [smem:$0x3FFE];
	[sflag:s23] =	ssyncadd.s32 $0xFFFFFFFF  }
0xa5: {  	s26 =	simm.s32 $execute0_lowered;
	[smem:$0x3FD2] =	sst s25  }
0xa6: {  	s4 =	sshll.u32 s26, $0x1;
	_ =	strace $0x80000049;
	[dreg:$0x1] =	wrdreg $0xFFFFFFFF  }
0xa7: {  	s28 =	simm.s32 $_size_execute0_lowered;
	s2 =	sadd.s32 s2, s4;
	[dreg:$0x0] =	wrdreg $0x0  }
0xa8: {  	s4 =	sshll.u32 s28, $0x1;
	[dreg:$0x2] =	wrdreg s2  }
0xa9: {  	[dreg:$0x3] =	wrdreg s4  }
0xaa: {  	[dreg:$0x4] =	wrdreg $0xC0  }
0xab: {  	_ =	task [dreg:s6], $0x5FFFF  }
0xac: {  	[dreg:$0x1] =	wrdreg $0xFFFFFFFF  }
0xad: {  	[dreg:$0x0] =	wrdreg $0x60  }
0xae: {  	[dreg:$0x2] =	wrdreg s24  }
0xaf: {  	[dreg:$0x3] =	wrdreg $0x90000  }
0xb0: {  	[dreg:$0x4] =	wrdreg $0x9  }
0xb1: {  	_ =	task.clear_ibuf [dreg:s6], $0x5FFFF;
	_ =	strace $0x90000049  }
0xb2: {  	s29 =	simm.s32 $0x9;
	_ =	strace $0x8000004B  }
0xb3: {  	_ =	swait.ge [sflag:s29], $0x1  }
0xb4: {  	[sflag:s29] =	ssyncadd.s32 $0xFFFFFFFF  }
0xb5: {  	_ =	strace $0x9000004B  }
0xb6: {  	_ =	sfence  }
0xb7: {  	s30 =	sld [smem:$0x0];
	_ =	sdelay $0x2  }
0xb8: {  	s31 =	sshll.u32 s1, $0xD;
	s1 =	sshrl.u32 s1, $0x2  }
0xb9: {  	s3 =	sand.u32 $0x4000, s31;
	s1 =	sadd.s32 s1, s30  }
0xba: {  	s0 =	sor.u32 s3, s0;
	s1 =	sshll.u32 s1, $0x11  }
0xbb: {  	s0 =	sor.u32 s1, s0  }
0xbc: {  	s0 =	sadd.s32 $0x8F2B, s0  }
0xbd: {  	[sflag:s0] =	ssyncadd.remote.s32 $0x1  }
0xbe: {  	_ =	sfence.sel $0xFFFF  }
0xbf: {  	[dreg:$0x0] =	wrdreg $0xFFFFFFFF;
	(pc) =	sbr.abs _section_cstart, $3  }
0xc0: {  	[dreg:$0x1] =	wrdreg $0xFFFFFFFF  }
0xc1: {  	_ =	task.clear_ibuf [dreg:s6], $0x2FFFF;
	_ =	strace $0x9FFFFFFF  }
0xc2: {  	(tm) =	ssettm $0x7FFFFFFF  }
0xc3: {  	_ =	shalt  }
tec
execute0_lowered:
.L_overlay_start_1:
0x0: {  	(tag) =	ssettag $0x1  }
0x1: {  	s0 =	rddreg [dreg:$0x0]  }
0x2: {  	s1 =	srdreg.scid;
	s8 =	stileid.u32  }
0x3: {  	s2 =	rddreg [dreg:$0x1];
	s3 =	simm.s32 $0x0;
	s11 =	simm.s32 $0x100  }
0x4: {  	s13 =	simm.s32 $0x880;
	s15 =	simm.s32 $0x180;
	s17 =	simm.s32 $0x900  }
0x5: {  	s19 =	simm.s32 $0x200;
	s20 =	simm.s32 $0x980;
	[smem:$0x7FF] =	sst s3  }
0x6: {  	s21 =	simm.s32 $0x280;
	_ =	strace $0x8000004A;
	[dreg:$0x5] =	wrdreg s11  }
0x7: {  	s22 =	simm.s32 $0xA00;
	s23 =	simm.s32 $0x300;
	[dreg:$0x6] =	wrdreg s13  }
0x8: {  	s24 =	simm.s32 $0xA80;
	s28 =	simm.s32 $0x500;
	[dreg:$0x7] =	wrdreg s15  }
0x9: {  	s29 =	simm.s32 $0xC80;
	s4 =	smul.u32 $0x5000, s8;
	[dreg:$0x8] =	wrdreg s17  }
0xa: {  	s30 =	simm.s32 $0x580;
	s7 =	smul.u32 $0x14000, s8;
	[dreg:$0x9] =	wrdreg s19  }
0xb: {  	s1 =	sand.u32 $0x1, s1;
	s8 =	smul.u32 $0x50000, s8;
	[dreg:$0xa] =	wrdreg s20  }
0xc: {  	s31 =	simm.s32 $0xD00;
	s5 =	smul.u32 $0x2800, s1;
	[dreg:$0xb] =	wrdreg s21  }
0xd: {  	s6 =	smul.u32 $0x140000, s1;
	s1 =	ssub.s32 $0x2, s1;
	[dreg:$0xc] =	wrdreg s22  }
0xe: {  	s17 =	simm.s32 $0x3;
	[dreg:$0xd] =	wrdreg s23;
	s19 =	simm.s32 $0x80  }
0xf: {  	[dreg:$0xe] =	wrdreg s24;
	s20 =	simm.s32 $0x1;
	s21 =	simm.s32 $0x5000  }
0x10: {  	s22 =	simm.s32 $0x2;
	s23 =	simm.s32 $0x400;
	s24 =	simm.s32 $0xB80  }
0x11: {  	s11 =	simm.s32 $0xE00;
	s13 =	simm.s32 $0xE80;
	s25 =	sshrl.u32 s1, $0x1  }
0x12: {  	s8 =	sshrl.u32 s8, $0x2;
	s1 =	ssub.s32 s1, s25;
	s25 =	simm.s32 $0x380  }
0x13: {  	s6 =	sadd.s32 s7, s6;
	s7 =	sadd.s32 s8, s2;
	[dreg:$0xf] =	wrdreg s25  }
0x14: {  	s15 =	simm.s32 $0xF00;
	s26 =	sadd.s32 $0x4000, s7;
	[dreg:$0x11] =	wrdreg s7  }
0x15: {  	s5 =	sadd.s32 s5, s4;
	s8 =	sadd.s32 $0x8000, s7;
	[dreg:$0x12] =	wrdreg s26  }
0x16: {  	s4 =	sadd.s32 $0x17400, s0;
	s10 =	sadd.s32 $0x10000, s7;
	[dreg:$0x13] =	wrdreg s8  }
0x17: {  	s5 =	sshrl.u32 s5, $0x3;
	s1 =	smax.u32 s1, $0x1;
	[dreg:$0x15] =	wrdreg s10  }
0x18: {  	s6 =	sshrl.u32 s6, $0x3;
	s8 =	sadd.s32 $0xC000, s7;
	[dreg:$0x1b] =	wrdreg s1  }
0x19: {  	s5 =	sadd.s32 s5, s0;
	s26 =	simm.s32 $0xB00;
	[dreg:$0x14] =	wrdreg s8  }
0x1a: {  	s25 =	simm.s32 $0x480;
	s9 =	sadd.s32 $0xD400, s5;
	[dreg:$0x10] =	wrdreg s26  }
0x1b: {  	s0 =	sadd.s32 s6, s0;
	s5 =	sadd.s32 $0x3400, s5;
	[dreg:$0x3] =	wrdreg s9  }
0x1c: {  	s1 =	simm.s32 $0x600;
	s12 =	sadd.s32 $0x67400, s0;
	[dreg:$0x4] =	wrdreg s5  }
0x1d: {  	s10 =	simm.s32 $0x680;
	s14 =	sadd.s32 $0x67C00, s0;
	[dreg:$0x16] =	wrdreg s12  }
0x1e: {  	s6 =	simm.s32 $0xF80;
	s16 =	sadd.s32 $0x68400, s0;
	[dreg:$0x17] =	wrdreg s14  }
0x1f: {  	s18 =	sadd.s32 $0x68C00, s0;
	s0 =	sadd.s32 $0x69400, s0;
	[dreg:$0x18] =	wrdreg s16  }
0x20: {  	s26 =	simm.s32 $0xC00;
	s8 =	simm.s32 $0x0;
	[dreg:$0x19] =	wrdreg s18  }
0x21: {  	[dreg:$0x1a] =	wrdreg s0;
	s16 =	simm.s32 $0x1000;
	s18 =	simm.s32 $0x800  }
0x22: {  	v0 =	vimm.f32 $0.0e+00;
	s0 =	simm.s32 $0xD80;
	s12 =	simm.s32 $0x700;
	s14 =	simm.s32 $0x780  }
.LBB2_1:
0x23: {  	[dreg:$0x1c] =	wrdreg s8;
	s8 =	simm.s32 $0x0;
	s9 =	simm.s32 $0x200  }
.LBB2_2:
0x24: {  	p0 =	sne.s32 s9, $0xFE00;
	[tilespmem:s8+$0x1070] =	vst v0  }
0x25: {  	[tilespmem:s8+$0x1000] =	vst v0  }
0x26: {  	[tilespmem:s8+$0x1010] =	vst v0  }
.Ltmp0:
0x27: {  	[tilespmem:s8+$0x1020] =	vst v0;
	(pc) =	sbr.rel @p0 .LBB2_2-.Ltmp0, $4  }
0x28: {  	[tilespmem:s8+$0x1030] =	vst v0  }
0x29: {  	[tilespmem:s8+$0x1040] =	vst v0  }
0x2a: {  	[tilespmem:s8+$0x1050] =	vst v0  }
0x2b: {  	[tilespmem:s8+$0x1060] =	vst v0;
	s8 =	sshra.s32 s9, $0x2;
	s9 =	sadd.s32 $0x200, s9  }
0x2c: {  	[tilespmem:s8+$0x1070] =	vst v0  }
0x2d: {  	[tilespmem:s8+$0x1000] =	vst v0  }
0x2e: {  	[tilespmem:s8+$0x1010] =	vst v0  }
0x2f: {  	[tilespmem:s8+$0x1020] =	vst v0  }
0x30: {  	[tilespmem:s8+$0x1030] =	vst v0  }
0x31: {  	[tilespmem:s8+$0x1040] =	vst v0  }
0x32: {  	[tilespmem:s8+$0x1050] =	vst v0  }
0x33: {  	[tilespmem:s8+$0x1060] =	vst v0  }
0x34: {  	[spmem:s7] =	stream.linear.scatter [tilespmem:s16], [sflag:$0x3], $0x4000, $0x38;
	[tilespmem:$0x1D000] =	vst v63  }
0x35: {  	_ =	swait.ge [sflag:s17], $0x4000  }
0x36: {  	[sflag:s17] =	ssyncset.done $0x0  }
0x37: {  	s5 =	rddreg [dreg:$0x12];
	[sflag:s17] =	ssyncadd.s32 $0xFFFFC000  }
0x38: {  	[spmem:s5] =	stream.linear.scatter [tilespmem:s16], [sflag:$0x3], $0x4000, $0x38;
	[tilespmem:$0x1D000] =	vst v63  }
0x39: {  	_ =	swait.ge [sflag:s17], $0x4000  }
0x3a: {  	[sflag:s17] =	ssyncset.done $0x0  }
0x3b: {  	s7 =	rddreg [dreg:$0x13];
	[sflag:s17] =	ssyncadd.s32 $0xFFFFC000  }
0x3c: {  	[spmem:s7] =	stream.linear.scatter [tilespmem:s16], [sflag:$0x3], $0x4000, $0x38;
	[tilespmem:$0x1D000] =	vst v63  }
0x3d: {  	_ =	swait.ge [sflag:s17], $0x4000  }
0x3e: {  	[sflag:s17] =	ssyncset.done $0x0  }
0x3f: {  	s8 =	rddreg [dreg:$0x14];
	[sflag:s17] =	ssyncadd.s32 $0xFFFFC000  }
0x40: {  	[spmem:s8] =	stream.linear.scatter [tilespmem:s16], [sflag:$0x3], $0x4000, $0x38;
	[tilespmem:$0x1D000] =	vst v63  }
0x41: {  	_ =	swait.ge [sflag:s17], $0x4000  }
0x42: {  	[sflag:s17] =	ssyncset.done $0x0  }
0x43: {  	s9 =	rddreg [dreg:$0x15];
	[sflag:s17] =	ssyncadd.s32 $0xFFFFC000  }
0x44: {  	[spmem:s9] =	stream.linear.scatter [tilespmem:s16], [sflag:$0x3], $0x4000, $0x38;
	[tilespmem:$0x1D000] =	vst v63  }
0x45: {  	_ =	swait.ge [sflag:s17], $0x4000  }
0x46: {  	[sflag:s17] =	ssyncset.done $0x0  }
0x47: {  	[sflag:s17] =	ssyncadd.s32 $0xFFFFC000  }
0x48: {  	[bflag:$0x0] =	sbarrier.arrive $0xFFFF  }
0x49: {  	s7 =	rddreg [dreg:$0x4]  }
0x4a: {  	s5 =	sadd.s32 $0x0, s7  }
0x4b: {  	[tilespmem:s3], [sflag:$0x3] =	stream.linear.gather [hbm4b:s5+s3], $0x800, $0x38;
	[tilespmem:$0x1D000] =	vst v63  }
0x4c: {  	_ =	swait.ge [sflag:s17], $0x800  }
0x4d: {  	s8 =	rddreg [dreg:$0x3];
	[sflag:s17] =	ssyncset.done $0x0  }
0x4e: {  	[sflag:s17] =	ssyncadd.s32 $0xFFFFF800;
	s5 =	sadd.s32 $0x0, s8  }
0x4f: {  	[tilespmem:s18], [sflag:$0x3] =	stream.linear.gather [hbm4b:s5+s3], $0x800, $0x38;
	[tilespmem:$0x1D000] =	vst v63  }
0x50: {  	_ =	swait.ge [sflag:s17], $0x800  }
0x51: {  	[sflag:s17] =	ssyncset.done $0x0  }
0x52: {  	[sflag:s17] =	ssyncadd.s32 $0xFFFFF800  }
0x53: {  	[tilespmem:s16], [sflag:$0x1] =	stream.indirect.gather [hbm4b:s4+s19], $0x80, s3, s19, $0xb8;
	[tilespmem:$0x1D000] =	vst v63  }
0x54: {  	_ =	swait.ge [sflag:s20], $0x4000  }
0x55: {  	[sflag:s20] =	ssyncset.done $0x0  }
0x56: {  	[sflag:s20] =	ssyncadd.s32 $0xFFFFC000  }
0x57: {  	[tilespmem:s21], [sflag:$0x2] =	stream.indirect.gather [hbm4b:s4+s19], $0x80, s19, s19, $0xb8;
	[tilespmem:$0x1D000] =	vst v63  }
0x58: {  	_ = 	snop  }
0x59: {  	[spmem:s2] =	stream.indirect.scatter.add.f32 [tilespmem:s16], [sflag:$0x3], $0x80, s18, s19, $0xb8;
	[tilespmem:$0x1D000] =	vst v63  }
0x5a: {  	_ =	swait.ge [sflag:s17], $0x4000  }
0x5b: {  	[sflag:s17] =	ssyncset.done $0x0  }
0x5c: {  	[sflag:s17] =	ssyncadd.s32 $0xFFFFC000  }
0x5d: {  	_ =	swait.ge [sflag:s22], $0x4000  }
0x5e: {  	[sflag:s22] =	ssyncset.done $0x0  }
0x5f: {  	s9 =	rddreg [dreg:$0x5];
	[sflag:s22] =	ssyncadd.s32 $0xFFFFC000  }
0x60: {  	[tilespmem:s16], [sflag:$0x1] =	stream.indirect.gather [hbm4b:s4+s19], $0x80, s9, s19, $0xb8;
	[tilespmem:$0x1D000] =	vst v63  }
0x61: {  	s7 =	rddreg [dreg:$0x6]  }
0x62: {  	[spmem:s2] =	stream.indirect.scatter.add.f32 [tilespmem:s21], [sflag:$0x3], $0x80, s7, s19, $0xb8;
	[tilespmem:$0x1D000] =	vst v63  }
0x63: {  	_ =	swait.ge [sflag:s17], $0x4000  }
0x64: {  	[sflag:s17] =	ssyncset.done $0x0  }
0x65: {  	[sflag:s17] =	ssyncadd.s32 $0xFFFFC000  }
0x66: {  	_ =	swait.ge [sflag:s20], $0x4000  }
0x67: {  	[sflag:s20] =	ssyncset.done $0x0  }
0x68: {  	s9 =	rddreg [dreg:$0x7];
	[sflag:s20] =	ssyncadd.s32 $0xFFFFC000  }
0x69: {  	[tilespmem:s21], [sflag:$0x2] =	stream.indirect.gather [hbm4b:s4+s19], $0x80, s9, s19, $0xb8;
	[tilespmem:$0x1D000] =	vst v63  }
0x6a: {  	s7 =	rddreg [dreg:$0x8]  }
0x6b: {  	[spmem:s2] =	stream.indirect.scatter.add.f32 [tilespmem:s16], [sflag:$0x3], $0x80, s7, s19, $0xb8;
	[tilespmem:$0x1D000] =	vst v63  }
0x6c: {  	_ =	swait.ge [sflag:s17], $0x4000  }
0x6d: {  	[sflag:s17] =	ssyncset.done $0x0  }
0x6e: {  	[sflag:s17] =	ssyncadd.s32 $0xFFFFC000  }
0x6f: {  	_ =	swait.ge [sflag:s22], $0x4000  }
0x70: {  	[sflag:s22] =	ssyncset.done $0x0  }
0x71: {  	s9 =	rddreg [dreg:$0x9];
	[sflag:s22] =	ssyncadd.s32 $0xFFFFC000  }
0x72: {  	[tilespmem:s16], [sflag:$0x1] =	stream.indirect.gather [hbm4b:s4+s19], $0x80, s9, s19, $0xb8;
	[tilespmem:$0x1D000] =	vst v63  }
0x73: {  	s7 =	rddreg [dreg:$0xa]  }
0x74: {  	[spmem:s2] =	stream.indirect.scatter.add.f32 [tilespmem:s21], [sflag:$0x3], $0x80, s7, s19, $0xb8;
	[tilespmem:$0x1D000] =	vst v63  }
0x75: {  	_ =	swait.ge [sflag:s17], $0x4000  }
0x76: {  	[sflag:s17] =	ssyncset.done $0x0  }
0x77: {  	[sflag:s17] =	ssyncadd.s32 $0xFFFFC000  }
0x78: {  	_ =	swait.ge [sflag:s20], $0x4000  }
0x79: {  	[sflag:s20] =	ssyncset.done $0x0  }
0x7a: {  	s9 =	rddreg [dreg:$0xb];
	[sflag:s20] =	ssyncadd.s32 $0xFFFFC000  }
0x7b: {  	[tilespmem:s21], [sflag:$0x2] =	stream.indirect.gather [hbm4b:s4+s19], $0x80, s9, s19, $0xb8;
	[tilespmem:$0x1D000] =	vst v63  }
0x7c: {  	s7 =	rddreg [dreg:$0xc]  }
0x7d: {  	[spmem:s2] =	stream.indirect.scatter.add.f32 [tilespmem:s16], [sflag:$0x3], $0x80, s7, s19, $0xb8;
	[tilespmem:$0x1D000] =	vst v63  }
0x7e: {  	_ =	swait.ge [sflag:s17], $0x4000  }
0x7f: {  	[sflag:s17] =	ssyncset.done $0x0  }
0x80: {  	[sflag:s17] =	ssyncadd.s32 $0xFFFFC000  }
0x81: {  	_ =	swait.ge [sflag:s22], $0x4000  }
0x82: {  	[sflag:s22] =	ssyncset.done $0x0  }
0x83: {  	s9 =	rddreg [dreg:$0xd];
	[sflag:s22] =	ssyncadd.s32 $0xFFFFC000  }
0x84: {  	[tilespmem:s16], [sflag:$0x1] =	stream.indirect.gather [hbm4b:s4+s19], $0x80, s9, s19, $0xb8;
	[tilespmem:$0x1D000] =	vst v63  }
0x85: {  	s7 =	rddreg [dreg:$0xe]  }
0x86: {  	[spmem:s2] =	stream.indirect.scatter.add.f32 [tilespmem:s21], [sflag:$0x3], $0x80, s7, s19, $0xb8;
	[tilespmem:$0x1D000] =	vst v63  }
0x87: {  	_ =	swait.ge [sflag:s17], $0x4000  }
0x88: {  	[sflag:s17] =	ssyncset.done $0x0  }
0x89: {  	[sflag:s17] =	ssyncadd.s32 $0xFFFFC000  }
0x8a: {  	_ =	swait.ge [sflag:s20], $0x4000  }
0x8b: {  	[sflag:s20] =	ssyncset.done $0x0  }
0x8c: {  	s8 =	rddreg [dreg:$0xf];
	[sflag:s20] =	ssyncadd.s32 $0xFFFFC000  }
0x8d: {  	[tilespmem:s21], [sflag:$0x2] =	stream.indirect.gather [hbm4b:s4+s19], $0x80, s8, s19, $0xb8;
	[tilespmem:$0x1D000] =	vst v63  }
0x8e: {  	s9 =	rddreg [dreg:$0x10]  }
0x8f: {  	[spmem:s2] =	stream.indirect.scatter.add.f32 [tilespmem:s16], [sflag:$0x3], $0x80, s9, s19, $0xb8;
	[tilespmem:$0x1D000] =	vst v63  }
0x90: {  	_ =	swait.ge [sflag:s17], $0x4000  }
0x91: {  	[sflag:s17] =	ssyncset.done $0x0  }
0x92: {  	[sflag:s17] =	ssyncadd.s32 $0xFFFFC000  }
0x93: {  	_ =	swait.ge [sflag:s22], $0x4000  }
0x94: {  	[sflag:s22] =	ssyncset.done $0x0  }
0x95: {  	[sflag:s22] =	ssyncadd.s32 $0xFFFFC000  }
0x96: {  	[tilespmem:s16], [sflag:$0x1] =	stream.indirect.gather [hbm4b:s4+s19], $0x80, s23, s19, $0xb8;
	[tilespmem:$0x1D000] =	vst v63  }
0x97: {  	_ = 	snop  }
0x98: {  	[spmem:s2] =	stream.indirect.scatter.add.f32 [tilespmem:s21], [sflag:$0x3], $0x80, s24, s19, $0xb8;
	[tilespmem:$0x1D000] =	vst v63  }
0x99: {  	_ =	swait.ge [sflag:s17], $0x4000  }
0x9a: {  	[sflag:s17] =	ssyncset.done $0x0  }
0x9b: {  	[sflag:s17] =	ssyncadd.s32 $0xFFFFC000  }
0x9c: {  	_ =	swait.ge [sflag:s20], $0x4000  }
0x9d: {  	[sflag:s20] =	ssyncset.done $0x0  }
0x9e: {  	[sflag:s20] =	ssyncadd.s32 $0xFFFFC000  }
0x9f: {  	[tilespmem:s21], [sflag:$0x2] =	stream.indirect.gather [hbm4b:s4+s19], $0x80, s25, s19, $0xb8;
	[tilespmem:$0x1D000] =	vst v63  }
0xa0: {  	_ = 	snop  }
0xa1: {  	[spmem:s2] =	stream.indirect.scatter.add.f32 [tilespmem:s16], [sflag:$0x3], $0x80, s26, s19, $0xb8;
	[tilespmem:$0x1D000] =	vst v63  }
0xa2: {  	_ =	swait.ge [sflag:s17], $0x4000  }
0xa3: {  	[sflag:s17] =	ssyncset.done $0x0  }
0xa4: {  	[sflag:s17] =	ssyncadd.s32 $0xFFFFC000  }
0xa5: {  	_ =	swait.ge [sflag:s22], $0x4000  }
0xa6: {  	[sflag:s22] =	ssyncset.done $0x0  }
0xa7: {  	[sflag:s22] =	ssyncadd.s32 $0xFFFFC000  }
0xa8: {  	[tilespmem:s16], [sflag:$0x1] =	stream.indirect.gather [hbm4b:s4+s19], $0x80, s28, s19, $0xb8;
	[tilespmem:$0x1D000] =	vst v63  }
0xa9: {  	_ = 	snop  }
0xaa: {  	[spmem:s2] =	stream.indirect.scatter.add.f32 [tilespmem:s21], [sflag:$0x3], $0x80, s29, s19, $0xb8;
	[tilespmem:$0x1D000] =	vst v63  }
0xab: {  	_ =	swait.ge [sflag:s17], $0x4000  }
0xac: {  	[sflag:s17] =	ssyncset.done $0x0  }
0xad: {  	[sflag:s17] =	ssyncadd.s32 $0xFFFFC000  }
0xae: {  	_ =	swait.ge [sflag:s20], $0x4000  }
0xaf: {  	[sflag:s20] =	ssyncset.done $0x0  }
0xb0: {  	[sflag:s20] =	ssyncadd.s32 $0xFFFFC000  }
0xb1: {  	[tilespmem:s21], [sflag:$0x2] =	stream.indirect.gather [hbm4b:s4+s19], $0x80, s30, s19, $0xb8;
	[tilespmem:$0x1D000] =	vst v63  }
0xb2: {  	_ = 	snop  }
0xb3: {  	[spmem:s2] =	stream.indirect.scatter.add.f32 [tilespmem:s16], [sflag:$0x3], $0x80, s31, s19, $0xb8;
	[tilespmem:$0x1D000] =	vst v63  }
0xb4: {  	_ =	swait.ge [sflag:s17], $0x4000  }
0xb5: {  	[sflag:s17] =	ssyncset.done $0x0  }
0xb6: {  	[sflag:s17] =	ssyncadd.s32 $0xFFFFC000  }
0xb7: {  	_ =	swait.ge [sflag:s22], $0x4000  }
0xb8: {  	[sflag:s22] =	ssyncset.done $0x0  }
0xb9: {  	[sflag:s22] =	ssyncadd.s32 $0xFFFFC000  }
0xba: {  	[tilespmem:s16], [sflag:$0x1] =	stream.indirect.gather [hbm4b:s4+s19], $0x80, s1, s19, $0xb8;
	[tilespmem:$0x1D000] =	vst v63  }
0xbb: {  	_ = 	snop  }
0xbc: {  	[spmem:s2] =	stream.indirect.scatter.add.f32 [tilespmem:s21], [sflag:$0x3], $0x80, s0, s19, $0xb8;
	[tilespmem:$0x1D000] =	vst v63  }
0xbd: {  	_ =	swait.ge [sflag:s17], $0x4000  }
0xbe: {  	[sflag:s17] =	ssyncset.done $0x0  }
0xbf: {  	[sflag:s17] =	ssyncadd.s32 $0xFFFFC000  }
0xc0: {  	_ =	swait.ge [sflag:s20], $0x4000  }
0xc1: {  	[sflag:s20] =	ssyncset.done $0x0  }
0xc2: {  	[sflag:s20] =	ssyncadd.s32 $0xFFFFC000  }
0xc3: {  	[tilespmem:s21], [sflag:$0x2] =	stream.indirect.gather [hbm4b:s4+s19], $0x80, s10, s19, $0xb8;
	[tilespmem:$0x1D000] =	vst v63  }
0xc4: {  	_ = 	snop  }
0xc5: {  	[spmem:s2] =	stream.indirect.scatter.add.f32 [tilespmem:s16], [sflag:$0x3], $0x80, s11, s19, $0xb8;
	[tilespmem:$0x1D000] =	vst v63  }
0xc6: {  	_ =	swait.ge [sflag:s17], $0x4000  }
0xc7: {  	[sflag:s17] =	ssyncset.done $0x0  }
0xc8: {  	[sflag:s17] =	ssyncadd.s32 $0xFFFFC000  }
0xc9: {  	_ =	swait.ge [sflag:s22], $0x4000  }
0xca: {  	[sflag:s22] =	ssyncset.done $0x0  }
0xcb: {  	[sflag:s22] =	ssyncadd.s32 $0xFFFFC000  }
0xcc: {  	[tilespmem:s16], [sflag:$0x1] =	stream.indirect.gather [hbm4b:s4+s19], $0x80, s12, s19, $0xb8;
	[tilespmem:$0x1D000] =	vst v63  }
0xcd: {  	_ = 	snop  }
0xce: {  	[spmem:s2] =	stream.indirect.scatter.add.f32 [tilespmem:s21], [sflag:$0x3], $0x80, s13, s19, $0xb8;
	[tilespmem:$0x1D000] =	vst v63  }
0xcf: {  	_ =	swait.ge [sflag:s17], $0x4000  }
0xd0: {  	[sflag:s17] =	ssyncset.done $0x0  }
0xd1: {  	[sflag:s17] =	ssyncadd.s32 $0xFFFFC000  }
0xd2: {  	_ =	swait.ge [sflag:s20], $0x4000  }
0xd3: {  	[sflag:s20] =	ssyncset.done $0x0  }
0xd4: {  	[sflag:s20] =	ssyncadd.s32 $0xFFFFC000  }
0xd5: {  	[tilespmem:s21], [sflag:$0x2] =	stream.indirect.gather [hbm4b:s4+s19], $0x80, s14, s19, $0xb8;
	[tilespmem:$0x1D000] =	vst v63  }
0xd6: {  	_ = 	snop  }
0xd7: {  	[spmem:s2] =	stream.indirect.scatter.add.f32 [tilespmem:s16], [sflag:$0x3], $0x80, s15, s19, $0xb8;
	[tilespmem:$0x1D000] =	vst v63  }
0xd8: {  	_ =	swait.ge [sflag:s17], $0x4000  }
0xd9: {  	[sflag:s17] =	ssyncset.done $0x0  }
0xda: {  	[sflag:s17] =	ssyncadd.s32 $0xFFFFC000  }
0xdb: {  	_ =	swait.ge [sflag:s22], $0x4000  }
0xdc: {  	[sflag:s22] =	ssyncset.done $0x0  }
0xdd: {  	[sflag:s22] =	ssyncadd.s32 $0xFFFFC000  }
0xde: {  	[tilespmem:s16], [sflag:$0x1] =	stream.indirect.gather [hbm4b:s4+s19], $0x80, s14, s19, $0xb8;
	[tilespmem:$0x1D000] =	vst v63  }
0xdf: {  	_ = 	snop  }
0xe0: {  	[spmem:s2] =	stream.indirect.scatter.add.f32 [tilespmem:s21], [sflag:$0x3], $0x80, s6, s19, $0xb8;
	[tilespmem:$0x1D000] =	vst v63  }
0xe1: {  	_ =	swait.ge [sflag:s17], $0x4000  }
0xe2: {  	[sflag:s17] =	ssyncset.done $0x0  }
0xe3: {  	[sflag:s17] =	ssyncadd.s32 $0xFFFFC000  }
0xe4: {  	s8 =	simm.s32 $0x100;
	_ =	swait.ge [sflag:s20], $0x4000  }
0xe5: {  	s9 =	simm.s32 $0x200;
	s5 =	rddreg [dreg:$0x4];
	[sflag:s20] =	ssyncset.done $0x0  }
.LBB2_4:
0xe6: {  	[sflag:s20] =	ssyncadd.s32 $0xFFFFC000;
	s5 =	sadd.s32 s8, s5  }
0xe7: {  	[tilespmem:s3], [sflag:$0x3] =	stream.linear.gather [hbm4b:s5+s3], $0x800, $0x38;
	[tilespmem:$0x1D000] =	vst v63  }
0xe8: {  	_ =	swait.ge [sflag:s17], $0x800  }
0xe9: {  	s5 =	rddreg [dreg:$0x3];
	[sflag:s17] =	ssyncset.done $0x0  }
0xea: {  	[sflag:s17] =	ssyncadd.s32 $0xFFFFF800;
	s5 =	sadd.s32 s8, s5  }
0xeb: {  	[tilespmem:s18], [sflag:$0x3] =	stream.linear.gather [hbm4b:s5+s3], $0x800, $0x38;
	[tilespmem:$0x1D000] =	vst v63  }
0xec: {  	_ =	swait.ge [sflag:s17], $0x800  }
0xed: {  	[sflag:s17] =	ssyncset.done $0x0  }
0xee: {  	[sflag:s17] =	ssyncadd.s32 $0xFFFFF800  }
0xef: {  	[tilespmem:s16], [sflag:$0x1] =	stream.indirect.gather [hbm4b:s4+s19], $0x80, s3, s19, $0xb8;
	[tilespmem:$0x1D000] =	vst v63  }
0xf0: {  	_ =	swait.ge [sflag:s20], $0x4000  }
0xf1: {  	[sflag:s20] =	ssyncset.done $0x0  }
0xf2: {  	[sflag:s20] =	ssyncadd.s32 $0xFFFFC000  }
0xf3: {  	[tilespmem:s21], [sflag:$0x2] =	stream.indirect.gather [hbm4b:s4+s19], $0x80, s19, s19, $0xb8;
	[tilespmem:$0x1D000] =	vst v63  }
0xf4: {  	_ = 	snop  }
0xf5: {  	[spmem:s2] =	stream.indirect.scatter.add.f32 [tilespmem:s16], [sflag:$0x3], $0x80, s18, s19, $0xb8;
	[tilespmem:$0x1D000] =	vst v63  }
0xf6: {  	_ =	swait.ge [sflag:s17], $0x4000  }
0xf7: {  	[sflag:s17] =	ssyncset.done $0x0  }
0xf8: {  	[sflag:s17] =	ssyncadd.s32 $0xFFFFC000  }
0xf9: {  	_ =	swait.ge [sflag:s22], $0x4000  }
0xfa: {  	[sflag:s22] =	ssyncset.done $0x0  }
0xfb: {  	s7 =	smov.u32 s9;
	s5 =	rddreg [dreg:$0x5];
	[sflag:s22] =	ssyncadd.s32 $0xFFFFC000  }
0xfc: {  	[tilespmem:s16], [sflag:$0x1] =	stream.indirect.gather [hbm4b:s4+s19], $0x80, s5, s19, $0xb8;
	[tilespmem:$0x1D000] =	vst v63  }
0xfd: {  	s8 =	smov.u32 s7;
	s7 =	rddreg [dreg:$0x6]  }
0xfe: {  	[spmem:s2] =	stream.indirect.scatter.add.f32 [tilespmem:s21], [sflag:$0x3], $0x80, s7, s19, $0xb8;
	[tilespmem:$0x1D000] =	vst v63  }
0xff: {  	_ =	swait.ge [sflag:s17], $0x4000  }
0x100: {  	[sflag:s17] =	ssyncset.done $0x0  }
0x101: {  	[sflag:s17] =	ssyncadd.s32 $0xFFFFC000  }
0x102: {  	_ =	swait.ge [sflag:s20], $0x4000  }
0x103: {  	[sflag:s20] =	ssyncset.done $0x0  }
0x104: {  	s5 =	rddreg [dreg:$0x7];
	[sflag:s20] =	ssyncadd.s32 $0xFFFFC000  }
0x105: {  	[tilespmem:s21], [sflag:$0x2] =	stream.indirect.gather [hbm4b:s4+s19], $0x80, s5, s19, $0xb8;
	[tilespmem:$0x1D000] =	vst v63  }
0x106: {  	s7 =	rddreg [dreg:$0x8]  }
0x107: {  	[spmem:s2] =	stream.indirect.scatter.add.f32 [tilespmem:s16], [sflag:$0x3], $0x80, s7, s19, $0xb8;
	[tilespmem:$0x1D000] =	vst v63  }
0x108: {  	_ =	swait.ge [sflag:s17], $0x4000  }
0x109: {  	[sflag:s17] =	ssyncset.done $0x0  }
0x10a: {  	[sflag:s17] =	ssyncadd.s32 $0xFFFFC000  }
0x10b: {  	_ =	swait.ge [sflag:s22], $0x4000  }
0x10c: {  	[sflag:s22] =	ssyncset.done $0x0  }
0x10d: {  	s5 =	rddreg [dreg:$0x9];
	[sflag:s22] =	ssyncadd.s32 $0xFFFFC000  }
0x10e: {  	[tilespmem:s16], [sflag:$0x1] =	stream.indirect.gather [hbm4b:s4+s19], $0x80, s5, s19, $0xb8;
	[tilespmem:$0x1D000] =	vst v63  }
0x10f: {  	s7 =	rddreg [dreg:$0xa]  }
0x110: {  	[spmem:s2] =	stream.indirect.scatter.add.f32 [tilespmem:s21], [sflag:$0x3], $0x80, s7, s19, $0xb8;
	[tilespmem:$0x1D000] =	vst v63  }
0x111: {  	_ =	swait.ge [sflag:s17], $0x4000  }
0x112: {  	[sflag:s17] =	ssyncset.done $0x0  }
0x113: {  	[sflag:s17] =	ssyncadd.s32 $0xFFFFC000  }
0x114: {  	_ =	swait.ge [sflag:s20], $0x4000  }
0x115: {  	[sflag:s20] =	ssyncset.done $0x0  }
0x116: {  	s5 =	rddreg [dreg:$0xb];
	[sflag:s20] =	ssyncadd.s32 $0xFFFFC000  }
0x117: {  	[tilespmem:s21], [sflag:$0x2] =	stream.indirect.gather [hbm4b:s4+s19], $0x80, s5, s19, $0xb8;
	[tilespmem:$0x1D000] =	vst v63  }
0x118: {  	s7 =	rddreg [dreg:$0xc]  }
0x119: {  	[spmem:s2] =	stream.indirect.scatter.add.f32 [tilespmem:s16], [sflag:$0x3], $0x80, s7, s19, $0xb8;
	[tilespmem:$0x1D000] =	vst v63  }
0x11a: {  	_ =	swait.ge [sflag:s17], $0x4000  }
0x11b: {  	[sflag:s17] =	ssyncset.done $0x0  }
0x11c: {  	[sflag:s17] =	ssyncadd.s32 $0xFFFFC000  }
0x11d: {  	_ =	swait.ge [sflag:s22], $0x4000  }
0x11e: {  	[sflag:s22] =	ssyncset.done $0x0  }
0x11f: {  	s5 =	rddreg [dreg:$0xd];
	[sflag:s22] =	ssyncadd.s32 $0xFFFFC000  }
0x120: {  	[tilespmem:s16], [sflag:$0x1] =	stream.indirect.gather [hbm4b:s4+s19], $0x80, s5, s19, $0xb8;
	[tilespmem:$0x1D000] =	vst v63  }
0x121: {  	s7 =	rddreg [dreg:$0xe]  }
0x122: {  	[spmem:s2] =	stream.indirect.scatter.add.f32 [tilespmem:s21], [sflag:$0x3], $0x80, s7, s19, $0xb8;
	[tilespmem:$0x1D000] =	vst v63  }
0x123: {  	_ =	swait.ge [sflag:s17], $0x4000  }
0x124: {  	[sflag:s17] =	ssyncset.done $0x0  }
0x125: {  	[sflag:s17] =	ssyncadd.s32 $0xFFFFC000  }
0x126: {  	_ =	swait.ge [sflag:s20], $0x4000  }
0x127: {  	[sflag:s20] =	ssyncset.done $0x0  }
0x128: {  	s5 =	rddreg [dreg:$0xf];
	[sflag:s20] =	ssyncadd.s32 $0xFFFFC000  }
0x129: {  	[tilespmem:s21], [sflag:$0x2] =	stream.indirect.gather [hbm4b:s4+s19], $0x80, s5, s19, $0xb8;
	[tilespmem:$0x1D000] =	vst v63  }
0x12a: {  	s7 =	rddreg [dreg:$0x10]  }
0x12b: {  	[spmem:s2] =	stream.indirect.scatter.add.f32 [tilespmem:s16], [sflag:$0x3], $0x80, s7, s19, $0xb8;
	[tilespmem:$0x1D000] =	vst v63  }
0x12c: {  	_ =	swait.ge [sflag:s17], $0x4000  }
0x12d: {  	[sflag:s17] =	ssyncset.done $0x0  }
0x12e: {  	[sflag:s17] =	ssyncadd.s32 $0xFFFFC000  }
0x12f: {  	_ =	swait.ge [sflag:s22], $0x4000  }
0x130: {  	[sflag:s22] =	ssyncset.done $0x0  }
0x131: {  	[sflag:s22] =	ssyncadd.s32 $0xFFFFC000  }
0x132: {  	[tilespmem:s16], [sflag:$0x1] =	stream.indirect.gather [hbm4b:s4+s19], $0x80, s23, s19, $0xb8;
	[tilespmem:$0x1D000] =	vst v63  }
0x133: {  	_ = 	snop  }
0x134: {  	[spmem:s2] =	stream.indirect.scatter.add.f32 [tilespmem:s21], [sflag:$0x3], $0x80, s24, s19, $0xb8;
	[tilespmem:$0x1D000] =	vst v63  }
0x135: {  	_ =	swait.ge [sflag:s17], $0x4000  }
0x136: {  	[sflag:s17] =	ssyncset.done $0x0  }
0x137: {  	[sflag:s17] =	ssyncadd.s32 $0xFFFFC000  }
0x138: {  	_ =	swait.ge [sflag:s20], $0x4000  }
0x139: {  	[sflag:s20] =	ssyncset.done $0x0  }
0x13a: {  	[sflag:s20] =	ssyncadd.s32 $0xFFFFC000  }
0x13b: {  	[tilespmem:s21], [sflag:$0x2] =	stream.indirect.gather [hbm4b:s4+s19], $0x80, s25, s19, $0xb8;
	[tilespmem:$0x1D000] =	vst v63  }
0x13c: {  	_ = 	snop  }
0x13d: {  	[spmem:s2] =	stream.indirect.scatter.add.f32 [tilespmem:s16], [sflag:$0x3], $0x80, s26, s19, $0xb8;
	[tilespmem:$0x1D000] =	vst v63  }
0x13e: {  	_ =	swait.ge [sflag:s17], $0x4000  }
0x13f: {  	[sflag:s17] =	ssyncset.done $0x0  }
0x140: {  	[sflag:s17] =	ssyncadd.s32 $0xFFFFC000  }
0x141: {  	_ =	swait.ge [sflag:s22], $0x4000  }
0x142: {  	[sflag:s22] =	ssyncset.done $0x0  }
0x143: {  	[sflag:s22] =	ssyncadd.s32 $0xFFFFC000  }
0x144: {  	[tilespmem:s16], [sflag:$0x1] =	stream.indirect.gather [hbm4b:s4+s19], $0x80, s28, s19, $0xb8;
	[tilespmem:$0x1D000] =	vst v63  }
0x145: {  	_ = 	snop  }
0x146: {  	[spmem:s2] =	stream.indirect.scatter.add.f32 [tilespmem:s21], [sflag:$0x3], $0x80, s29, s19, $0xb8;
	[tilespmem:$0x1D000] =	vst v63  }
0x147: {  	_ =	swait.ge [sflag:s17], $0x4000  }
0x148: {  	[sflag:s17] =	ssyncset.done $0x0  }
0x149: {  	[sflag:s17] =	ssyncadd.s32 $0xFFFFC000  }
0x14a: {  	_ =	swait.ge [sflag:s20], $0x4000  }
0x14b: {  	[sflag:s20] =	ssyncset.done $0x0  }
0x14c: {  	[sflag:s20] =	ssyncadd.s32 $0xFFFFC000  }
0x14d: {  	[tilespmem:s21], [sflag:$0x2] =	stream.indirect.gather [hbm4b:s4+s19], $0x80, s30, s19, $0xb8;
	[tilespmem:$0x1D000] =	vst v63  }
0x14e: {  	_ = 	snop  }
0x14f: {  	[spmem:s2] =	stream.indirect.scatter.add.f32 [tilespmem:s16], [sflag:$0x3], $0x80, s31, s19, $0xb8;
	[tilespmem:$0x1D000] =	vst v63  }
0x150: {  	_ =	swait.ge [sflag:s17], $0x4000  }
0x151: {  	[sflag:s17] =	ssyncset.done $0x0  }
0x152: {  	[sflag:s17] =	ssyncadd.s32 $0xFFFFC000  }
0x153: {  	_ =	swait.ge [sflag:s22], $0x4000  }
0x154: {  	[sflag:s22] =	ssyncset.done $0x0  }
0x155: {  	[sflag:s22] =	ssyncadd.s32 $0xFFFFC000  }
0x156: {  	[tilespmem:s16], [sflag:$0x1] =	stream.indirect.gather [hbm4b:s4+s19], $0x80, s1, s19, $0xb8;
	[tilespmem:$0x1D000] =	vst v63  }
0x157: {  	_ = 	snop  }
0x158: {  	[spmem:s2] =	stream.indirect.scatter.add.f32 [tilespmem:s21], [sflag:$0x3], $0x80, s0, s19, $0xb8;
	[tilespmem:$0x1D000] =	vst v63  }
0x159: {  	_ =	swait.ge [sflag:s17], $0x4000  }
0x15a: {  	[sflag:s17] =	ssyncset.done $0x0  }
0x15b: {  	[sflag:s17] =	ssyncadd.s32 $0xFFFFC000  }
0x15c: {  	_ =	swait.ge [sflag:s20], $0x4000  }
0x15d: {  	[sflag:s20] =	ssyncset.done $0x0  }
0x15e: {  	[sflag:s20] =	ssyncadd.s32 $0xFFFFC000  }
0x15f: {  	[tilespmem:s21], [sflag:$0x2] =	stream.indirect.gather [hbm4b:s4+s19], $0x80, s10, s19, $0xb8;
	[tilespmem:$0x1D000] =	vst v63  }
0x160: {  	_ = 	snop  }
0x161: {  	[spmem:s2] =	stream.indirect.scatter.add.f32 [tilespmem:s16], [sflag:$0x3], $0x80, s11, s19, $0xb8;
	[tilespmem:$0x1D000] =	vst v63  }
0x162: {  	_ =	swait.ge [sflag:s17], $0x4000  }
0x163: {  	[sflag:s17] =	ssyncset.done $0x0  }
0x164: {  	[sflag:s17] =	ssyncadd.s32 $0xFFFFC000  }
0x165: {  	_ =	swait.ge [sflag:s22], $0x4000  }
0x166: {  	[sflag:s22] =	ssyncset.done $0x0  }
0x167: {  	[sflag:s22] =	ssyncadd.s32 $0xFFFFC000  }
0x168: {  	[tilespmem:s16], [sflag:$0x1] =	stream.indirect.gather [hbm4b:s4+s19], $0x80, s12, s19, $0xb8;
	[tilespmem:$0x1D000] =	vst v63  }
0x169: {  	_ = 	snop  }
0x16a: {  	[spmem:s2] =	stream.indirect.scatter.add.f32 [tilespmem:s21], [sflag:$0x3], $0x80, s13, s19, $0xb8;
	[tilespmem:$0x1D000] =	vst v63  }
0x16b: {  	_ =	swait.ge [sflag:s17], $0x4000  }
0x16c: {  	[sflag:s17] =	ssyncset.done $0x0  }
0x16d: {  	[sflag:s17] =	ssyncadd.s32 $0xFFFFC000  }
0x16e: {  	_ =	swait.ge [sflag:s20], $0x4000  }
0x16f: {  	[sflag:s20] =	ssyncset.done $0x0  }
0x170: {  	[sflag:s20] =	ssyncadd.s32 $0xFFFFC000  }
0x171: {  	[tilespmem:s21], [sflag:$0x2] =	stream.indirect.gather [hbm4b:s4+s19], $0x80, s14, s19, $0xb8;
	[tilespmem:$0x1D000] =	vst v63  }
0x172: {  	_ = 	snop  }
0x173: {  	[spmem:s2] =	stream.indirect.scatter.add.f32 [tilespmem:s16], [sflag:$0x3], $0x80, s15, s19, $0xb8;
	[tilespmem:$0x1D000] =	vst v63  }
0x174: {  	_ =	swait.ge [sflag:s17], $0x4000  }
0x175: {  	[sflag:s17] =	ssyncset.done $0x0  }
0x176: {  	[sflag:s17] =	ssyncadd.s32 $0xFFFFC000  }
0x177: {  	_ =	swait.ge [sflag:s22], $0x4000  }
0x178: {  	[sflag:s22] =	ssyncset.done $0x0  }
0x179: {  	[sflag:s22] =	ssyncadd.s32 $0xFFFFC000  }
0x17a: {  	[tilespmem:s16], [sflag:$0x1] =	stream.indirect.gather [hbm4b:s4+s19], $0x80, s14, s19, $0xb8;
	[tilespmem:$0x1D000] =	vst v63  }
0x17b: {  	p0 =	sne.s32 s9, $0x400  }
0x17c: {  	[spmem:s2] =	stream.indirect.scatter.add.f32 [tilespmem:s21], [sflag:$0x3], $0x80, s6, s19, $0xb8;
	[tilespmem:$0x1D000] =	vst v63  }
.Ltmp1:
0x17d: {  	_ =	swait.ge [sflag:s17], $0x4000;
	(pc) =	sbr.rel @p0 .LBB2_4-.Ltmp1, $4  }
0x17e: {  	[sflag:s17] =	ssyncset.done $0x0  }
0x17f: {  	[sflag:s17] =	ssyncadd.s32 $0xFFFFC000  }
0x180: {  	_ =	swait.ge [sflag:s20], $0x4000  }
0x181: {  	s9 =	sadd.s32 $0x100, s9;
	s5 =	rddreg [dreg:$0x4];
	[sflag:s20] =	ssyncset.done $0x0  }
0x182: {  	[sflag:s20] =	ssyncadd.s32 $0xFFFFC000;
	s5 =	sadd.s32 s8, s5  }
0x183: {  	[tilespmem:s3], [sflag:$0x3] =	stream.linear.gather [hbm4b:s5+s3], $0x800, $0x38;
	[tilespmem:$0x1D000] =	vst v63  }
0x184: {  	_ =	swait.ge [sflag:s17], $0x800  }
0x185: {  	s7 =	rddreg [dreg:$0x3];
	[sflag:s17] =	ssyncset.done $0x0  }
0x186: {  	[sflag:s17] =	ssyncadd.s32 $0xFFFFF800;
	s5 =	sadd.s32 s8, s7  }
0x187: {  	[tilespmem:s18], [sflag:$0x3] =	stream.linear.gather [hbm4b:s5+s3], $0x800, $0x38;
	[tilespmem:$0x1D000] =	vst v63  }
0x188: {  	_ =	swait.ge [sflag:s17], $0x800  }
0x189: {  	[sflag:s17] =	ssyncset.done $0x0  }
0x18a: {  	[sflag:s17] =	ssyncadd.s32 $0xFFFFF800  }
0x18b: {  	[tilespmem:s16], [sflag:$0x1] =	stream.indirect.gather [hbm4b:s4+s19], $0x80, s3, s19, $0xb8;
	[tilespmem:$0x1D000] =	vst v63  }
0x18c: {  	_ =	swait.ge [sflag:s20], $0x4000  }
0x18d: {  	[sflag:s20] =	ssyncset.done $0x0  }
0x18e: {  	[sflag:s20] =	ssyncadd.s32 $0xFFFFC000  }
0x18f: {  	[tilespmem:s21], [sflag:$0x2] =	stream.indirect.gather [hbm4b:s4+s19], $0x80, s19, s19, $0xb8;
	[tilespmem:$0x1D000] =	vst v63  }
0x190: {  	_ = 	snop  }
0x191: {  	[spmem:s2] =	stream.indirect.scatter.add.f32 [tilespmem:s16], [sflag:$0x3], $0x80, s18, s19, $0xb8;
	[tilespmem:$0x1D000] =	vst v63  }
0x192: {  	_ =	swait.ge [sflag:s17], $0x4000  }
0x193: {  	[sflag:s17] =	ssyncset.done $0x0  }
0x194: {  	[sflag:s17] =	ssyncadd.s32 $0xFFFFC000  }
0x195: {  	_ =	swait.ge [sflag:s22], $0x4000  }
0x196: {  	[sflag:s22] =	ssyncset.done $0x0  }
0x197: {  	s9 =	rddreg [dreg:$0x5];
	[sflag:s22] =	ssyncadd.s32 $0xFFFFC000  }
0x198: {  	[tilespmem:s16], [sflag:$0x1] =	stream.indirect.gather [hbm4b:s4+s19], $0x80, s9, s19, $0xb8;
	[tilespmem:$0x1D000] =	vst v63  }
0x199: {  	s7 =	rddreg [dreg:$0x6]  }
0x19a: {  	[spmem:s2] =	stream.indirect.scatter.add.f32 [tilespmem:s21], [sflag:$0x3], $0x80, s7, s19, $0xb8;
	[tilespmem:$0x1D000] =	vst v63  }
0x19b: {  	_ =	swait.ge [sflag:s17], $0x4000  }
0x19c: {  	[sflag:s17] =	ssyncset.done $0x0  }
0x19d: {  	[sflag:s17] =	ssyncadd.s32 $0xFFFFC000  }
0x19e: {  	_ =	swait.ge [sflag:s20], $0x4000  }
0x19f: {  	[sflag:s20] =	ssyncset.done $0x0  }
0x1a0: {  	s8 =	rddreg [dreg:$0x7];
	[sflag:s20] =	ssyncadd.s32 $0xFFFFC000  }
0x1a1: {  	[tilespmem:s21], [sflag:$0x2] =	stream.indirect.gather [hbm4b:s4+s19], $0x80, s8, s19, $0xb8;
	[tilespmem:$0x1D000] =	vst v63  }
0x1a2: {  	s9 =	rddreg [dreg:$0x8]  }
0x1a3: {  	[spmem:s2] =	stream.indirect.scatter.add.f32 [tilespmem:s16], [sflag:$0x3], $0x80, s9, s19, $0xb8;
	[tilespmem:$0x1D000] =	vst v63  }
0x1a4: {  	_ =	swait.ge [sflag:s17], $0x4000  }
0x1a5: {  	[sflag:s17] =	ssyncset.done $0x0  }
0x1a6: {  	[sflag:s17] =	ssyncadd.s32 $0xFFFFC000  }
0x1a7: {  	_ =	swait.ge [sflag:s22], $0x4000  }
0x1a8: {  	[sflag:s22] =	ssyncset.done $0x0  }
0x1a9: {  	s8 =	rddreg [dreg:$0x9];
	[sflag:s22] =	ssyncadd.s32 $0xFFFFC000  }
0x1aa: {  	[tilespmem:s16], [sflag:$0x1] =	stream.indirect.gather [hbm4b:s4+s19], $0x80, s8, s19, $0xb8;
	[tilespmem:$0x1D000] =	vst v63  }
0x1ab: {  	s9 =	rddreg [dreg:$0xa]  }
0x1ac: {  	[spmem:s2] =	stream.indirect.scatter.add.f32 [tilespmem:s21], [sflag:$0x3], $0x80, s9, s19, $0xb8;
	[tilespmem:$0x1D000] =	vst v63  }
0x1ad: {  	_ =	swait.ge [sflag:s17], $0x4000  }
0x1ae: {  	[sflag:s17] =	ssyncset.done $0x0  }
0x1af: {  	[sflag:s17] =	ssyncadd.s32 $0xFFFFC000  }
0x1b0: {  	_ =	swait.ge [sflag:s20], $0x4000  }
0x1b1: {  	[sflag:s20] =	ssyncset.done $0x0  }
0x1b2: {  	s8 =	rddreg [dreg:$0xb];
	[sflag:s20] =	ssyncadd.s32 $0xFFFFC000  }
0x1b3: {  	[tilespmem:s21], [sflag:$0x2] =	stream.indirect.gather [hbm4b:s4+s19], $0x80, s8, s19, $0xb8;
	[tilespmem:$0x1D000] =	vst v63  }
0x1b4: {  	s9 =	rddreg [dreg:$0xc]  }
0x1b5: {  	[spmem:s2] =	stream.indirect.scatter.add.f32 [tilespmem:s16], [sflag:$0x3], $0x80, s9, s19, $0xb8;
	[tilespmem:$0x1D000] =	vst v63  }
0x1b6: {  	_ =	swait.ge [sflag:s17], $0x4000  }
0x1b7: {  	[sflag:s17] =	ssyncset.done $0x0  }
0x1b8: {  	[sflag:s17] =	ssyncadd.s32 $0xFFFFC000  }
0x1b9: {  	_ =	swait.ge [sflag:s22], $0x4000  }
0x1ba: {  	[sflag:s22] =	ssyncset.done $0x0  }
0x1bb: {  	s8 =	rddreg [dreg:$0xd];
	[sflag:s22] =	ssyncadd.s32 $0xFFFFC000  }
0x1bc: {  	[tilespmem:s16], [sflag:$0x1] =	stream.indirect.gather [hbm4b:s4+s19], $0x80, s8, s19, $0xb8;
	[tilespmem:$0x1D000] =	vst v63  }
0x1bd: {  	s9 =	rddreg [dreg:$0xe]  }
0x1be: {  	[spmem:s2] =	stream.indirect.scatter.add.f32 [tilespmem:s21], [sflag:$0x3], $0x80, s9, s19, $0xb8;
	[tilespmem:$0x1D000] =	vst v63  }
0x1bf: {  	_ =	swait.ge [sflag:s17], $0x4000  }
0x1c0: {  	[sflag:s17] =	ssyncset.done $0x0  }
0x1c1: {  	[sflag:s17] =	ssyncadd.s32 $0xFFFFC000  }
0x1c2: {  	_ =	swait.ge [sflag:s20], $0x4000  }
0x1c3: {  	[sflag:s20] =	ssyncset.done $0x0  }
0x1c4: {  	s7 =	rddreg [dreg:$0xf];
	[sflag:s20] =	ssyncadd.s32 $0xFFFFC000  }
0x1c5: {  	[tilespmem:s21], [sflag:$0x2] =	stream.indirect.gather [hbm4b:s4+s19], $0x80, s7, s19, $0xb8;
	[tilespmem:$0x1D000] =	vst v63  }
0x1c6: {  	s8 =	rddreg [dreg:$0x10]  }
0x1c7: {  	[spmem:s2] =	stream.indirect.scatter.add.f32 [tilespmem:s16], [sflag:$0x3], $0x80, s8, s19, $0xb8;
	[tilespmem:$0x1D000] =	vst v63  }
0x1c8: {  	_ =	swait.ge [sflag:s17], $0x4000  }
0x1c9: {  	[sflag:s17] =	ssyncset.done $0x0  }
0x1ca: {  	[sflag:s17] =	ssyncadd.s32 $0xFFFFC000  }
0x1cb: {  	_ =	swait.ge [sflag:s22], $0x4000  }
0x1cc: {  	[sflag:s22] =	ssyncset.done $0x0  }
0x1cd: {  	[sflag:s22] =	ssyncadd.s32 $0xFFFFC000  }
0x1ce: {  	[tilespmem:s16], [sflag:$0x1] =	stream.indirect.gather [hbm4b:s4+s19], $0x80, s23, s19, $0xb8;
	[tilespmem:$0x1D000] =	vst v63  }
0x1cf: {  	_ = 	snop  }
0x1d0: {  	[spmem:s2] =	stream.indirect.scatter.add.f32 [tilespmem:s21], [sflag:$0x3], $0x80, s24, s19, $0xb8;
	[tilespmem:$0x1D000] =	vst v63  }
0x1d1: {  	_ =	swait.ge [sflag:s17], $0x4000  }
0x1d2: {  	[sflag:s17] =	ssyncset.done $0x0  }
0x1d3: {  	[sflag:s17] =	ssyncadd.s32 $0xFFFFC000  }
0x1d4: {  	_ =	swait.ge [sflag:s20], $0x4000  }
0x1d5: {  	[sflag:s20] =	ssyncset.done $0x0  }
0x1d6: {  	[sflag:s20] =	ssyncadd.s32 $0xFFFFC000  }
0x1d7: {  	[tilespmem:s21], [sflag:$0x2] =	stream.indirect.gather [hbm4b:s4+s19], $0x80, s25, s19, $0xb8;
	[tilespmem:$0x1D000] =	vst v63  }
0x1d8: {  	_ = 	snop  }
0x1d9: {  	[spmem:s2] =	stream.indirect.scatter.add.f32 [tilespmem:s16], [sflag:$0x3], $0x80, s26, s19, $0xb8;
	[tilespmem:$0x1D000] =	vst v63  }
0x1da: {  	_ =	swait.ge [sflag:s17], $0x4000  }
0x1db: {  	[sflag:s17] =	ssyncset.done $0x0  }
0x1dc: {  	[sflag:s17] =	ssyncadd.s32 $0xFFFFC000  }
0x1dd: {  	_ =	swait.ge [sflag:s22], $0x4000  }
0x1de: {  	[sflag:s22] =	ssyncset.done $0x0  }
0x1df: {  	[sflag:s22] =	ssyncadd.s32 $0xFFFFC000  }
0x1e0: {  	[tilespmem:s16], [sflag:$0x1] =	stream.indirect.gather [hbm4b:s4+s19], $0x80, s28, s19, $0xb8;
	[tilespmem:$0x1D000] =	vst v63  }
0x1e1: {  	_ = 	snop  }
0x1e2: {  	[spmem:s2] =	stream.indirect.scatter.add.f32 [tilespmem:s21], [sflag:$0x3], $0x80, s29, s19, $0xb8;
	[tilespmem:$0x1D000] =	vst v63  }
0x1e3: {  	_ =	swait.ge [sflag:s17], $0x4000  }
0x1e4: {  	[sflag:s17] =	ssyncset.done $0x0  }
0x1e5: {  	[sflag:s17] =	ssyncadd.s32 $0xFFFFC000  }
0x1e6: {  	_ =	swait.ge [sflag:s20], $0x4000  }
0x1e7: {  	[sflag:s20] =	ssyncset.done $0x0  }
0x1e8: {  	[sflag:s20] =	ssyncadd.s32 $0xFFFFC000  }
0x1e9: {  	[tilespmem:s21], [sflag:$0x2] =	stream.indirect.gather [hbm4b:s4+s19], $0x80, s30, s19, $0xb8;
	[tilespmem:$0x1D000] =	vst v63  }
0x1ea: {  	_ = 	snop  }
0x1eb: {  	[spmem:s2] =	stream.indirect.scatter.add.f32 [tilespmem:s16], [sflag:$0x3], $0x80, s31, s19, $0xb8;
	[tilespmem:$0x1D000] =	vst v63  }
0x1ec: {  	_ =	swait.ge [sflag:s17], $0x4000  }
0x1ed: {  	[sflag:s17] =	ssyncset.done $0x0  }
0x1ee: {  	[sflag:s17] =	ssyncadd.s32 $0xFFFFC000  }
0x1ef: {  	_ =	swait.ge [sflag:s22], $0x4000  }
0x1f0: {  	[sflag:s22] =	ssyncset.done $0x0  }
0x1f1: {  	[sflag:s22] =	ssyncadd.s32 $0xFFFFC000  }
0x1f2: {  	[tilespmem:s16], [sflag:$0x1] =	stream.indirect.gather [hbm4b:s4+s19], $0x80, s1, s19, $0xb8;
	[tilespmem:$0x1D000] =	vst v63  }
0x1f3: {  	_ = 	snop  }
0x1f4: {  	[spmem:s2] =	stream.indirect.scatter.add.f32 [tilespmem:s21], [sflag:$0x3], $0x80, s0, s19, $0xb8;
	[tilespmem:$0x1D000] =	vst v63  }
0x1f5: {  	_ =	swait.ge [sflag:s17], $0x4000  }
0x1f6: {  	[sflag:s17] =	ssyncset.done $0x0  }
0x1f7: {  	[sflag:s17] =	ssyncadd.s32 $0xFFFFC000  }
0x1f8: {  	_ =	swait.ge [sflag:s20], $0x4000  }
0x1f9: {  	[sflag:s20] =	ssyncset.done $0x0  }
0x1fa: {  	[sflag:s20] =	ssyncadd.s32 $0xFFFFC000  }
0x1fb: {  	[tilespmem:s21], [sflag:$0x2] =	stream.indirect.gather [hbm4b:s4+s19], $0x80, s10, s19, $0xb8;
	[tilespmem:$0x1D000] =	vst v63  }
0x1fc: {  	_ = 	snop  }
0x1fd: {  	[spmem:s2] =	stream.indirect.scatter.add.f32 [tilespmem:s16], [sflag:$0x3], $0x80, s11, s19, $0xb8;
	[tilespmem:$0x1D000] =	vst v63  }
0x1fe: {  	_ =	swait.ge [sflag:s17], $0x4000  }
0x1ff: {  	[sflag:s17] =	ssyncset.done $0x0  }
0x200: {  	[sflag:s17] =	ssyncadd.s32 $0xFFFFC000  }
0x201: {  	_ =	swait.ge [sflag:s22], $0x4000  }
0x202: {  	[sflag:s22] =	ssyncset.done $0x0  }
0x203: {  	[sflag:s22] =	ssyncadd.s32 $0xFFFFC000  }
0x204: {  	[tilespmem:s16], [sflag:$0x1] =	stream.indirect.gather [hbm4b:s4+s19], $0x80, s12, s19, $0xb8;
	[tilespmem:$0x1D000] =	vst v63  }
0x205: {  	_ = 	snop  }
0x206: {  	[spmem:s2] =	stream.indirect.scatter.add.f32 [tilespmem:s21], [sflag:$0x3], $0x80, s13, s19, $0xb8;
	[tilespmem:$0x1D000] =	vst v63  }
0x207: {  	_ =	swait.ge [sflag:s17], $0x4000  }
0x208: {  	[sflag:s17] =	ssyncset.done $0x0  }
0x209: {  	[sflag:s17] =	ssyncadd.s32 $0xFFFFC000  }
0x20a: {  	_ =	swait.ge [sflag:s20], $0x4000  }
0x20b: {  	[sflag:s20] =	ssyncset.done $0x0  }
0x20c: {  	[sflag:s20] =	ssyncadd.s32 $0xFFFFC000  }
0x20d: {  	[tilespmem:s21], [sflag:$0x2] =	stream.indirect.gather [hbm4b:s4+s19], $0x80, s14, s19, $0xb8;
	[tilespmem:$0x1D000] =	vst v63  }
0x20e: {  	_ = 	snop  }
0x20f: {  	[spmem:s2] =	stream.indirect.scatter.add.f32 [tilespmem:s16], [sflag:$0x3], $0x80, s15, s19, $0xb8;
	[tilespmem:$0x1D000] =	vst v63  }
0x210: {  	_ =	swait.ge [sflag:s17], $0x4000  }
0x211: {  	[sflag:s17] =	ssyncset.done $0x0  }
0x212: {  	[sflag:s17] =	ssyncadd.s32 $0xFFFFC000  }
0x213: {  	_ =	swait.ge [sflag:s22], $0x4000  }
0x214: {  	[sflag:s22] =	ssyncset.done $0x0  }
0x215: {  	[sflag:s22] =	ssyncadd.s32 $0xFFFFC000  }
0x216: {  	[tilespmem:s16], [sflag:$0x1] =	stream.indirect.gather [hbm4b:s4+s19], $0x80, s14, s19, $0xb8;
	[tilespmem:$0x1D000] =	vst v63  }
0x217: {  	_ = 	snop  }
0x218: {  	[spmem:s2] =	stream.indirect.scatter.add.f32 [tilespmem:s21], [sflag:$0x3], $0x80, s6, s19, $0xb8;
	[tilespmem:$0x1D000] =	vst v63  }
0x219: {  	_ =	swait.ge [sflag:s17], $0x4000  }
0x21a: {  	[sflag:s17] =	ssyncset.done $0x0  }
0x21b: {  	[sflag:s17] =	ssyncadd.s32 $0xFFFFC000  }
0x21c: {  	_ =	swait.ge [sflag:s20], $0x4000  }
0x21d: {  	[sflag:s20] =	ssyncset.done $0x0  }
0x21e: {  	[sflag:s20] =	ssyncadd.s32 $0xFFFFC000  }
0x21f: {  	[bflag:$0x0] =	sbarrier.arrive $0xFFFF  }
0x220: {  	s7 =	rddreg [dreg:$0x11]  }
0x221: {  	[tilespmem:s16], [sflag:$0x3] =	stream.linear.gather [spmem:s7], $0x4000, $0x38;
	[tilespmem:$0x1D000] =	vst v63  }
0x222: {  	_ =	swait.ge [sflag:s17], $0x4000  }
0x223: {  	[sflag:s17] =	ssyncset.done $0x0  }
0x224: {  	s9 =	rddreg [dreg:$0x16];
	[sflag:s17] =	ssyncadd.s32 $0xFFFFC000  }
0x225: {  	[hbm4b:s9+s3] =	stream.linear.scatter [tilespmem:s16], [sflag:$0x3], $0x4000, $0x38;
	[tilespmem:$0x1D000] =	vst v63  }
0x226: {  	_ =	swait.ge [sflag:s17], $0x4000  }
0x227: {  	[sflag:s17] =	ssyncset.done $0x0  }
0x228: {  	s8 =	rddreg [dreg:$0x12];
	[sflag:s17] =	ssyncadd.s32 $0xFFFFC000  }
0x229: {  	[tilespmem:s16], [sflag:$0x3] =	stream.linear.gather [spmem:s8], $0x4000, $0x38;
	[tilespmem:$0x1D000] =	vst v63  }
0x22a: {  	_ =	swait.ge [sflag:s17], $0x4000  }
0x22b: {  	[sflag:s17] =	ssyncset.done $0x0  }
0x22c: {  	s9 =	rddreg [dreg:$0x17];
	[sflag:s17] =	ssyncadd.s32 $0xFFFFC000  }
0x22d: {  	[hbm4b:s9+s3] =	stream.linear.scatter [tilespmem:s16], [sflag:$0x3], $0x4000, $0x38;
	[tilespmem:$0x1D000] =	vst v63  }
0x22e: {  	_ =	swait.ge [sflag:s17], $0x4000  }
0x22f: {  	[sflag:s17] =	ssyncset.done $0x0  }
0x230: {  	s8 =	rddreg [dreg:$0x13];
	[sflag:s17] =	ssyncadd.s32 $0xFFFFC000  }
0x231: {  	[tilespmem:s16], [sflag:$0x3] =	stream.linear.gather [spmem:s8], $0x4000, $0x38;
	[tilespmem:$0x1D000] =	vst v63  }
0x232: {  	_ =	swait.ge [sflag:s17], $0x4000  }
0x233: {  	[sflag:s17] =	ssyncset.done $0x0  }
0x234: {  	s9 =	rddreg [dreg:$0x18];
	[sflag:s17] =	ssyncadd.s32 $0xFFFFC000  }
0x235: {  	[hbm4b:s9+s3] =	stream.linear.scatter [tilespmem:s16], [sflag:$0x3], $0x4000, $0x38;
	[tilespmem:$0x1D000] =	vst v63  }
0x236: {  	_ =	swait.ge [sflag:s17], $0x4000  }
0x237: {  	[sflag:s17] =	ssyncset.done $0x0  }
0x238: {  	s8 =	rddreg [dreg:$0x14];
	[sflag:s17] =	ssyncadd.s32 $0xFFFFC000  }
0x239: {  	[tilespmem:s16], [sflag:$0x3] =	stream.linear.gather [spmem:s8], $0x4000, $0x38;
	[tilespmem:$0x1D000] =	vst v63  }
0x23a: {  	_ =	swait.ge [sflag:s17], $0x4000  }
0x23b: {  	[sflag:s17] =	ssyncset.done $0x0  }
0x23c: {  	s9 =	rddreg [dreg:$0x19];
	[sflag:s17] =	ssyncadd.s32 $0xFFFFC000  }
0x23d: {  	[hbm4b:s9+s3] =	stream.linear.scatter [tilespmem:s16], [sflag:$0x3], $0x4000, $0x38;
	[tilespmem:$0x1D000] =	vst v63  }
0x23e: {  	_ =	swait.ge [sflag:s17], $0x4000  }
0x23f: {  	[sflag:s17] =	ssyncset.done $0x0  }
0x240: {  	s8 =	rddreg [dreg:$0x15];
	[sflag:s17] =	ssyncadd.s32 $0xFFFFC000  }
0x241: {  	[tilespmem:s16], [sflag:$0x3] =	stream.linear.gather [spmem:s8], $0x4000, $0x38;
	[tilespmem:$0x1D000] =	vst v63  }
0x242: {  	_ =	swait.ge [sflag:s17], $0x4000  }
0x243: {  	[sflag:s17] =	ssyncset.done $0x0  }
0x244: {  	s9 =	rddreg [dreg:$0x1a];
	[sflag:s17] =	ssyncadd.s32 $0xFFFFC000  }
0x245: {  	[hbm4b:s9+s3] =	stream.linear.scatter [tilespmem:s16], [sflag:$0x3], $0x4000, $0x38;
	[tilespmem:$0x1D000] =	vst v63  }
0x246: {  	_ =	swait.ge [sflag:s17], $0x4000  }
0x247: {  	s5 =	rddreg [dreg:$0x1c]  }
0x248: {  	s9 =	rddreg [dreg:$0x1b];
	s8 =	sadd.s32 $0x1, s5  }
0x249: {  	p0 =	sne.s32 s8, s9  }
.Ltmp2:
0x24a: {  	_ = 	snop;
	(pc) =	sbr.rel @p0 .LBB2_1-.Ltmp2, $3  }
0x24b: {  	_ =	sdelay $0x1  }
0x24c: {  	[sflag:s17] =	ssyncset.done $0x0  }
0x24d: {  	[sflag:s17] =	ssyncadd.s32 $0xFFFFC000  }
0x24e: {  	_ =	sfence.sel $0x180000  }
0x24f: {  	[bflag:$0x0] =	sbarrier.arrive $0xFFFF  }
0x250: {  	_ =	strace $0x9000004A  }
0x251: {  	s0 =	stileid.u32;
	[bflag:$0x2] =	sbarrier.arrive $0xFFFF  }
0x252: {  	p0 =	sne.s32 s0, $0x0;
	s0 =	rddreg [dreg:$0x2]  }
0x253: {  	s0 =	sadd.s32 @!p0 $0x100000, s0  }
0x254: {  	[sflag:s0] =	ssyncadd.tile.s32 @!p0 $0x1;
	_ =	shalt  }
.Lfunc_end2:
_tile_overlayer_lowered:
.L_overlay_start_2:
0x255: {  	(tag) =	ssettag $0x2  }
0x256: {  	s0 =	rddreg [dreg:$0x0];
	s2 =	stileid.u32  }
0x257: {  	s1 =	rddreg [dreg:$0x1];
	p0 =	sne.s32 s2, $0x0  }
0x258: {  	s3 =	rddreg [dreg:$0x2];
	[bflag:$0x3] =	sbarrier.arrive $0xFFFF;
	s2 =	simm.s32 @!p0 $0x1C03  }
0x259: {  	[timem:s3], [sflag:s2] =	dma.local @!p0 [hbm:s0], s1  }
0x25a: {  	s0 =	simm.s32 @!p0 $0x3  }
0x25b: {  	_ =	swait.ge @!p0 [sflag:s0], s1  }
0x25c: {  	s1 =	ssub.s32 @!p0 $0x0, s1;
	[sflag:s0] =	ssyncset.done @!p0 $0x0  }
0x25d: {  	[sflag:s0] =	ssyncadd.s32 @!p0 s1  }
0x25e: {  	[bflag:$0x3] =	sbarrier.arrive $0xFFFF  }
0x25f: {  	_ =	shalt  }

// kernel: kernel.17.cloned.1.call-start
scs
__scs_entry_jumppad:
0x0: {  	(pc) =	sbr.rel $0x88, $3  }
0x1: {  	(tag) =	ssettag $0x0;
	lr =	simm.s32 $0x1  }
0x2: {  	[smem:$0x3F96] =	sst lr;
	_ =	strace $0xD0000000  }
0x3: {  	_ = 	snop  }
0x4: {  	_ = 	snop  }
0x5: {  	_ = 	snop  }
0x6: {  	_ = 	snop  }
0x7: {  	_ = 	snop  }
__scs_overlays_trampoline_lowered:
0x8: {  	[smem:$0x3FA5] =	sst s0  }
0x9: {  	[smem:$0x3FA6] =	sst s1  }
0xa: {  	[smem:$0x3FA7] =	sst s2  }
0xb: {  	[smem:$0x3FA8] =	sst s3  }
0xc: {  	[smem:$0x3FA9] =	sst s4  }
0xd: {  	[smem:$0x3FAA] =	sst s5  }
0xe: {  	[smem:$0x3FAB] =	sst s6  }
0xf: {  	[smem:$0x3FAC] =	sst s7  }
0x10: {  	[smem:$0x3FAD] =	sst s8  }
0x11: {  	[smem:$0x3FAE] =	sst s9;
	s0 =	simm.s32 @!p0 $0x0  }
0x12: {  	s1 =	sld [smem:$0x3F94];
	s0 =	simm.s32 @p0 $0x1  }
0x13: {  	[smem:$0x3FAF] =	sst s0;
	s0 =	simm.s32 @!p1 $0x0  }
0x14: {  	s2 =	sld [smem:$0x3F93];
	s0 =	simm.s32 @p1 $0x1  }
0x15: {  	[smem:$0x3FB0] =	sst s0;
	s0 =	simm.s32 @!p2 $0x0  }
0x16: {  	s3 =	sld [smem:$0x3FDB];
	s0 =	simm.s32 @p2 $0x1  }
0x17: {  	s4 =	simm.s32 $0x1BF5;
	[smem:$0x3FB2] =	sst s0  }
0x18: {  	s0 =	sld [smem:$0x3F95];
	_ =	swait.ge [sflag:s4], $0x0  }
0x19: {  	s7 =	sld [smem:$0x3F96]  }
0x1a: {  	s8 =	sadd.s32 $0xFFFFE003, lr  }
0x1b: {  	s9 =	sadd.s32 $0xFFFFFEF7, lr;
	s5 =	simm.s32 $0xFFFFFFFF;
	p2 =	slt.u32 s8, $0xFFFFF086  }
0x1c: {  	p1 =	slt.u32 s9, $0xF7A;
	s5 =	simm.s32 @!p2 $0x0  }
0x1d: {  	s5 =	simm.s32 @p1 $0x1;
	p0 =	seq.s32 s7, s2  }
0x1e: {  	s7 =	smul.u32 @!p0 $0xF7A, s2;
	p2 =	seq.s32 @!p0 s5, $0x0  }
0x1f: {  	s9 =	smul.u32 $0xF7A, s1;
	s8 =	simm.s32 @!p0 $0x1BF5;
	p2 =	por !p2, p0  }
0x20: {  	[sflag:s8] =	ssyncset.s32 @!p0 $0xFFFFF086;
	s6 =	sadd.s32 @!p0 s3, s7;
	s7 =	simm.s32 @!p0 $0x108  }
0x21: {  	s3 =	sadd.s32 s3, s9;
	s6 =	sadd.s32 @!p0 $0x88, s6;
	s7 =	simm.s32 @p2 $0x1082  }
0x22: {  	[simem:s7], [sflag:s8] =	dma.local @!p0 [hbm:s6], $0xF7A  }
0x23: {  	s9 =	sor.u32 $0xD0000000, s2;
	s6 =	simm.s32 $0x108;
	_ =	swait.ge @!p0 [sflag:s8], $0x0  }
0x24: {  	s3 =	sadd.s32 $0x88, s3;
	s6 =	simm.s32 @!p1 $0x1082;
	[sflag:s4] =	ssyncset.s32 $0xFFFFF086  }
0x25: {  	[simem:s6], [sflag:s4] =	dma.local [hbm:s3], $0xF7A  }
0x26: {  	[smem:$0x3F96] =	sst s1;
	(tag) =	ssettag s2;
	_ =	strace s9  }
0x27: {  	s1 =	sld [smem:$0x3FA6]  }
0x28: {  	s2 =	sld [smem:$0x3FA7]  }
0x29: {  	s4 =	sld [smem:$0x3FA9]  }
0x2a: {  	p0 =	seq.s32 s5, $0x0;
	s5 =	sld [smem:$0x3FAA]  }
0x2b: {  	s6 =	sld [smem:$0x3FAB]  }
0x2c: {  	s7 =	sld [smem:$0x3FAC]  }
0x2d: {  	s3 =	simm.s32 $0x108;
	s8 =	sld [smem:$0x3FAD]  }
0x2e: {  	s3 =	simm.s32 @!p0 $0x1082;
	s9 =	sld [smem:$0x3FAE]  }
0x2f: {  	lr =	sadd.s32 s0, s3;
	s0 =	sld [smem:$0x3FA5]  }
0x30: {  	s3 =	sld [smem:$0x3FA8]  }
0x31: {  	[smem:$0x3FB1] =	sst s10  }
0x32: {  	s10 =	sld [smem:$0x3FAF];
	_ =	sdelay $0x3  }
0x33: {  	p0 =	seq.s32 s10, $0x1;
	s10 =	sld [smem:$0x3FB1];
	_ =	sdelay $0x3  }
0x34: {  	[smem:$0x3FB1] =	sst s10  }
0x35: {  	s10 =	sld [smem:$0x3FB0];
	_ =	sdelay $0x3  }
0x36: {  	p1 =	seq.s32 s10, $0x1;
	s10 =	sld [smem:$0x3FB1];
	_ =	sdelay $0x3  }
0x37: {  	[smem:$0x3FB1] =	sst s10  }
0x38: {  	s10 =	sld [smem:$0x3FB2]  }
0x39: {  	_ = 	snop;
	(pc) =	sbr.ind lr, $3  }
0x3a: {  	_ = 	snop  }
0x3b: {  	_ = 	snop  }
0x3c: {  	p2 =	seq.s32 s10, $0x1;
	s10 =	sld [smem:$0x3FB1]  }
0x3d: {  	_ =	shalt  }
0x3e: {  	_ =	shalt  }
0x3f: {  	_ =	shalt  }
0x40: {  	_ =	shalt  }
0x41: {  	_ =	shalt  }
0x42: {  	_ =	shalt  }
0x43: {  	_ =	shalt  }
0x44: {  	_ =	shalt  }
0x45: {  	_ =	shalt  }
0x46: {  	_ =	shalt  }
0x47: {  	_ =	shalt  }
0x48: {  	_ =	shalt  }
0x49: {  	_ =	shalt  }
0x4a: {  	_ =	shalt  }
0x4b: {  	_ =	shalt  }
0x4c: {  	_ =	shalt  }
0x4d: {  	_ =	shalt  }
0x4e: {  	_ =	shalt  }
0x4f: {  	_ =	shalt  }
0x50: {  	_ =	shalt  }
0x51: {  	_ =	shalt  }
0x52: {  	_ =	shalt  }
0x53: {  	_ =	shalt  }
0x54: {  	_ =	shalt  }
0x55: {  	_ =	shalt  }
0x56: {  	_ =	shalt  }
0x57: {  	_ =	shalt  }
0x58: {  	_ =	shalt  }
0x59: {  	_ =	shalt  }
0x5a: {  	_ =	shalt  }
0x5b: {  	_ =	shalt  }
0x5c: {  	_ =	shalt  }
0x5d: {  	_ =	shalt  }
0x5e: {  	_ =	shalt  }
0x5f: {  	_ =	shalt  }
0x60: {  	_ =	shalt  }
0x61: {  	_ =	shalt  }
0x62: {  	_ =	shalt  }
0x63: {  	_ =	shalt  }
0x64: {  	_ =	shalt  }
0x65: {  	_ =	shalt  }
0x66: {  	_ =	shalt  }
0x67: {  	_ =	shalt  }
0x68: {  	_ =	shalt  }
0x69: {  	_ =	shalt  }
0x6a: {  	_ =	shalt  }
0x6b: {  	_ =	shalt  }
0x6c: {  	_ =	shalt  }
0x6d: {  	_ =	shalt  }
0x6e: {  	_ =	shalt  }
0x6f: {  	_ =	shalt  }
0x70: {  	_ =	shalt  }
0x71: {  	_ =	shalt  }
0x72: {  	_ =	shalt  }
0x73: {  	_ =	shalt  }
0x74: {  	_ =	shalt  }
0x75: {  	_ =	shalt  }
0x76: {  	_ =	shalt  }
0x77: {  	_ =	shalt  }
0x78: {  	_ =	shalt  }
0x79: {  	_ =	shalt  }
0x7a: {  	_ =	shalt  }
0x7b: {  	_ =	shalt  }
0x7c: {  	_ =	shalt  }
0x7d: {  	_ =	shalt  }
0x7e: {  	_ =	shalt  }
0x7f: {  	_ =	shalt  }
0x80: {  	_ =	shalt  }
0x81: {  	_ =	shalt  }
0x82: {  	_ =	shalt  }
0x83: {  	_ =	shalt  }
0x84: {  	_ =	shalt  }
0x85: {  	_ =	shalt  }
0x86: {  	_ =	shalt  }
0x87: {  	_ =	shalt  }
.Lfunc_end0:
.L_simem_size_0:
called_computation.2_lowered:
.L_overlay_start_0:
0x88: {  	s2 =	sld [smem:$0x3FD9]  }
0x89: {  	s3 =	sld [smem:$0x3FFE];
	_ =	sdelay $0x1  }
0x8a: {  	s1 =	srdreg.scid  }
0x8b: {  	s0 =	sand.u32 $0x1, s1  }
0x8c: {  	s16 =	sshll.u32 s0, $0xA;
	s2 =	sadd.s32 s3, s2  }
0x8d: {  	s2 =	sadd.s32 s2, s16  }
0x8e: {  	[smem:$0x3FBD] =	sst s2  }
0x8f: {  	_ = 	snop  }
0x90: {  	(tm) =	ssettm $0x1  }
0x91: {  	s17 =	sld [smem:$0x3FFB];
	_ =	sdelay $0x3  }
0x92: {  	_ =	strace s17  }
0x93: {  	s2 =	sld [smem:$0x3FFC];
	_ =	sdelay $0x3  }
0x94: {  	_ =	strace s2  }
0x95: {  	s2 =	sld [smem:$0x3FFD];
	_ =	sdelay $0x3  }
0x96: {  	_ =	strace s2  }
0x97: {  	_ =	strace $0x8FFFFFFF  }
0x98: {  	s18 =	sld [smem:$0x3FDB];
	_ =	sdelay $0x1  }
0x99: {  	s19 =	simm.s32 $_scs_section_size  }
0x9a: {  	s4 =	simm.s32 $_size__tile_overlayer_lowered;
	s5 =	simm.s32 $_tile_overlayer_lowered  }
0x9b: {  	s22 =	simm.s32 $0x1BFF;
	s21 =	sshll.u32 s5, $0x1;
	s2 =	sadd.s32 s19, s18  }
0x9c: {  	s6 =	simm.s32 $0x0;
	s20 =	sshll.u32 s4, $0x1;
	s4 =	sadd.s32 s21, s2  }
0x9d: {  	[timem:s6], [sflag:s22] =	dma.local [hbm:s4], s20  }
0x9e: {  	_ =	swait.ge [sflag:s22], s20  }
0x9f: {  	s3 =	ssub.s32 $0x0, s20;
	[sflag:s22] =	ssyncset.done $0x0  }
0xa0: {  	[sflag:s22] =	ssyncadd.s32 s3;
	_ =	sdelay $0x1  }
0xa1: {  	s23 =	simm.s32 $0x1B8B  }
0xa2: {  	_ =	swait.ge [sflag:s23], $0x1  }
0xa3: {  	[sflag:s23] =	ssyncset.done $0x0  }
0xa4: {  	s25 =	simm.s32 $0x1B8E;
	s24 =	sld [smem:$0x3FFE];
	[sflag:s23] =	ssyncadd.s32 $0xFFFFFFFF  }
0xa5: {  	s26 =	simm.s32 $execute0_lowered;
	[smem:$0x3FD2] =	sst s25  }
0xa6: {  	s4 =	sshll.u32 s26, $0x1;
	_ =	strace $0x8000004C;
	[dreg:$0x1] =	wrdreg $0xFFFFFFFF  }
0xa7: {  	s28 =	simm.s32 $_size_execute0_lowered;
	s2 =	sadd.s32 s2, s4;
	[dreg:$0x0] =	wrdreg $0x0  }
0xa8: {  	s4 =	sshll.u32 s28, $0x1;
	[dreg:$0x2] =	wrdreg s2  }
0xa9: {  	[dreg:$0x3] =	wrdreg s4  }
0xaa: {  	[dreg:$0x4] =	wrdreg $0xC0  }
0xab: {  	_ =	task [dreg:s6], $0x5FFFF  }
0xac: {  	[dreg:$0x1] =	wrdreg $0xFFFFFFFF  }
0xad: {  	[dreg:$0x0] =	wrdreg $0x60  }
0xae: {  	[dreg:$0x2] =	wrdreg s24  }
0xaf: {  	[dreg:$0x3] =	wrdreg $0x90000  }
0xb0: {  	[dreg:$0x4] =	wrdreg $0x9  }
0xb1: {  	_ =	task.clear_ibuf [dreg:s6], $0x5FFFF;
	_ =	strace $0x9000004C  }
0xb2: {  	s29 =	simm.s32 $0x9;
	_ =	strace $0x8000004E  }
0xb3: {  	_ =	swait.ge [sflag:s29], $0x1  }
0xb4: {  	[sflag:s29] =	ssyncadd.s32 $0xFFFFFFFF  }
0xb5: {  	_ =	strace $0x9000004E  }
0xb6: {  	_ =	sfence  }
0xb7: {  	s30 =	sld [smem:$0x0];
	_ =	sdelay $0x2  }
0xb8: {  	s31 =	sshll.u32 s1, $0xD;
	s1 =	sshrl.u32 s1, $0x2  }
0xb9: {  	s3 =	sand.u32 $0x4000, s31;
	s1 =	sadd.s32 s1, s30  }
0xba: {  	s0 =	sor.u32 s3, s0;
	s1 =	sshll.u32 s1, $0x11  }
0xbb: {  	s0 =	sor.u32 s1, s0  }
0xbc: {  	s0 =	sadd.s32 $0x8F2B, s0  }
0xbd: {  	[sflag:s0] =	ssyncadd.remote.s32 $0x1  }
0xbe: {  	_ =	sfence.sel $0xFFFF  }
0xbf: {  	[dreg:$0x0] =	wrdreg $0xFFFFFFFF;
	(pc) =	sbr.abs _section_cstart, $3  }
0xc0: {  	[dreg:$0x1] =	wrdreg $0xFFFFFFFF  }
0xc1: {  	_ =	task.clear_ibuf [dreg:s6], $0x2FFFF;
	_ =	strace $0x9FFFFFFF  }
0xc2: {  	(tm) =	ssettm $0x7FFFFFFF  }
0xc3: {  	_ =	shalt  }
tec
execute0_lowered:
.L_overlay_start_1:
0x0: {  	(tag) =	ssettag $0x1  }
0x1: {  	s1 =	srdreg.scid;
	s6 =	rddreg [dreg:$0x0]  }
0x2: {  	s0 =	stileid.u32;
	s2 =	rddreg [dreg:$0x1];
	s3 =	simm.s32 $0x0  }
0x3: {  	s18 =	simm.s32 $0x5000;
	s19 =	simm.s32 $0x3;
	s20 =	simm.s32 $0x2800  }
0x4: {  	s21 =	simm.s32 $0x80;
	s22 =	simm.s32 $0x1;
	s23 =	simm.s32 $0x7000  }
0x5: {  	s28 =	simm.s32 $0x4F80;
	s29 =	simm.s32 $0x0;
	s5 =	sand.u32 $0x1, s1  }
0x6: {  	s24 =	sshll.u32 s0, $0x1;
	[smem:$0x7FF] =	sst s3;
	s9 =	smul.u32 $0xA000, s0  }
0x7: {  	s10 =	smul.u32 $0x28000, s0;
	s4 =	sadd.s32 $0x17400, s6;
	s1 =	sor.u32 s5, s24  }
0x8: {  	s8 =	smul.u32 $0xA0000, s5;
	_ =	strace $0x8000004D;
	s26 =	ssub.s32 $0x2, s5  }
0x9: {  	s24 =	simm.s32 $0x2;
	s7 =	smul.u32 $0x500, s1;
	s30 =	sshrl.u32 s10, $0x2  }
0xa: {  	s31 =	sshrl.u32 s26, $0x1;
	s25 =	sadd.s32 s9, s8;
	s5 =	sadd.s32 s30, s2  }
0xb: {  	s17 =	ssub.s32 s26, s31;
	s26 =	simm.s32 $0x4F00;
	s11 =	sadd.s32 s7, s6  }
0xc: {  	s7 =	sshrl.u32 s25, $0x3;
	s8 =	sadd.s32 $0x6000, s5;
	s9 =	sadd.s32 $0x8000, s5  }
0xd: {  	s17 =	smax.u32 s17, $0x1;
	s25 =	simm.s32 $0x2780;
	s16 =	sadd.s32 s7, s6  }
0xe: {  	s6 =	sadd.s32 $0x2000, s5;
	s7 =	sadd.s32 $0x4000, s5;
	s10 =	sadd.s32 $0x3400, s11  }
0xf: {  	s11 =	sadd.s32 $0xD400, s11;
	s12 =	sadd.s32 $0x67400, s16;
	s13 =	sadd.s32 $0x67800, s16  }
0x10: {  	v0 =	vimm.f32 $0.0e+00;
	s14 =	sadd.s32 $0x67C00, s16;
	s15 =	sadd.s32 $0x68000, s16;
	s16 =	sadd.s32 $0x68400, s16  }
.LBB2_1:
0x11: {  	s31 =	simm.s32 $0x100;
	s30 =	simm.s32 $0x0  }
.LBB2_2:
0x12: {  	p0 =	sne.s32 s31, $0x7F00;
	[tilespmem:s30+$0x5030] =	vst v0;
	s1 =	smov.u32 s31;
	s31 =	sadd.s32 $0x100, s31  }
.Ltmp0:
0x13: {  	[tilespmem:s30+$0x5020] =	vst v0;
	(pc) =	sbr.rel @p0 .LBB2_2-.Ltmp0, $3  }
0x14: {  	[tilespmem:s30+$0x5000] =	vst v0  }
0x15: {  	[tilespmem:s30+$0x5010] =	vst v0;
	_ =	sdelay $0x1  }
0x16: {  	s30 =	sshra.s32 s1, $0x2  }
0x17: {  	[tilespmem:s30+$0x5030] =	vst v0  }
0x18: {  	[tilespmem:s30+$0x5020] =	vst v0  }
0x19: {  	[tilespmem:s30+$0x5000] =	vst v0  }
0x1a: {  	[tilespmem:s30+$0x5010] =	vst v0  }
0x1b: {  	[spmem:s5] =	stream.linear.scatter [tilespmem:s18], [sflag:$0x3], $0x2000, $0x38;
	[tilespmem:$0x13000] =	vst v63  }
0x1c: {  	_ =	swait.ge [sflag:s19], $0x2000  }
0x1d: {  	[sflag:s19] =	ssyncset.done $0x0  }
0x1e: {  	[sflag:s19] =	ssyncadd.s32 $0xFFFFE000  }
0x1f: {  	[spmem:s6] =	stream.linear.scatter [tilespmem:s18], [sflag:$0x3], $0x2000, $0x38;
	[tilespmem:$0x13000] =	vst v63  }
0x20: {  	_ =	swait.ge [sflag:s19], $0x2000  }
0x21: {  	[sflag:s19] =	ssyncset.done $0x0  }
0x22: {  	[sflag:s19] =	ssyncadd.s32 $0xFFFFE000  }
0x23: {  	[spmem:s7] =	stream.linear.scatter [tilespmem:s18], [sflag:$0x3], $0x2000, $0x38;
	[tilespmem:$0x13000] =	vst v63  }
0x24: {  	_ =	swait.ge [sflag:s19], $0x2000  }
0x25: {  	[sflag:s19] =	ssyncset.done $0x0  }
0x26: {  	[sflag:s19] =	ssyncadd.s32 $0xFFFFE000  }
0x27: {  	[spmem:s8] =	stream.linear.scatter [tilespmem:s18], [sflag:$0x3], $0x2000, $0x38;
	[tilespmem:$0x13000] =	vst v63  }
0x28: {  	_ =	swait.ge [sflag:s19], $0x2000  }
0x29: {  	[sflag:s19] =	ssyncset.done $0x0  }
0x2a: {  	[sflag:s19] =	ssyncadd.s32 $0xFFFFE000  }
0x2b: {  	[spmem:s9] =	stream.linear.scatter [tilespmem:s18], [sflag:$0x3], $0x2000, $0x38;
	[tilespmem:$0x13000] =	vst v63  }
0x2c: {  	_ =	swait.ge [sflag:s19], $0x2000  }
0x2d: {  	[sflag:s19] =	ssyncset.done $0x0  }
0x2e: {  	[sflag:s19] =	ssyncadd.s32 $0xFFFFE000  }
0x2f: {  	s1 =	simm.s32 $0x0;
	[bflag:$0x0] =	sbarrier.arrive $0xFFFF  }
0x30: {  	[tilespmem:s1], [sflag:$0x3] =	stream.linear.gather [hbm4b:s10+s1], $0x2800, $0x38;
	[tilespmem:$0x13000] =	vst v63  }
0x31: {  	_ =	swait.ge [sflag:s19], $0x2800  }
0x32: {  	[sflag:s19] =	ssyncset.done $0x0  }
0x33: {  	[sflag:s19] =	ssyncadd.s32 $0xFFFFD800  }
0x34: {  	[tilespmem:s20], [sflag:$0x3] =	stream.linear.gather [hbm4b:s11+s1], $0x2800, $0x38;
	[tilespmem:$0x13000] =	vst v63  }
0x35: {  	_ =	swait.ge [sflag:s19], $0x2800  }
0x36: {  	[sflag:s19] =	ssyncset.done $0x0  }
0x37: {  	[sflag:s19] =	ssyncadd.s32 $0xFFFFD800  }
0x38: {  	[tilespmem:s18], [sflag:$0x1] =	stream.indirect.gather [hbm4b:s4+s21], $0x40, s1, s21, $0xb8;
	[tilespmem:$0x13000] =	vst v63  }
0x39: {  	_ =	swait.ge [sflag:s22], $0x2000  }
0x3a: {  	[sflag:s22] =	ssyncset.done $0x0  }
0x3b: {  	s31 =	simm.s32 $0x80;
	[sflag:s22] =	ssyncadd.s32 $0xFFFFE000  }
0x3c: {  	[tilespmem:s23], [sflag:$0x2] =	stream.indirect.gather [hbm4b:s4+s21], $0x40, s31, s21, $0xb8;
	[tilespmem:$0x13000] =	vst v63  }
0x3d: {  	s31 =	simm.s32 $0x2800  }
0x3e: {  	[spmem:s2] =	stream.indirect.scatter.add.f32 [tilespmem:s18], [sflag:$0x3], $0x40, s31, s21, $0xb8;
	[tilespmem:$0x13000] =	vst v63  }
0x3f: {  	_ =	swait.ge [sflag:s19], $0x2000  }
0x40: {  	[sflag:s19] =	ssyncset.done $0x0  }
0x41: {  	[sflag:s19] =	ssyncadd.s32 $0xFFFFE000  }
0x42: {  	_ =	swait.ge [sflag:s24], $0x2000  }
0x43: {  	[sflag:s24] =	ssyncset.done $0x0  }
0x44: {  	s31 =	simm.s32 $0x100;
	[sflag:s24] =	ssyncadd.s32 $0xFFFFE000  }
0x45: {  	[tilespmem:s18], [sflag:$0x1] =	stream.indirect.gather [hbm4b:s4+s21], $0x40, s31, s21, $0xb8;
	[tilespmem:$0x13000] =	vst v63  }
0x46: {  	s31 =	simm.s32 $0x2880  }
0x47: {  	[spmem:s2] =	stream.indirect.scatter.add.f32 [tilespmem:s23], [sflag:$0x3], $0x40, s31, s21, $0xb8;
	[tilespmem:$0x13000] =	vst v63  }
0x48: {  	_ =	swait.ge [sflag:s19], $0x2000  }
0x49: {  	s30 =	simm.s32 $0x400;
	[sflag:s19] =	ssyncset.done $0x0  }
.LBB2_4:
0x4a: {  	p0 =	sne.s32 s30, $0x9800  }
0x4b: {  	[sflag:s19] =	ssyncadd.s32 $0xFFFFE000;
	s1 =	smov.u32 s30;
	s30 =	sadd.s32 $0x400, s30  }
0x4c: {  	_ = 	snop  }
0x4d: {  	_ =	swait.ge [sflag:s22], $0x2000  }
0x4e: {  	s1 =	sshra.s32 s1, $0x2;
	[sflag:s22] =	ssyncset.done $0x0  }
0x4f: {  	s31 =	sadd.s32 $0x80, s1;
	[sflag:s22] =	ssyncadd.s32 $0xFFFFE000  }
0x50: {  	[tilespmem:s23], [sflag:$0x2] =	stream.indirect.gather [hbm4b:s4+s21], $0x40, s31, s21, $0xb8;
	[tilespmem:$0x13000] =	vst v63  }
0x51: {  	s31 =	sadd.s32 $0x2800, s1  }
0x52: {  	[spmem:s2] =	stream.indirect.scatter.add.f32 [tilespmem:s18], [sflag:$0x3], $0x40, s31, s21, $0xb8;
	[tilespmem:$0x13000] =	vst v63  }
0x53: {  	_ =	swait.ge [sflag:s19], $0x2000  }
0x54: {  	[sflag:s19] =	ssyncset.done $0x0  }
0x55: {  	[sflag:s19] =	ssyncadd.s32 $0xFFFFE000  }
0x56: {  	_ =	swait.ge [sflag:s24], $0x2000  }
0x57: {  	[sflag:s24] =	ssyncset.done $0x0  }
0x58: {  	s31 =	sadd.s32 $0x100, s1;
	[sflag:s24] =	ssyncadd.s32 $0xFFFFE000  }
0x59: {  	[tilespmem:s18], [sflag:$0x1] =	stream.indirect.gather [hbm4b:s4+s21], $0x40, s31, s21, $0xb8;
	[tilespmem:$0x13000] =	vst v63  }
.Ltmp1:
0x5a: {  	_ = 	snop;
	(pc) =	sbr.rel @p0 .LBB2_4-.Ltmp1, $4  }
0x5b: {  	s1 =	sadd.s32 $0x2880, s1  }
0x5c: {  	[spmem:s2] =	stream.indirect.scatter.add.f32 [tilespmem:s23], [sflag:$0x3], $0x40, s1, s21, $0xb8;
	[tilespmem:$0x13000] =	vst v63  }
0x5d: {  	_ =	swait.ge [sflag:s19], $0x2000  }
0x5e: {  	[sflag:s19] =	ssyncset.done $0x0  }
0x5f: {  	[sflag:s19] =	ssyncadd.s32 $0xFFFFE000  }
0x60: {  	_ =	swait.ge [sflag:s22], $0x2000  }
0x61: {  	[sflag:s22] =	ssyncset.done $0x0  }
0x62: {  	[sflag:s22] =	ssyncadd.s32 $0xFFFFE000  }
0x63: {  	[tilespmem:s23], [sflag:$0x2] =	stream.indirect.gather [hbm4b:s4+s21], $0x40, s25, s21, $0xb8;
	[tilespmem:$0x13000] =	vst v63  }
0x64: {  	_ = 	snop  }
0x65: {  	[spmem:s2] =	stream.indirect.scatter.add.f32 [tilespmem:s18], [sflag:$0x3], $0x40, s26, s21, $0xb8;
	[tilespmem:$0x13000] =	vst v63  }
0x66: {  	_ =	swait.ge [sflag:s19], $0x2000  }
0x67: {  	[sflag:s19] =	ssyncset.done $0x0  }
0x68: {  	[sflag:s19] =	ssyncadd.s32 $0xFFFFE000  }
0x69: {  	_ =	swait.ge [sflag:s24], $0x2000  }
0x6a: {  	[sflag:s24] =	ssyncset.done $0x0  }
0x6b: {  	[sflag:s24] =	ssyncadd.s32 $0xFFFFE000  }
0x6c: {  	[tilespmem:s18], [sflag:$0x1] =	stream.indirect.gather [hbm4b:s4+s21], $0x40, s25, s21, $0xb8;
	[tilespmem:$0x13000] =	vst v63  }
0x6d: {  	_ = 	snop  }
0x6e: {  	[spmem:s2] =	stream.indirect.scatter.add.f32 [tilespmem:s23], [sflag:$0x3], $0x40, s28, s21, $0xb8;
	[tilespmem:$0x13000] =	vst v63  }
0x6f: {  	_ =	swait.ge [sflag:s19], $0x2000  }
0x70: {  	[sflag:s19] =	ssyncset.done $0x0  }
0x71: {  	[sflag:s19] =	ssyncadd.s32 $0xFFFFE000  }
0x72: {  	_ =	swait.ge [sflag:s22], $0x2000  }
0x73: {  	[sflag:s22] =	ssyncset.done $0x0  }
0x74: {  	[sflag:s22] =	ssyncadd.s32 $0xFFFFE000  }
0x75: {  	[bflag:$0x0] =	sbarrier.arrive $0xFFFF  }
0x76: {  	[tilespmem:s18], [sflag:$0x3] =	stream.linear.gather [spmem:s5], $0x2000, $0x38;
	[tilespmem:$0x13000] =	vst v63  }
0x77: {  	_ =	swait.ge [sflag:s19], $0x2000  }
0x78: {  	[sflag:s19] =	ssyncset.done $0x0  }
0x79: {  	[sflag:s19] =	ssyncadd.s32 $0xFFFFE000  }
0x7a: {  	[hbm4b:s12+s3] =	stream.linear.scatter [tilespmem:s18], [sflag:$0x3], $0x2000, $0x38;
	[tilespmem:$0x13000] =	vst v63  }
0x7b: {  	_ =	swait.ge [sflag:s19], $0x2000  }
0x7c: {  	[sflag:s19] =	ssyncset.done $0x0  }
0x7d: {  	[sflag:s19] =	ssyncadd.s32 $0xFFFFE000  }
0x7e: {  	[tilespmem:s18], [sflag:$0x3] =	stream.linear.gather [spmem:s6], $0x2000, $0x38;
	[tilespmem:$0x13000] =	vst v63  }
0x7f: {  	_ =	swait.ge [sflag:s19], $0x2000  }
0x80: {  	[sflag:s19] =	ssyncset.done $0x0  }
0x81: {  	[sflag:s19] =	ssyncadd.s32 $0xFFFFE000  }
0x82: {  	[hbm4b:s13+s3] =	stream.linear.scatter [tilespmem:s18], [sflag:$0x3], $0x2000, $0x38;
	[tilespmem:$0x13000] =	vst v63  }
0x83: {  	_ =	swait.ge [sflag:s19], $0x2000  }
0x84: {  	[sflag:s19] =	ssyncset.done $0x0  }
0x85: {  	[sflag:s19] =	ssyncadd.s32 $0xFFFFE000  }
0x86: {  	[tilespmem:s18], [sflag:$0x3] =	stream.linear.gather [spmem:s7], $0x2000, $0x38;
	[tilespmem:$0x13000] =	vst v63  }
0x87: {  	_ =	swait.ge [sflag:s19], $0x2000  }
0x88: {  	[sflag:s19] =	ssyncset.done $0x0  }
0x89: {  	[sflag:s19] =	ssyncadd.s32 $0xFFFFE000  }
0x8a: {  	[hbm4b:s14+s3] =	stream.linear.scatter [tilespmem:s18], [sflag:$0x3], $0x2000, $0x38;
	[tilespmem:$0x13000] =	vst v63  }
0x8b: {  	_ =	swait.ge [sflag:s19], $0x2000  }
0x8c: {  	[sflag:s19] =	ssyncset.done $0x0  }
0x8d: {  	[sflag:s19] =	ssyncadd.s32 $0xFFFFE000  }
0x8e: {  	[tilespmem:s18], [sflag:$0x3] =	stream.linear.gather [spmem:s8], $0x2000, $0x38;
	[tilespmem:$0x13000] =	vst v63  }
0x8f: {  	_ =	swait.ge [sflag:s19], $0x2000  }
0x90: {  	[sflag:s19] =	ssyncset.done $0x0  }
0x91: {  	[sflag:s19] =	ssyncadd.s32 $0xFFFFE000  }
0x92: {  	[hbm4b:s15+s3] =	stream.linear.scatter [tilespmem:s18], [sflag:$0x3], $0x2000, $0x38;
	[tilespmem:$0x13000] =	vst v63  }
0x93: {  	_ =	swait.ge [sflag:s19], $0x2000  }
0x94: {  	[sflag:s19] =	ssyncset.done $0x0  }
0x95: {  	[sflag:s19] =	ssyncadd.s32 $0xFFFFE000  }
0x96: {  	[tilespmem:s18], [sflag:$0x3] =	stream.linear.gather [spmem:s9], $0x2000, $0x38;
	[tilespmem:$0x13000] =	vst v63  }
0x97: {  	s29 =	sadd.s32 $0x1, s29;
	_ =	swait.ge [sflag:s19], $0x2000  }
0x98: {  	p0 =	sne.s32 s29, s17;
	[sflag:s19] =	ssyncset.done $0x0  }
.Ltmp2:
0x99: {  	[sflag:s19] =	ssyncadd.s32 $0xFFFFE000;
	(pc) =	sbr.rel @p0 .LBB2_1-.Ltmp2, $4  }
0x9a: {  	[hbm4b:s16+s3] =	stream.linear.scatter [tilespmem:s18], [sflag:$0x3], $0x2000, $0x38;
	[tilespmem:$0x13000] =	vst v63  }
0x9b: {  	_ =	swait.ge [sflag:s19], $0x2000  }
0x9c: {  	[sflag:s19] =	ssyncset.done $0x0  }
0x9d: {  	[sflag:s19] =	ssyncadd.s32 $0xFFFFE000  }
0x9e: {  	_ =	sfence.sel $0x180000  }
0x9f: {  	[bflag:$0x0] =	sbarrier.arrive $0xFFFF  }
0xa0: {  	_ =	strace $0x9000004D  }
0xa1: {  	[bflag:$0x2] =	sbarrier.arrive $0xFFFF  }
0xa2: {  	p0 =	sne.s32 s0, $0x0;
	s0 =	rddreg [dreg:$0x2]  }
0xa3: {  	s0 =	sadd.s32 @!p0 $0x100000, s0  }
0xa4: {  	[sflag:s0] =	ssyncadd.tile.s32 @!p0 $0x1;
	_ =	shalt  }
.Lfunc_end2:
_tile_overlayer_lowered:
.L_overlay_start_2:
0xa5: {  	(tag) =	ssettag $0x2  }
0xa6: {  	s0 =	rddreg [dreg:$0x0];
	s2 =	stileid.u32  }
0xa7: {  	s1 =	rddreg [dreg:$0x1];
	p0 =	sne.s32 s2, $0x0  }
0xa8: {  	s3 =	rddreg [dreg:$0x2];
	[bflag:$0x3] =	sbarrier.arrive $0xFFFF;
	s2 =	simm.s32 @!p0 $0x1C03  }
0xa9: {  	[timem:s3], [sflag:s2] =	dma.local @!p0 [hbm:s0], s1  }
0xaa: {  	s0 =	simm.s32 @!p0 $0x3  }
0xab: {  	_ =	swait.ge @!p0 [sflag:s0], s1  }
0xac: {  	s1 =	ssub.s32 @!p0 $0x0, s1;
	[sflag:s0] =	ssyncset.done @!p0 $0x0  }
0xad: {  	[sflag:s0] =	ssyncadd.s32 @!p0 s1  }
0xae: {  	[bflag:$0x3] =	sbarrier.arrive $0xFFFF  }
0xaf: {  	_ =	shalt  }

// kernel: kernel.20.cloned.1.call-start
scs
__scs_entry_jumppad:
0x0: {  	(pc) =	sbr.rel $0x88, $3  }
0x1: {  	(tag) =	ssettag $0x0;
	lr =	simm.s32 $0x1  }
0x2: {  	[smem:$0x3F96] =	sst lr;
	_ =	strace $0xD0000000  }
0x3: {  	_ = 	snop  }
0x4: {  	_ = 	snop  }
0x5: {  	_ = 	snop  }
0x6: {  	_ = 	snop  }
0x7: {  	_ = 	snop  }
__scs_overlays_trampoline_lowered:
0x8: {  	[smem:$0x3FA5] =	sst s0  }
0x9: {  	[smem:$0x3FA6] =	sst s1  }
0xa: {  	[smem:$0x3FA7] =	sst s2  }
0xb: {  	[smem:$0x3FA8] =	sst s3  }
0xc: {  	[smem:$0x3FA9] =	sst s4  }
0xd: {  	[smem:$0x3FAA] =	sst s5  }
0xe: {  	[smem:$0x3FAB] =	sst s6  }
0xf: {  	[smem:$0x3FAC] =	sst s7  }
0x10: {  	[smem:$0x3FAD] =	sst s8  }
0x11: {  	[smem:$0x3FAE] =	sst s9;
	s0 =	simm.s32 @!p0 $0x0  }
0x12: {  	s1 =	sld [smem:$0x3F94];
	s0 =	simm.s32 @p0 $0x1  }
0x13: {  	[smem:$0x3FAF] =	sst s0;
	s0 =	simm.s32 @!p1 $0x0  }
0x14: {  	s2 =	sld [smem:$0x3F93];
	s0 =	simm.s32 @p1 $0x1  }
0x15: {  	[smem:$0x3FB0] =	sst s0;
	s0 =	simm.s32 @!p2 $0x0  }
0x16: {  	s3 =	sld [smem:$0x3FDB];
	s0 =	simm.s32 @p2 $0x1  }
0x17: {  	s4 =	simm.s32 $0x1BF5;
	[smem:$0x3FB2] =	sst s0  }
0x18: {  	s0 =	sld [smem:$0x3F95];
	_ =	swait.ge [sflag:s4], $0x0  }
0x19: {  	s7 =	sld [smem:$0x3F96]  }
0x1a: {  	s8 =	sadd.s32 $0xFFFFE003, lr  }
0x1b: {  	s9 =	sadd.s32 $0xFFFFFEF7, lr;
	s5 =	simm.s32 $0xFFFFFFFF;
	p2 =	slt.u32 s8, $0xFFFFF086  }
0x1c: {  	p1 =	slt.u32 s9, $0xF7A;
	s5 =	simm.s32 @!p2 $0x0  }
0x1d: {  	s5 =	simm.s32 @p1 $0x1;
	p0 =	seq.s32 s7, s2  }
0x1e: {  	s7 =	smul.u32 @!p0 $0xF7A, s2;
	p2 =	seq.s32 @!p0 s5, $0x0  }
0x1f: {  	s9 =	smul.u32 $0xF7A, s1;
	s8 =	simm.s32 @!p0 $0x1BF5;
	p2 =	por !p2, p0  }
0x20: {  	[sflag:s8] =	ssyncset.s32 @!p0 $0xFFFFF086;
	s6 =	sadd.s32 @!p0 s3, s7;
	s7 =	simm.s32 @!p0 $0x108  }
0x21: {  	s3 =	sadd.s32 s3, s9;
	s6 =	sadd.s32 @!p0 $0x88, s6;
	s7 =	simm.s32 @p2 $0x1082  }
0x22: {  	[simem:s7], [sflag:s8] =	dma.local @!p0 [hbm:s6], $0xF7A  }
0x23: {  	s9 =	sor.u32 $0xD0000000, s2;
	s6 =	simm.s32 $0x108;
	_ =	swait.ge @!p0 [sflag:s8], $0x0  }
0x24: {  	s3 =	sadd.s32 $0x88, s3;
	s6 =	simm.s32 @!p1 $0x1082;
	[sflag:s4] =	ssyncset.s32 $0xFFFFF086  }
0x25: {  	[simem:s6], [sflag:s4] =	dma.local [hbm:s3], $0xF7A  }
0x26: {  	[smem:$0x3F96] =	sst s1;
	(tag) =	ssettag s2;
	_ =	strace s9  }
0x27: {  	s1 =	sld [smem:$0x3FA6]  }
0x28: {  	s2 =	sld [smem:$0x3FA7]  }
0x29: {  	s4 =	sld [smem:$0x3FA9]  }
0x2a: {  	p0 =	seq.s32 s5, $0x0;
	s5 =	sld [smem:$0x3FAA]  }
0x2b: {  	s6 =	sld [smem:$0x3FAB]  }
0x2c: {  	s7 =	sld [smem:$0x3FAC]  }
0x2d: {  	s3 =	simm.s32 $0x108;
	s8 =	sld [smem:$0x3FAD]  }
0x2e: {  	s3 =	simm.s32 @!p0 $0x1082;
	s9 =	sld [smem:$0x3FAE]  }
0x2f: {  	lr =	sadd.s32 s0, s3;
	s0 =	sld [smem:$0x3FA5]  }
0x30: {  	s3 =	sld [smem:$0x3FA8]  }
0x31: {  	[smem:$0x3FB1] =	sst s10  }
0x32: {  	s10 =	sld [smem:$0x3FAF];
	_ =	sdelay $0x3  }
0x33: {  	p0 =	seq.s32 s10, $0x1;
	s10 =	sld [smem:$0x3FB1];
	_ =	sdelay $0x3  }
0x34: {  	[smem:$0x3FB1] =	sst s10  }
0x35: {  	s10 =	sld [smem:$0x3FB0];
	_ =	sdelay $0x3  }
0x36: {  	p1 =	seq.s32 s10, $0x1;
	s10 =	sld [smem:$0x3FB1];
	_ =	sdelay $0x3  }
0x37: {  	[smem:$0x3FB1] =	sst s10  }
0x38: {  	s10 =	sld [smem:$0x3FB2]  }
0x39: {  	_ = 	snop;
	(pc) =	sbr.ind lr, $3  }
0x3a: {  	_ = 	snop  }
0x3b: {  	_ = 	snop  }
0x3c: {  	p2 =	seq.s32 s10, $0x1;
	s10 =	sld [smem:$0x3FB1]  }
0x3d: {  	_ =	shalt  }
0x3e: {  	_ =	shalt  }
0x3f: {  	_ =	shalt  }
0x40: {  	_ =	shalt  }
0x41: {  	_ =	shalt  }
0x42: {  	_ =	shalt  }
0x43: {  	_ =	shalt  }
0x44: {  	_ =	shalt  }
0x45: {  	_ =	shalt  }
0x46: {  	_ =	shalt  }
0x47: {  	_ =	shalt  }
0x48: {  	_ =	shalt  }
0x49: {  	_ =	shalt  }
0x4a: {  	_ =	shalt  }
0x4b: {  	_ =	shalt  }
0x4c: {  	_ =	shalt  }
0x4d: {  	_ =	shalt  }
0x4e: {  	_ =	shalt  }
0x4f: {  	_ =	shalt  }
0x50: {  	_ =	shalt  }
0x51: {  	_ =	shalt  }
0x52: {  	_ =	shalt  }
0x53: {  	_ =	shalt  }
0x54: {  	_ =	shalt  }
0x55: {  	_ =	shalt  }
0x56: {  	_ =	shalt  }
0x57: {  	_ =	shalt  }
0x58: {  	_ =	shalt  }
0x59: {  	_ =	shalt  }
0x5a: {  	_ =	shalt  }
0x5b: {  	_ =	shalt  }
0x5c: {  	_ =	shalt  }
0x5d: {  	_ =	shalt  }
0x5e: {  	_ =	shalt  }
0x5f: {  	_ =	shalt  }
0x60: {  	_ =	shalt  }
0x61: {  	_ =	shalt  }
0x62: {  	_ =	shalt  }
0x63: {  	_ =	shalt  }
0x64: {  	_ =	shalt  }
0x65: {  	_ =	shalt  }
0x66: {  	_ =	shalt  }
0x67: {  	_ =	shalt  }
0x68: {  	_ =	shalt  }
0x69: {  	_ =	shalt  }
0x6a: {  	_ =	shalt  }
0x6b: {  	_ =	shalt  }
0x6c: {  	_ =	shalt  }
0x6d: {  	_ =	shalt  }
0x6e: {  	_ =	shalt  }
0x6f: {  	_ =	shalt  }
0x70: {  	_ =	shalt  }
0x71: {  	_ =	shalt  }
0x72: {  	_ =	shalt  }
0x73: {  	_ =	shalt  }
0x74: {  	_ =	shalt  }
0x75: {  	_ =	shalt  }
0x76: {  	_ =	shalt  }
0x77: {  	_ =	shalt  }
0x78: {  	_ =	shalt  }
0x79: {  	_ =	shalt  }
0x7a: {  	_ =	shalt  }
0x7b: {  	_ =	shalt  }
0x7c: {  	_ =	shalt  }
0x7d: {  	_ =	shalt  }
0x7e: {  	_ =	shalt  }
0x7f: {  	_ =	shalt  }
0x80: {  	_ =	shalt  }
0x81: {  	_ =	shalt  }
0x82: {  	_ =	shalt  }
0x83: {  	_ =	shalt  }
0x84: {  	_ =	shalt  }
0x85: {  	_ =	shalt  }
0x86: {  	_ =	shalt  }
0x87: {  	_ =	shalt  }
.Lfunc_end0:
.L_simem_size_0:
called_computation.3_lowered:
.L_overlay_start_0:
0x88: {  	s2 =	sld [smem:$0x3FD9]  }
0x89: {  	s3 =	sld [smem:$0x3FFE];
	_ =	sdelay $0x1  }
0x8a: {  	s1 =	srdreg.scid  }
0x8b: {  	s0 =	sand.u32 $0x1, s1  }
0x8c: {  	s17 =	sshll.u32 s0, $0xA;
	s2 =	sadd.s32 s3, s2  }
0x8d: {  	s2 =	sadd.s32 s2, s17  }
0x8e: {  	[smem:$0x3FBD] =	sst s2  }
0x8f: {  	_ = 	snop  }
0x90: {  	s2 =	sld [smem:$0x3FD0];
	(tm) =	ssettm $0x1  }
0x91: {  	s18 =	sld [smem:$0x3FFB];
	_ =	sdelay $0x3  }
0x92: {  	_ =	strace s18  }
0x93: {  	s3 =	sld [smem:$0x3FFC];
	_ =	sdelay $0x3  }
0x94: {  	_ =	strace s3  }
0x95: {  	s3 =	sld [smem:$0x3FFD];
	_ =	sdelay $0x3  }
0x96: {  	_ =	strace s3  }
0x97: {  	_ =	strace $0x8FFFFFFF  }
0x98: {  	s19 =	sld [smem:$0x3FDB];
	_ =	sdelay $0x1  }
0x99: {  	s4 =	simm.s32 $_scs_section_size  }
0x9a: {  	s5 =	simm.s32 $_size__tile_overlayer_lowered;
	s6 =	simm.s32 $_tile_overlayer_lowered  }
0x9b: {  	s22 =	simm.s32 $0x1BFF;
	s21 =	sshll.u32 s6, $0x1;
	s3 =	sadd.s32 s4, s19  }
0x9c: {  	s7 =	simm.s32 $0x0;
	s20 =	sshll.u32 s5, $0x1;
	s5 =	sadd.s32 s21, s3  }
0x9d: {  	[timem:s7], [sflag:s22] =	dma.local [hbm:s5], s20  }
0x9e: {  	_ =	swait.ge [sflag:s22], s20  }
0x9f: {  	s4 =	ssub.s32 $0x0, s20;
	[sflag:s22] =	ssyncset.done $0x0  }
0xa0: {  	[sflag:s22] =	ssyncadd.s32 s4;
	_ =	sdelay $0x1  }
0xa1: {  	s23 =	simm.s32 $0x1B8B  }
0xa2: {  	_ =	swait.ge [sflag:s23], $0x1  }
0xa3: {  	[sflag:s23] =	ssyncset.done $0x0  }
0xa4: {  	s25 =	simm.s32 $0x1B8E;
	s24 =	sld [smem:$0x3FFE];
	[sflag:s23] =	ssyncadd.s32 $0xFFFFFFFF  }
0xa5: {  	s26 =	simm.s32 $execute0_lowered;
	[smem:$0x3FD2] =	sst s25  }
0xa6: {  	s5 =	sshll.u32 s26, $0x1;
	_ =	strace $0x8000004F;
	[dreg:$0x1] =	wrdreg $0xFFFFFFFF  }
0xa7: {  	s28 =	simm.s32 $_size_execute0_lowered;
	s3 =	sadd.s32 s3, s5;
	[dreg:$0x0] =	wrdreg $0x0  }
0xa8: {  	s5 =	sshll.u32 s28, $0x1;
	[dreg:$0x2] =	wrdreg s3  }
0xa9: {  	[dreg:$0x3] =	wrdreg s5  }
0xaa: {  	[dreg:$0x4] =	wrdreg $0xC0  }
0xab: {  	_ =	task [dreg:s7], $0x5FFFF  }
0xac: {  	[dreg:$0x1] =	wrdreg $0xFFFFFFFF  }
0xad: {  	[dreg:$0x0] =	wrdreg $0x60  }
0xae: {  	[dreg:$0x2] =	wrdreg s24  }
0xaf: {  	[dreg:$0x3] =	wrdreg s2  }
0xb0: {  	[dreg:$0x4] =	wrdreg $0x9  }
0xb1: {  	_ =	task.clear_ibuf [dreg:s7], $0x5FFFF;
	_ =	strace $0x9000004F  }
0xb2: {  	s29 =	simm.s32 $0x9;
	_ =	strace $0x80000051  }
0xb3: {  	_ =	swait.ge [sflag:s29], $0x1  }
0xb4: {  	[sflag:s29] =	ssyncadd.s32 $0xFFFFFFFF  }
0xb5: {  	_ =	strace $0x90000051  }
0xb6: {  	_ =	sfence  }
0xb7: {  	s30 =	sld [smem:$0x0];
	_ =	sdelay $0x2  }
0xb8: {  	s31 =	sshll.u32 s1, $0xD;
	s1 =	sshrl.u32 s1, $0x2  }
0xb9: {  	s3 =	sand.u32 $0x4000, s31;
	s1 =	sadd.s32 s1, s30  }
0xba: {  	s0 =	sor.u32 s3, s0;
	s1 =	sshll.u32 s1, $0x11  }
0xbb: {  	s0 =	sor.u32 s1, s0  }
0xbc: {  	s0 =	sadd.s32 $0x8F2B, s0  }
0xbd: {  	[sflag:s0] =	ssyncadd.remote.s32 $0x1  }
0xbe: {  	_ =	sfence.sel $0xFFFF  }
0xbf: {  	[dreg:$0x0] =	wrdreg $0xFFFFFFFF;
	(pc) =	sbr.abs _section_cstart, $3  }
0xc0: {  	[dreg:$0x1] =	wrdreg $0xFFFFFFFF  }
0xc1: {  	_ =	task.clear_ibuf [dreg:s7], $0x2FFFF;
	_ =	strace $0x9FFFFFFF  }
0xc2: {  	(tm) =	ssettm $0x7FFFFFFF  }
0xc3: {  	_ =	shalt  }
tec
execute0_lowered:
.L_overlay_start_1:
0x0: {  	(tag) =	ssettag $0x1  }
0x1: {  	s4 =	rddreg [dreg:$0x0]  }
0x2: {  	s5 =	rddreg [dreg:$0x1]  }
0x3: {  	s0 =	rddreg [dreg:$0x2]  }
0x4: {  	s2 =	simm.s32 $0x0;
	s3 =	srdreg.scid;
	s1 =	stileid.u32  }
0x5: {  	s14 =	simm.s32 $0x6000;
	s15 =	simm.s32 $0x1;
	s16 =	simm.s32 $0x2  }
0x6: {  	s17 =	simm.s32 $0x80;
	s18 =	simm.s32 $0xA000;
	s19 =	simm.s32 $0xE000  }
0x7: {  	s20 =	simm.s32 $0x3;
	s21 =	simm.s32 $0x4;
	s22 =	simm.s32 $0x0  }
0x8: {  	[smem:$0x7FF] =	sst s2;
	s7 =	sand.u32 $0x1, s3;
	s6 =	sshll.u32 s1, $0x1  }
0x9: {  	s3 =	sadd.s32 $0x3400, s4;
	s11 =	sadd.s32 $0x2F400, s4;
	s13 =	sadd.s32 $0x1BF400, s4  }
0xa: {  	s30 =	smul.u32 $0x19000, s1;
	_ =	strace $0x80000050;
	s6 =	sor.u32 s7, s6  }
0xb: {  	s9 =	ssub.s32 $0x2, s7;
	s31 =	smul.u32 $0xC800, s7;
	s8 =	sshll.u32 s6, $0x9  }
0xc: {  	s6 =	smul.u32 $0x64000, s6;
	s12 =	sshrl.u32 s9, $0x1;
	s10 =	sadd.s32 s8, s4  }
0xd: {  	s9 =	ssub.s32 s9, s12;
	s4 =	sadd.s32 s5, s8;
	s12 =	sadd.s32 s30, s13  }
0xe: {  	s6 =	sshrl.u32 s6, $0x3;
	s5 =	sadd.s32 $0x2B400, s10;
	s8 =	smax.u32 s9, $0x1  }
0xf: {  	s10 =	sadd.s32 s31, s12;
	s12 =	simm.s32 $0x1000;
	s29 =	sadd.s32 $0xC000, s6  }
0x10: {  	s6 =	sadd.s32 s11, s29;
	s7 =	sadd.s32 s13, s29;
	s11 =	sadd.s32 s30, s11  }
0x11: {  	s13 =	simm.s32 $0x2000;
	s9 =	sadd.s32 s31, s11;
	s11 =	simm.s32 $0x5  }
.LBB2_1:
0x12: {  	[tilespmem:s2], [sflag:$0x5] =	stream.linear.gather [hbm4b:s4+s2], $0xC80, $0x38;
	[tilespmem:$0x12000] =	vst v63  }
0x13: {  	_ =	swait.ge [sflag:s11], $0xC80  }
0x14: {  	[sflag:s11] =	ssyncset.done $0x0  }
0x15: {  	[sflag:s11] =	ssyncadd.s32 $0xFFFFF380  }
0x16: {  	[tilespmem:s12], [sflag:$0x5] =	stream.linear.gather [hbm4b:s5+s2], $0xC80, $0x38;
	[tilespmem:$0x12000] =	vst v63  }
0x17: {  	_ =	swait.ge [sflag:s11], $0xC80  }
0x18: {  	[sflag:s11] =	ssyncset.done $0x0  }
0x19: {  	[sflag:s11] =	ssyncadd.s32 $0xFFFFF380  }
0x1a: {  	[tilespmem:s13], [sflag:$0x1] =	stream.indirect.gather [hbm4b:s3+s17], $0x80, s2, s17, $0xb8;
	[tilespmem:$0x12000] =	vst v63  }
0x1b: {  	_ = 	snop  }
0x1c: {  	[tilespmem:s14], [sflag:$0x2] =	stream.indirect.gather [hbm4b:s3+s17], $0x80, s12, s17, $0xb8;
	[tilespmem:$0x12000] =	vst v63  }
0x1d: {  	_ =	swait.ge [sflag:s15], $0x4000  }
0x1e: {  	[sflag:s15] =	ssyncset.done $0x0  }
0x1f: {  	[sflag:s15] =	ssyncadd.s32 $0xFFFFC000  }
0x20: {  	_ =	swait.ge [sflag:s16], $0x4000  }
0x21: {  	[sflag:s16] =	ssyncset.done $0x0  }
0x22: {  	[sflag:s16] =	ssyncadd.s32 $0xFFFFC000  }
0x23: {  	[tilespmem:s18], [sflag:$0x3] =	stream.indirect.gather [hbm4b:s3+s17], $0x80, s17, s17, $0xb8;
	[tilespmem:$0x12000] =	vst v63  }
0x24: {  	s23 =	simm.s32 $0x1080  }
0x25: {  	[tilespmem:s19], [sflag:$0x4] =	stream.indirect.gather [hbm4b:s3+s17], $0x80, s23, s17, $0xb8;
	[tilespmem:$0x12000] =	vst v63  }
0x26: {  	s24 =	sadd.s32 $0x0, s9  }
0x27: {  	[hbm4b:s24+s2] =	stream.linear.scatter [tilespmem:s13], [sflag:$0x5], $0x4000, $0x38;
	[tilespmem:$0x12000] =	vst v63  }
0x28: {  	_ =	swait.ge [sflag:s11], $0x4000  }
0x29: {  	[sflag:s11] =	ssyncset.done $0x0  }
0x2a: {  	s25 =	sadd.s32 $0x0, s10;
	[sflag:s11] =	ssyncadd.s32 $0xFFFFC000  }
0x2b: {  	[hbm4b:s25+s2] =	stream.linear.scatter [tilespmem:s14], [sflag:$0x5], $0x4000, $0x38;
	[tilespmem:$0x12000] =	vst v63  }
0x2c: {  	_ =	swait.ge [sflag:s11], $0x4000  }
0x2d: {  	[sflag:s11] =	ssyncset.done $0x0  }
0x2e: {  	[sflag:s11] =	ssyncadd.s32 $0xFFFFC000  }
0x2f: {  	_ =	swait.ge [sflag:s20], $0x4000  }
0x30: {  	[sflag:s20] =	ssyncset.done $0x0  }
0x31: {  	[sflag:s20] =	ssyncadd.s32 $0xFFFFC000  }
0x32: {  	_ =	swait.ge [sflag:s21], $0x4000  }
0x33: {  	[sflag:s21] =	ssyncset.done $0x0  }
0x34: {  	s26 =	simm.s32 $0x100;
	[sflag:s21] =	ssyncadd.s32 $0xFFFFC000  }
0x35: {  	[tilespmem:s13], [sflag:$0x1] =	stream.indirect.gather [hbm4b:s3+s17], $0x80, s26, s17, $0xb8;
	[tilespmem:$0x12000] =	vst v63  }
0x36: {  	s30 =	simm.s32 $0x1100  }
0x37: {  	[tilespmem:s14], [sflag:$0x2] =	stream.indirect.gather [hbm4b:s3+s17], $0x80, s30, s17, $0xb8;
	[tilespmem:$0x12000] =	vst v63  }
0x38: {  	s24 =	sadd.s32 $0x800, s24  }
0x39: {  	[hbm4b:s24+s2] =	stream.linear.scatter [tilespmem:s18], [sflag:$0x5], $0x4000, $0x38;
	[tilespmem:$0x12000] =	vst v63  }
0x3a: {  	_ =	swait.ge [sflag:s11], $0x4000  }
0x3b: {  	[sflag:s11] =	ssyncset.done $0x0  }
0x3c: {  	s31 =	sadd.s32 $0x800, s25;
	[sflag:s11] =	ssyncadd.s32 $0xFFFFC000  }
0x3d: {  	[hbm4b:s31+s2] =	stream.linear.scatter [tilespmem:s19], [sflag:$0x5], $0x4000, $0x38;
	[tilespmem:$0x12000] =	vst v63  }
0x3e: {  	_ =	swait.ge [sflag:s11], $0x4000  }
0x3f: {  	s25 =	simm.s32 $0x80;
	s24 =	simm.s32 $0x1000;
	[sflag:s11] =	ssyncset.done $0x0  }
.LBB2_2:
0x40: {  	[sflag:s11] =	ssyncadd.s32 $0xFFFFC000  }
0x41: {  	s23 =	sadd.s32 $0x100, s23;
	s25 =	sadd.s32 $0x100, s25;
	s26 =	smov.u32 s24  }
0x42: {  	p0 =	sne.s32 s24, $0xB000;
	s24 =	sadd.s32 $0x1000, s24;
	_ =	swait.ge [sflag:s15], $0x4000  }
0x43: {  	[sflag:s15] =	ssyncset.done $0x0  }
0x44: {  	[sflag:s15] =	ssyncadd.s32 $0xFFFFC000  }
0x45: {  	_ =	swait.ge [sflag:s16], $0x4000  }
0x46: {  	[sflag:s16] =	ssyncset.done $0x0  }
0x47: {  	[sflag:s16] =	ssyncadd.s32 $0xFFFFC000  }
0x48: {  	[tilespmem:s18], [sflag:$0x3] =	stream.indirect.gather [hbm4b:s3+s17], $0x80, s25, s17, $0xb8;
	[tilespmem:$0x12000] =	vst v63  }
0x49: {  	_ = 	snop  }
0x4a: {  	[tilespmem:s19], [sflag:$0x4] =	stream.indirect.gather [hbm4b:s3+s17], $0x80, s23, s17, $0xb8;
	[tilespmem:$0x12000] =	vst v63  }
0x4b: {  	s28 =	sadd.s32 s26, s9  }
0x4c: {  	[hbm4b:s28+s2] =	stream.linear.scatter [tilespmem:s13], [sflag:$0x5], $0x4000, $0x38;
	[tilespmem:$0x12000] =	vst v63  }
0x4d: {  	_ =	swait.ge [sflag:s11], $0x4000  }
0x4e: {  	[sflag:s11] =	ssyncset.done $0x0  }
0x4f: {  	s26 =	sadd.s32 s26, s10;
	[sflag:s11] =	ssyncadd.s32 $0xFFFFC000  }
0x50: {  	[hbm4b:s26+s2] =	stream.linear.scatter [tilespmem:s14], [sflag:$0x5], $0x4000, $0x38;
	[tilespmem:$0x12000] =	vst v63  }
0x51: {  	_ =	swait.ge [sflag:s11], $0x4000  }
0x52: {  	[sflag:s11] =	ssyncset.done $0x0  }
0x53: {  	[sflag:s11] =	ssyncadd.s32 $0xFFFFC000  }
0x54: {  	_ =	swait.ge [sflag:s20], $0x4000  }
0x55: {  	[sflag:s20] =	ssyncset.done $0x0  }
0x56: {  	[sflag:s20] =	ssyncadd.s32 $0xFFFFC000  }
0x57: {  	_ =	swait.ge [sflag:s21], $0x4000  }
0x58: {  	[sflag:s21] =	ssyncset.done $0x0  }
0x59: {  	s29 =	sadd.s32 $0x80, s25;
	[sflag:s21] =	ssyncadd.s32 $0xFFFFC000  }
0x5a: {  	[tilespmem:s13], [sflag:$0x1] =	stream.indirect.gather [hbm4b:s3+s17], $0x80, s29, s17, $0xb8;
	[tilespmem:$0x12000] =	vst v63  }
0x5b: {  	s29 =	sadd.s32 $0x80, s23  }
0x5c: {  	[tilespmem:s14], [sflag:$0x2] =	stream.indirect.gather [hbm4b:s3+s17], $0x80, s29, s17, $0xb8;
	[tilespmem:$0x12000] =	vst v63  }
0x5d: {  	s28 =	sadd.s32 $0x800, s28  }
0x5e: {  	[hbm4b:s28+s2] =	stream.linear.scatter [tilespmem:s18], [sflag:$0x5], $0x4000, $0x38;
	[tilespmem:$0x12000] =	vst v63  }
0x5f: {  	_ =	swait.ge [sflag:s11], $0x4000  }
.Ltmp0:
0x60: {  	[sflag:s11] =	ssyncset.done $0x0;
	(pc) =	sbr.rel @p0 .LBB2_2-.Ltmp0, $4  }
0x61: {  	s26 =	sadd.s32 $0x800, s26;
	[sflag:s11] =	ssyncadd.s32 $0xFFFFC000  }
0x62: {  	[hbm4b:s26+s2] =	stream.linear.scatter [tilespmem:s19], [sflag:$0x5], $0x4000, $0x38;
	[tilespmem:$0x12000] =	vst v63  }
0x63: {  	_ =	swait.ge [sflag:s11], $0x4000  }
0x64: {  	[sflag:s11] =	ssyncset.done $0x0  }
0x65: {  	[sflag:s11] =	ssyncadd.s32 $0xFFFFC000  }
0x66: {  	_ =	swait.ge [sflag:s15], $0x4000  }
0x67: {  	[sflag:s15] =	ssyncset.done $0x0  }
0x68: {  	[sflag:s15] =	ssyncadd.s32 $0xFFFFC000  }
0x69: {  	_ =	swait.ge [sflag:s16], $0x4000  }
0x6a: {  	[sflag:s16] =	ssyncset.done $0x0  }
0x6b: {  	[sflag:s16] =	ssyncadd.s32 $0xFFFFC000  }
0x6c: {  	[hbm4b:s6+s2] =	stream.linear.scatter [tilespmem:s13], [sflag:$0x5], $0x4000, $0x38;
	[tilespmem:$0x12000] =	vst v63  }
0x6d: {  	s22 =	sadd.s32 $0x1, s22;
	_ =	swait.ge [sflag:s11], $0x4000  }
0x6e: {  	p0 =	sne.s32 s22, s8;
	[sflag:s11] =	ssyncset.done $0x0  }
.Ltmp1:
0x6f: {  	[sflag:s11] =	ssyncadd.s32 $0xFFFFC000;
	(pc) =	sbr.rel @p0 .LBB2_1-.Ltmp1, $4  }
0x70: {  	[hbm4b:s7+s2] =	stream.linear.scatter [tilespmem:s14], [sflag:$0x5], $0x4000, $0x38;
	[tilespmem:$0x12000] =	vst v63  }
0x71: {  	_ =	swait.ge [sflag:s11], $0x4000  }
0x72: {  	[sflag:s11] =	ssyncset.done $0x0  }
0x73: {  	[sflag:s11] =	ssyncadd.s32 $0xFFFFC000  }
0x74: {  	_ =	sfence.sel $0x180000  }
0x75: {  	[bflag:$0x0] =	sbarrier.arrive $0xFFFF  }
0x76: {  	p0 =	sne.s32 s1, $0x0;
	_ =	strace $0x90000050  }
0x77: {  	s0 =	sadd.s32 @!p0 $0x100000, s0;
	[bflag:$0x2] =	sbarrier.arrive $0xFFFF  }
0x78: {  	[sflag:s0] =	ssyncadd.tile.s32 @!p0 $0x1;
	_ =	shalt  }
.Lfunc_end2:
_tile_overlayer_lowered:
.L_overlay_start_2:
0x79: {  	(tag) =	ssettag $0x2  }
0x7a: {  	s0 =	rddreg [dreg:$0x0];
	s2 =	stileid.u32  }
0x7b: {  	s1 =	rddreg [dreg:$0x1];
	p0 =	sne.s32 s2, $0x0  }
0x7c: {  	s3 =	rddreg [dreg:$0x2];
	[bflag:$0x3] =	sbarrier.arrive $0xFFFF;
	s2 =	simm.s32 @!p0 $0x1C05  }
0x7d: {  	[timem:s3], [sflag:s2] =	dma.local @!p0 [hbm:s0], s1  }
0x7e: {  	s0 =	simm.s32 @!p0 $0x5  }
0x7f: {  	_ =	swait.ge @!p0 [sflag:s0], s1  }
0x80: {  	s1 =	ssub.s32 @!p0 $0x0, s1;
	[sflag:s0] =	ssyncset.done @!p0 $0x0  }
0x81: {  	[sflag:s0] =	ssyncadd.s32 @!p0 s1  }
0x82: {  	[bflag:$0x3] =	sbarrier.arrive $0xFFFF  }
0x83: {  	_ =	shalt  }

</sc_bundles>
